<compile_context>
chip_gen: v7x
topology: tpu7x:2x2x1
jax: 0.10.2.dev20260603
libtpu: 0.0.44.dev20260713+nightly
codegen_flags: <defaults>
</compile_context>

<pallas_src>
import functools

import jax
import jax.numpy as jnp
from jax import lax
from jax.experimental import pallas as pl
from jax.experimental.pallas import tpu as pltpu
from jax.experimental.pallas import tpu_sc as plsc

_N_TX = 50000
_N_M = 10000
_E = 800000
_F_IN = 128
_H = 64

_NC = 2
_NS = 16
_K = 1000

_TX_HALF = _N_TX // _NC
_TX_ACC_ROWS = 25088



def _fill_rows(buf, n_rows, n_colchunks, value):
    v = jnp.full((16,), value, jnp.float32)

    def body(i, _):
        for j in range(n_colchunks):
            buf[i, pl.ds(j * 16, 16)] = v
        return 0

    lax.fori_loop(0, n_rows, body, 0)


_CNT_TX_ROWS = 782
_CNT_M_ROWS = 157
_NW = _NC * _NS


def _counts_body(dst_tm_ref, dst_mt_ref, outm_ref, outtx_ref, idx, hm, htx):
    c = lax.axis_index("c")
    s = lax.axis_index("s")
    z16 = jnp.zeros((16,), jnp.float32)

    def zm(i, _):
        hm[pl.ds(i * 16, 16)] = z16
        return 0

    lax.fori_loop(0, _CNT_M_ROWS * 4, zm, 0)

    def ztx(i, _):
        htx[pl.ds(i * 16, 16)] = z16
        return 0

    lax.fori_loop(0, _CNT_TX_ROWS * 4, ztx, 0)

    w = c * _NS + s
    ebase = w * (_E // _NW)
    n_chunks = _E // _NW // _K
    ones16 = jnp.ones((16,), jnp.float32)
    tailmask = lax.iota(jnp.int32, 16) >= 8

    def scan(dst_ref, hist):
        def chunk(g, _):
            pltpu.sync_copy(dst_ref.at[pl.ds(ebase + g * _K, _K)], idx)

            def vec(j, _):
                d = idx[pl.ds(j * 16, 16)]
                plsc.addupdate_scatter(hist, [d], ones16)
                return 0

            lax.fori_loop(0, _K // 16 - 1, vec, 0)
            d = idx[pl.ds(_K - 16, 16)]
            plsc.addupdate_scatter(hist, [d], ones16, mask=tailmask)
            return 0

        lax.fori_loop(0, n_chunks, chunk, 0)

    scan(dst_tm_ref, hm)
    scan(dst_mt_ref, htx)

    pltpu.sync_copy(hm, outm_ref.at[pl.ds(w * (_CNT_M_ROWS * 64),
                                          _CNT_M_ROWS * 64)])
    pltpu.sync_copy(htx, outtx_ref.at[pl.ds(w * (_CNT_TX_ROWS * 64),
                                            _CNT_TX_ROWS * 64)])


def _sc_counts(dst_tm, dst_mt):
    return pl.kernel(
        _counts_body,
        out_type=(jax.ShapeDtypeStruct((_NW * _CNT_M_ROWS * 64,),
                                       jnp.float32),
                  jax.ShapeDtypeStruct((_NW * _CNT_TX_ROWS * 64,),
                                       jnp.float32)),
        mesh=plsc.VectorSubcoreMesh(core_axis_name="c", subcore_axis_name="s"),
        scratch_types=[
            pltpu.VMEM((_K,), jnp.int32),
            pltpu.VMEM((_CNT_M_ROWS * 64,), jnp.float32),
            pltpu.VMEM((_CNT_TX_ROWS * 64,), jnp.float32),
        ],
        compiler_params=pltpu.CompilerParams(needs_layout_passes=False),
    )(dst_tm, dst_mt)


def _make_agg_body(span, acc_rows, part, zero_tiles, zero_rows,
                   out_tiles, out_rows):
    trash_base = acc_rows - 16

    def body(h_ref, src_ref, dst_ref, out_ref,
             isrc, draw, dmap, rows, acc, sem):
        c = lax.axis_index("c")
        s = lax.axis_index("s")

        _fill_rows(rows, _K, _H // 16, 0.0)

        @pl.when(s < zero_tiles)
        def _():
            off = 0
            while off < zero_rows:
                sz = min(_K, zero_rows - off)
                pltpu.sync_copy(rows.at[pl.ds(0, sz)],
                                acc.at[pl.ds(s * zero_rows + off, sz)])
                off += sz

        plsc.subcore_barrier()

        ebase = s * (_E // _NS)
        n_chunks = _E // _NS // _K
        dbase = (2 * part + c) * span

        def chunk(g, _):
            pltpu.sync_copy(src_ref.at[pl.ds(ebase + g * _K, _K)], isrc)
            pltpu.sync_copy(dst_ref.at[pl.ds(ebase + g * _K, _K)], draw)
            gather = pltpu.async_copy(h_ref.at[isrc], rows, sem)

            def remap(j, _):
                o = jnp.minimum(j * 16, _K - 16)
                d = draw[pl.ds(o, 16)]
                local = d - dbase
                oob = (local < 0) | (local >= span)
                trash = trash_base + lax.iota(jnp.int32, 16)
                dmap[pl.ds(o, 16)] = jnp.where(oob, trash, local)
                return 0

            lax.fori_loop(0, _K // 16 + 1, remap, 0)
            gather.wait()
            pltpu.sync_copy(rows, acc.at[dmap], add=True)
            return 0

        lax.fori_loop(0, n_chunks, chunk, 0)
        plsc.subcore_barrier()

        @pl.when(s < out_tiles)
        def _():
            pltpu.sync_copy(
                acc.at[pl.ds(s * out_rows, out_rows)],
                out_ref.at[pl.ds(c * span + s * out_rows, out_rows)])

    return body


_AGG_M_BODY = _make_agg_body(5000, 5120, 0, 16, 320, 5, 1000)
_TX_SPAN = 12544
_AGG_TX_BODIES = tuple(
    _make_agg_body(_TX_SPAN, 12608, p, 8, 1576, 8, 1568) for p in range(2))


def _sc_agg(body, acc_rows, n_out, h_src, src_idx, dst_idx):
    return pl.kernel(
        body,
        out_type=jax.ShapeDtypeStruct((n_out, _H), jnp.float32),
        mesh=plsc.VectorSubcoreMesh(core_axis_name="c", subcore_axis_name="s"),
        scratch_types=[
            pltpu.VMEM((_K,), jnp.int32),
            pltpu.VMEM((_K,), jnp.int32),
            pltpu.VMEM((_K,), jnp.int32),
            pltpu.VMEM((_K, _H), jnp.float32),
            pltpu.VMEM_SHARED((acc_rows, _H), jnp.float32),
            pltpu.SemaphoreType.DMA,
        ],
        compiler_params=pltpu.CompilerParams(use_tc_tiling_on_sc=False),
    )(h_src, src_idx, dst_idx)


def _sc_agg_m(h_src, src_idx, dst_idx):
    return _sc_agg(_AGG_M_BODY, 5120, _N_M, h_src, src_idx, dst_idx)


def _sc_agg_tx(h_src, src_idx, dst_idx):
    a0 = _sc_agg(_AGG_TX_BODIES[0], 12608, 2 * _TX_SPAN,
                 h_src, src_idx, dst_idx)
    a1 = _sc_agg(_AGG_TX_BODIES[1], 12608, 2 * _TX_SPAN,
                 h_src, src_idx, dst_idx)
    return jnp.concatenate([a0, a1], axis=0)



def _tc_proj(x, w, b8):
    def body(x_ref, w_ref, b_ref, o_ref):
        o_ref[...] = (jnp.dot(x_ref[...], w_ref[...],
                              preferred_element_type=jnp.float32)
                      + b_ref[0:1, :])

    return pl.pallas_call(
        body,
        grid=(25,),
        in_specs=[pl.BlockSpec((2000, _F_IN), lambda i: (i, 0)),
                  pl.BlockSpec((_F_IN, _H), lambda i: (0, 0)),
                  pl.BlockSpec((8, _H), lambda i: (0, 0))],
        out_specs=pl.BlockSpec((2000, _H), lambda i: (i, 0)),
        out_shape=jax.ShapeDtypeStruct((_N_TX, _H), jnp.float32),
    )(x, w, b8)


def _tc_cnt_recip(cm, ctx):

    def body(cm_ref, ctx_ref, rm_ref, rtx_ref):
        rm = 1.0 / jnp.maximum(jnp.sum(cm_ref[...], axis=0), 1.0)
        rtx = 1.0 / jnp.maximum(jnp.sum(ctx_ref[...], axis=0), 1.0)
        rm_ref[...] = jnp.broadcast_to(rm[None, :], (8, rm.shape[0]))
        rtx_ref[...] = jnp.broadcast_to(rtx[None, :], (8, rtx.shape[0]))

    nm = _CNT_M_ROWS * 64
    ntx = _CNT_TX_ROWS * 64
    return pl.pallas_call(
        body,
        in_specs=[pl.BlockSpec((_NW, nm), lambda: (0, 0)),
                  pl.BlockSpec((_NW, ntx), lambda: (0, 0))],
        out_specs=[pl.BlockSpec((8, nm), lambda: (0, 0)),
                   pl.BlockSpec((8, ntx), lambda: (0, 0))],
        out_shape=[jax.ShapeDtypeStruct((8, nm), jnp.float32),
                   jax.ShapeDtypeStruct((8, ntx), jnp.float32)],
    )(cm, ctx)


def _combine_body(a_ref, r_ref, h_ref, wl_ref, wr_ref, b_ref, o_ref):
    mean = a_ref[...] * r_ref[...]
    o_ref[...] = jax.nn.relu(
        jnp.dot(mean, wl_ref[...], preferred_element_type=jnp.float32)
        + b_ref[0:1, :]
        + jnp.dot(h_ref[...], wr_ref[...],
                  preferred_element_type=jnp.float32))


def _tc_combine(agg, recip, h, wl, wr, b8, n, blk):
    row = lambda i: (i, 0)
    fixed = lambda i: (0, 0)
    return pl.pallas_call(
        _combine_body,
        grid=(n // blk,),
        in_specs=[pl.BlockSpec((blk, _H), row),
                  pl.BlockSpec((blk, 1), row),
                  pl.BlockSpec((blk, _H), row),
                  pl.BlockSpec((_H, _H), fixed),
                  pl.BlockSpec((_H, _H), fixed),
                  pl.BlockSpec((8, _H), fixed)],
        out_specs=pl.BlockSpec((blk, _H), row),
        out_shape=jax.ShapeDtypeStruct((n, _H), jnp.float32),
    )(agg, recip, h, wl, wr, b8)


def _tc_heads(h, w1, b18, w2, b28):
    def body(h_ref, w1_ref, b1_ref, w2_ref, b2_ref, o_ref):
        t = jax.nn.relu(jnp.dot(h_ref[...], w1_ref[...],
                                preferred_element_type=jnp.float32)
                        + b1_ref[0:1, :])
        o_ref[...] = (jnp.dot(t, w2_ref[...],
                              preferred_element_type=jnp.float32)
                      + b2_ref[0:1, :])

    blk = 2000
    row = lambda i: (i, 0)
    fixed = lambda i: (0, 0)
    return pl.pallas_call(
        body,
        grid=(_N_TX // blk,),
        in_specs=[pl.BlockSpec((blk, _H), row),
                  pl.BlockSpec((_H, _H), fixed),
                  pl.BlockSpec((8, _H), fixed),
                  pl.BlockSpec((_H, 8), fixed),
                  pl.BlockSpec((8, 8), fixed)],
        out_specs=pl.BlockSpec((blk, 8), row),
        out_shape=jax.ShapeDtypeStruct((_N_TX, 8), jnp.float32),
    )(h, w1, b18, w2, b28)



def _b8(b):
    return jnp.broadcast_to(b[None, :], (8, b.shape[0]))


def kernel(x_transaction, x_merchant, edge_index_tm, edge_index_mt, W_in,
           b_in, Wl_tm_0, bl_tm_0, Wr_tm_0, Wl_mt_0, bl_mt_0, Wr_mt_0,
           Wl_tm_1, bl_tm_1, Wr_tm_1, Wl_mt_1, bl_mt_1, Wr_mt_1, Wc1, bc1,
           Wc2, bc2, Wv1, bv1, Wv2, bv2):
    src_tm = edge_index_tm[0]
    dst_tm = edge_index_tm[1]
    src_mt = edge_index_mt[0]
    dst_mt = edge_index_mt[1]

    cnt_m_p, cnt_tx_p = _sc_counts(dst_tm, dst_mt)
    rm8, rtx8 = _tc_cnt_recip(cnt_m_p.reshape(_NW, -1),
                              cnt_tx_p.reshape(_NW, -1))
    recip_m = rm8[0, :_N_M, None]
    recip_tx = rtx8[0, :_N_TX, None]

    h_tx = _tc_proj(x_transaction, W_in, _b8(b_in))
    h_m = x_merchant

    layer_params = (
        ((Wl_tm_0, bl_tm_0, Wr_tm_0), (Wl_mt_0, bl_mt_0, Wr_mt_0)),
        ((Wl_tm_1, bl_tm_1, Wr_tm_1), (Wl_mt_1, bl_mt_1, Wr_mt_1)),
    )
    for p_tm, p_mt in layer_params:
        agg_m = _sc_agg_m(h_tx, src_tm, dst_tm)
        agg_tx = _sc_agg_tx(h_m, src_mt, dst_mt)
        new_m = _tc_combine(agg_m, recip_m, h_m, p_tm[0], p_tm[2],
                            _b8(p_tm[1]), _N_M, 1000)
        new_tx = _tc_combine(agg_tx, recip_tx, h_tx, p_mt[0], p_mt[2],
                             _b8(p_mt[1]), _N_TX, 2000)
        h_m = new_m
        h_tx = new_tx

    w1 = jnp.concatenate([Wc1, Wv1], axis=1)
    b1 = jnp.concatenate([bc1, bv1])
    zcol = jnp.zeros((_H // 2, 1), jnp.float32)
    w2 = jnp.concatenate([
        jnp.concatenate([Wc2, zcol], axis=0),
        jnp.concatenate([zcol, Wv2], axis=0),
        jnp.zeros((_H, 6), jnp.float32),
    ], axis=1)
    b2 = jnp.concatenate([bc2, bv2, jnp.zeros((6,), jnp.float32)])

    out = _tc_heads(h_tx, w1, _b8(b1), w2, _b8(b2))
    return out[:, 0], out[:, 1]

# --- scband reference (transcript-rebuilt; emitter-appended) ---
"""Pipeline reference for scband-simplified-thgfd-76312978915563 (READ-ONLY COPY).

The authoritative reference and input builder live on the scoring server;
editing this copy changes nothing except your own understanding.
"""

import jax, jax.numpy as jnp
import numpy as np

N_TX = 50000
N_M = 10000
E = 800000
F_IN = 128
H = 64

def _lin_init(key, fan_in, fan_out):
    bound = 1.0 / np.sqrt(fan_in)
    k1, k2 = jax.random.split(key)
    W = jax.random.uniform(k1, (fan_in, fan_out), minval=-bound, maxval=bound, dtype=jnp.float32)
    b = jax.random.uniform(k2, (fan_out,), minval=-bound, maxval=bound, dtype=jnp.float32)
    return W, b

def setup_inputs(seed: int = 0):
    key = jax.random.key(seed)
    ks = jax.random.split(key, 32)
    inp = {}
    inp['x_transaction'] = jax.random.normal(ks[0], (N_TX, F_IN), dtype=jnp.float32)
    inp['x_merchant'] = jax.random.normal(ks[1], (N_M, H), dtype=jnp.float32)
    inp['edge_index_tm'] = jnp.stack([jax.random.randint(ks[2], (E,), 0, N_TX), jax.random.randint(ks[3], (E,), 0, N_M)])
    inp['edge_index_mt'] = jnp.stack([jax.random.randint(ks[4], (E,), 0, N_M), jax.random.randint(ks[5], (E,), 0, N_TX)])
    inp['W_in'], inp['b_in'] = _lin_init(ks[6], F_IN, H)
    i = 7
    for l in range(2):
        for et in ['tm', 'mt']:
            Wl, bl = _lin_init(ks[i], H, H); i += 1
            Wr, _ = _lin_init(ks[i], H, H); i += 1
            inp['Wl_%s_%d' % (et, l)] = Wl
            inp['bl_%s_%d' % (et, l)] = bl
            inp['Wr_%s_%d' % (et, l)] = Wr
    inp['Wc1'], inp['bc1'] = _lin_init(ks[i], H, H // 2); i += 1
    inp['Wc2'], inp['bc2'] = _lin_init(ks[i], H // 2, 1); i += 1
    inp['Wv1'], inp['bv1'] = _lin_init(ks[i], H, H // 2); i += 1
    inp['Wv2'], inp['bv2'] = _lin_init(ks[i], H // 2, 1); i += 1
    return inp

def _sage(x_src, x_dst, src, dst, n_dst, Wl, bl, Wr):
    # PyG SAGEConv (mean aggr): lin_l(mean_{j->i} x_j) + lin_r(x_i)
    msg = jnp.take(x_src, src, axis=0)
    agg = jax.ops.segment_sum(msg, dst, num_segments=n_dst)
    cnt = jax.ops.segment_sum(jnp.ones((src.shape[0],), jnp.float32), dst, num_segments=n_dst)
    mean = agg / jnp.maximum(cnt, 1.0)[:, None]
    return mean @ Wl + bl + x_dst @ Wr

def reference(x_transaction, x_merchant, edge_index_tm, edge_index_mt, W_in, b_in, Wl_tm_0, bl_tm_0, Wr_tm_0, Wl_mt_0, bl_mt_0, Wr_mt_0, Wl_tm_1, bl_tm_1, Wr_tm_1, Wl_mt_1, bl_mt_1, Wr_mt_1, Wc1, bc1, Wc2, bc2, Wv1, bv1, Wv2, bv2):
    # input projection for transaction nodes; merchant features already hidden_dim so kept as-is
    h_tx = x_transaction @ W_in + b_in
    h_m = x_merchant
    layer_params = [((Wl_tm_0, bl_tm_0, Wr_tm_0), (Wl_mt_0, bl_mt_0, Wr_mt_0)), ((Wl_tm_1, bl_tm_1, Wr_tm_1), (Wl_mt_1, bl_mt_1, Wr_mt_1))]
    for (p_tm, p_mt) in layer_params:
        # HeteroConv aggr='mean': each dst type receives exactly one edge type here, so mean is identity
        out_m = _sage(h_tx, h_m, edge_index_tm[0], edge_index_tm[1], N_M, p_tm[0], p_tm[1], p_tm[2])
        out_tx = _sage(h_m, h_tx, edge_index_mt[0], edge_index_mt[1], N_TX, p_mt[0], p_mt[1], p_mt[2])
        # dropout is identity in eval mode
        h_tx = jax.nn.relu(out_tx)
        h_m = jax.nn.relu(out_m)
    fraud_logits = (jax.nn.relu(h_tx @ Wc1 + bc1) @ Wc2 + bc2).squeeze(-1)
    revenue_pred = (jax.nn.relu(h_tx @ Wv1 + bv1) @ Wv2 + bv2).squeeze(-1)
    return (fraud_logits, revenue_pred)

if __name__ == "__main__":
    import jax
    _d = setup_inputs()
    print(jax.jit(kernel)(*tuple(_d.values())))

</pallas_src>

<mosaic_0001>
#map = affine_map<(d0, d1) -> (0, 0)>
#map1 = affine_map<(d0, d1) -> (0)>
module attributes {stable_mosaic.version = 14 : i64} {
  func.func @body(%arg0: i32, %arg1: i32, %arg2: memref<10000x64xf32, #tpu.memory_space<hbm>>, %arg3: memref<800000xi32, #tpu.memory_space<hbm>>, %arg4: memref<800000xi32, #tpu.memory_space<hbm>>, %arg5: memref<25088x64xf32, #tpu.memory_space<hbm>>, %arg6: memref<1000xi32, #tpu.memory_space<vmem>>, %arg7: memref<1000xi32, #tpu.memory_space<vmem>>, %arg8: memref<1000xi32, #tpu.memory_space<vmem>>, %arg9: memref<1000x64xf32, #tpu.memory_space<vmem>>, %arg10: memref<12608x64xf32, #tpu.memory_space<vmem_shared>>, %arg11: memref<!tpu.dma_semaphore, #tpu.memory_space<semaphore_mem>>) attributes {dimension_semantics = [#tpu.dimension_semantics<core_parallel>, #tpu.dimension_semantics<subcore_parallel>], iteration_bounds = array<i64: 2, 16>, scalar_prefetch = 0 : i64, scratch_operands = 6 : i64, tpu.core_type = #tpu.core_type<sc_vector_subcore>, window_params = [{transform_indices = #map}, {transform_indices = #map1}, {transform_indices = #map1}, {transform_indices = #map}]} {
    %broadcast_in_dim3A = arith.constant 0.000000e+00 : f32
    %broadcast_in_dim3A_0 = vector.broadcast %broadcast_in_dim3A : f32 to vector<16xf32>
    %scan3A = arith.constant 0 : i32
    %scan3A_1 = arith.constant 0 : i32
    %scan3A_2 = arith.constant 1000 : i32
    %scan3A_3 = arith.addi %scan3A_1, %scan3A_2 : i32
    %scan3A_4 = arith.constant 1 : i32
    %scan3A_5 = scf.for %scan3A_26 = %scan3A_1 to %scan3A_3 step %scan3A_4 iter_args(%scan3A_27 = %scan3A) -> (i32)  : i32 {
      %swap3A = arith.index_cast %scan3A_26 : i32 to index
      %swap3A_28 = arith.constant 0 : index
      %swap3A_29 = tpu.vector_load %arg9[%swap3A, %swap3A_28] {strides = array<i32>} : memref<1000x64xf32, #tpu.memory_space<vmem>>, vector<1x16xf32>,
      %swap3A_30 = vector.shape_cast %swap3A_29 : vector<1x16xf32> to vector<16xf32>
      %swap3A_31 = vector.shape_cast %broadcast_in_dim3A_0 : vector<16xf32> to vector<1x16xf32>
      tpu.vector_store %arg9[%swap3A, %swap3A_28], %swap3A_31 {strides = array<i32>} : memref<1000x64xf32, #tpu.memory_space<vmem>>, vector<1x16xf32>,
      %swap3A_32 = arith.index_cast %scan3A_26 : i32 to index
      %swap3A_33 = arith.constant 16 : index
      %swap3A_34 = tpu.vector_load %arg9[%swap3A_32, %swap3A_33] {strides = array<i32>} : memref<1000x64xf32, #tpu.memory_space<vmem>>, vector<1x16xf32>,
      %swap3A_35 = vector.shape_cast %swap3A_34 : vector<1x16xf32> to vector<16xf32>
      %swap3A_36 = vector.shape_cast %broadcast_in_dim3A_0 : vector<16xf32> to vector<1x16xf32>
      tpu.vector_store %arg9[%swap3A_32, %swap3A_33], %swap3A_36 {strides = array<i32>} : memref<1000x64xf32, #tpu.memory_space<vmem>>, vector<1x16xf32>,
      %swap3A_37 = arith.index_cast %scan3A_26 : i32 to index
      %swap3A_38 = arith.constant 32 : index
      %swap3A_39 = tpu.vector_load %arg9[%swap3A_37, %swap3A_38] {strides = array<i32>} : memref<1000x64xf32, #tpu.memory_space<vmem>>, vector<1x16xf32>,
      %swap3A_40 = vector.shape_cast %swap3A_39 : vector<1x16xf32> to vector<16xf32>
      %swap3A_41 = vector.shape_cast %broadcast_in_dim3A_0 : vector<16xf32> to vector<1x16xf32>
      tpu.vector_store %arg9[%swap3A_37, %swap3A_38], %swap3A_41 {strides = array<i32>} : memref<1000x64xf32, #tpu.memory_space<vmem>>, vector<1x16xf32>,
      %swap3A_42 = arith.index_cast %scan3A_26 : i32 to index
      %swap3A_43 = arith.constant 48 : index
      %swap3A_44 = tpu.vector_load %arg9[%swap3A_42, %swap3A_43] {strides = array<i32>} : memref<1000x64xf32, #tpu.memory_space<vmem>>, vector<1x16xf32>,
      %swap3A_45 = vector.shape_cast %swap3A_44 : vector<1x16xf32> to vector<16xf32>
      %swap3A_46 = vector.shape_cast %broadcast_in_dim3A_0 : vector<16xf32> to vector<1x16xf32>
      tpu.vector_store %arg9[%swap3A_42, %swap3A_43], %swap3A_46 {strides = array<i32>} : memref<1000x64xf32, #tpu.memory_space<vmem>>, vector<1x16xf32>,
      %scan3A_47 = arith.constant 0 : i32
      scf.yield %scan3A_47 : i32
    }
    %scan3A_6 = arith.constant 1000 : i32
    %lt3A = arith.constant 8 : i32
    %lt3A_7 = arith.cmpi slt, %arg1, %lt3A : i32
    %convert_element_type3A = arith.extui %lt3A_7 : i1 to i32
    %cond3A = arith.constant 0 : i32
    %cond3A_8 = arith.cmpi ne, %convert_element_type3A, %cond3A : i32
    scf.if %cond3A_8 {
      %mul3A_26 = arith.constant 1576 : i32
      %mul3A_27 = arith.muli %arg1, %mul3A_26 : i32
      %add3A_28 = arith.constant 0 : i32
      %add3A_29 = arith.addi %mul3A_27, %add3A_28 : i32
      "tpu.region"() ({
        %run_scoped3A = tpu.sem_alloc : memref<!tpu.dma_semaphore, #tpu.memory_space<semaphore_mem>>
        %dma_start3A = arith.constant 0 : i32
        %dma_start3A_34 = arith.constant 0 : i32
        %dma_start3A_35 = tpu.memref_slice %arg9[%dma_start3A, %dma_start3A_34] : memref<1000x64xf32, #tpu.memory_space<vmem>> -> memref<1000x64xf32, #tpu.memory_space<vmem>>
        %dma_start3A_36 = arith.constant 0 : i32
        %dma_start3A_37 = tpu.memref_slice %arg10[%add3A_29, %dma_start3A_36] : memref<12608x64xf32, #tpu.memory_space<vmem_shared>> -> memref<1000x64xf32, #tpu.memory_space<vmem_shared>>
        %dma_start3A_38 = arith.constant 0 : i32
        %dma_start3A_39 = tpu.memref_slice %arg10[%add3A_29, %dma_start3A_38] : memref<12608x64xf32, #tpu.memory_space<vmem_shared>> -> memref<1000x64xf32, #tpu.memory_space<vmem_shared>>
        %dma_start3A_40 = arith.constant 0 : i32
        %dma_start3A_41 = arith.constant 0 : i32
        %dma_start3A_42 = tpu.memref_slice %arg9[%dma_start3A_40, %dma_start3A_41] : memref<1000x64xf32, #tpu.memory_space<vmem>> -> memref<1000x64xf32, #tpu.memory_space<vmem>>
        tpu.enqueue_dma source(%dma_start3A_42 : memref<1000x64xf32, #tpu.memory_space<vmem>>) target(%dma_start3A_39 : memref<1000x64xf32, #tpu.memory_space<vmem_shared>>) target_semaphore(%run_scoped3A : memref<!tpu.dma_semaphore, #tpu.memory_space<semaphore_mem>>)
        %dma_wait3A = arith.constant 0 : i32
        %dma_wait3A_43 = arith.constant 0 : i32
        %dma_wait3A_44 = tpu.memref_slice %arg9[%dma_wait3A, %dma_wait3A_43] : memref<1000x64xf32, #tpu.memory_space<vmem>> -> memref<1000x64xf32, #tpu.memory_space<vmem>>
        %dma_wait3A_45 = arith.constant 0 : i32
        %dma_wait3A_46 = tpu.memref_slice %arg10[%add3A_29, %dma_wait3A_45] : memref<12608x64xf32, #tpu.memory_space<vmem_shared>> -> memref<1000x64xf32, #tpu.memory_space<vmem_shared>>
        %dma_wait3A_47 = arith.constant 0 : i32
        %dma_wait3A_48 = tpu.memref_slice %arg10[%add3A_29, %dma_wait3A_47] : memref<12608x64xf32, #tpu.memory_space<vmem_shared>> -> memref<1000x64xf32, #tpu.memory_space<vmem_shared>>
        %dma_wait3A_49 = arith.constant 0 : i32
        %dma_wait3A_50 = arith.constant 0 : i32
        %dma_wait3A_51 = tpu.memref_slice %arg9[%dma_wait3A_49, %dma_wait3A_50] : memref<1000x64xf32, #tpu.memory_space<vmem>> -> memref<1000x64xf32, #tpu.memory_space<vmem>>
        tpu.wait_dma2 semaphore(%run_scoped3A : memref<!tpu.dma_semaphore, #tpu.memory_space<semaphore_mem>>) src(%dma_wait3A_51 : memref<1000x64xf32, #tpu.memory_space<vmem>>) dst(%dma_wait3A_48 : memref<1000x64xf32, #tpu.memory_space<vmem_shared>>)
        tpu.yield
      }) : () -> ()
      %mul3A_30 = arith.constant 1576 : i32
      %mul3A_31 = arith.muli %arg1, %mul3A_30 : i32
      %add3A_32 = arith.constant 1000 : i32
      %add3A_33 = arith.addi %mul3A_31, %add3A_32 : i32
      "tpu.region"() ({
        %run_scoped3A = tpu.sem_alloc : memref<!tpu.dma_semaphore, #tpu.memory_space<semaphore_mem>>
        %dma_start3A = arith.constant 0 : i32
        %dma_start3A_34 = arith.constant 0 : i32
        %dma_start3A_35 = tpu.memref_slice %arg9[%dma_start3A, %dma_start3A_34] : memref<1000x64xf32, #tpu.memory_space<vmem>> -> memref<576x64xf32, #tpu.memory_space<vmem>>
        %dma_start3A_36 = arith.constant 0 : i32
        %dma_start3A_37 = tpu.memref_slice %arg10[%add3A_33, %dma_start3A_36] : memref<12608x64xf32, #tpu.memory_space<vmem_shared>> -> memref<576x64xf32, #tpu.memory_space<vmem_shared>>
        %dma_start3A_38 = arith.constant 0 : i32
        %dma_start3A_39 = tpu.memref_slice %arg10[%add3A_33, %dma_start3A_38] : memref<12608x64xf32, #tpu.memory_space<vmem_shared>> -> memref<576x64xf32, #tpu.memory_space<vmem_shared>>
        %dma_start3A_40 = arith.constant 0 : i32
        %dma_start3A_41 = arith.constant 0 : i32
        %dma_start3A_42 = tpu.memref_slice %arg9[%dma_start3A_40, %dma_start3A_41] : memref<1000x64xf32, #tpu.memory_space<vmem>> -> memref<576x64xf32, #tpu.memory_space<vmem>>
        tpu.enqueue_dma source(%dma_start3A_42 : memref<576x64xf32, #tpu.memory_space<vmem>>) target(%dma_start3A_39 : memref<576x64xf32, #tpu.memory_space<vmem_shared>>) target_semaphore(%run_scoped3A : memref<!tpu.dma_semaphore, #tpu.memory_space<semaphore_mem>>)
        %dma_wait3A = arith.constant 0 : i32
        %dma_wait3A_43 = arith.constant 0 : i32
        %dma_wait3A_44 = tpu.memref_slice %arg9[%dma_wait3A, %dma_wait3A_43] : memref<1000x64xf32, #tpu.memory_space<vmem>> -> memref<576x64xf32, #tpu.memory_space<vmem>>
        %dma_wait3A_45 = arith.constant 0 : i32
        %dma_wait3A_46 = tpu.memref_slice %arg10[%add3A_33, %dma_wait3A_45] : memref<12608x64xf32, #tpu.memory_space<vmem_shared>> -> memref<576x64xf32, #tpu.memory_space<vmem_shared>>
        %dma_wait3A_47 = arith.constant 0 : i32
        %dma_wait3A_48 = tpu.memref_slice %arg10[%add3A_33, %dma_wait3A_47] : memref<12608x64xf32, #tpu.memory_space<vmem_shared>> -> memref<576x64xf32, #tpu.memory_space<vmem_shared>>
        %dma_wait3A_49 = arith.constant 0 : i32
        %dma_wait3A_50 = arith.constant 0 : i32
        %dma_wait3A_51 = tpu.memref_slice %arg9[%dma_wait3A_49, %dma_wait3A_50] : memref<1000x64xf32, #tpu.memory_space<vmem>> -> memref<576x64xf32, #tpu.memory_space<vmem>>
        tpu.wait_dma2 semaphore(%run_scoped3A : memref<!tpu.dma_semaphore, #tpu.memory_space<semaphore_mem>>) src(%dma_wait3A_51 : memref<576x64xf32, #tpu.memory_space<vmem>>) dst(%dma_wait3A_48 : memref<576x64xf32, #tpu.memory_space<vmem_shared>>)
        tpu.yield
      }) : () -> ()
    } else {
    }
    %barrier3A = arith.constant 0 : index
    tpu.barrier barrier_id(%barrier3A)
    %mul3A = arith.constant 50000 : i32
    %mul3A_9 = arith.muli %arg1, %mul3A : i32
    %add3A = arith.constant 2 : i32
    %add3A_10 = arith.addi %add3A, %arg0 : i32
    %mul3A_11 = arith.constant 12544 : i32
    %mul3A_12 = arith.muli %add3A_10, %mul3A_11 : i32
    %scan3A_13 = arith.constant 0 : i32
    %scan3A_14 = arith.constant 0 : i32
    %scan3A_15 = arith.constant 50 : i32
    %scan3A_16 = arith.addi %scan3A_14, %scan3A_15 : i32
    %scan3A_17 = arith.constant 1 : i32
    %scan3A_18 = scf.for %scan3A_26 = %scan3A_14 to %scan3A_16 step %scan3A_17 iter_args(%scan3A_27 = %scan3A_13) -> (i32)  : i32 {
      %mul3A_28 = arith.constant 1000 : i32
      %mul3A_29 = arith.muli %scan3A_26, %mul3A_28 : i32
      %add3A_30 = arith.addi %mul3A_9, %mul3A_29 : i32
      "tpu.region"() ({
        %run_scoped3A = tpu.sem_alloc : memref<!tpu.dma_semaphore, #tpu.memory_space<semaphore_mem>>
        %dma_start3A_46 = tpu.memref_slice %arg3[%add3A_30] : memref<800000xi32, #tpu.memory_space<hbm>> -> memref<1000xi32, #tpu.memory_space<hbm>>
        %dma_start3A_47 = tpu.memref_slice %arg3[%add3A_30] : memref<800000xi32, #tpu.memory_space<hbm>> -> memref<1000xi32, #tpu.memory_space<hbm>>
        tpu.enqueue_dma source(%dma_start3A_47 : memref<1000xi32, #tpu.memory_space<hbm>>) target(%arg6 : memref<1000xi32, #tpu.memory_space<vmem>>) target_semaphore(%run_scoped3A : memref<!tpu.dma_semaphore, #tpu.memory_space<semaphore_mem>>)
        %dma_wait3A_48 = tpu.memref_slice %arg3[%add3A_30] : memref<800000xi32, #tpu.memory_space<hbm>> -> memref<1000xi32, #tpu.memory_space<hbm>>
        %dma_wait3A_49 = tpu.memref_slice %arg3[%add3A_30] : memref<800000xi32, #tpu.memory_space<hbm>> -> memref<1000xi32, #tpu.memory_space<hbm>>
        tpu.wait_dma2 semaphore(%run_scoped3A : memref<!tpu.dma_semaphore, #tpu.memory_space<semaphore_mem>>) src(%dma_wait3A_49 : memref<1000xi32, #tpu.memory_space<hbm>>) dst(%arg6 : memref<1000xi32, #tpu.memory_space<vmem>>)
        tpu.yield
      }) : () -> ()
      %mul3A_31 = arith.constant 1000 : i32
      %mul3A_32 = arith.muli %scan3A_26, %mul3A_31 : i32
      %add3A_33 = arith.addi %mul3A_9, %mul3A_32 : i32
      "tpu.region"() ({
        %run_scoped3A = tpu.sem_alloc : memref<!tpu.dma_semaphore, #tpu.memory_space<semaphore_mem>>
        %dma_start3A_46 = tpu.memref_slice %arg4[%add3A_33] : memref<800000xi32, #tpu.memory_space<hbm>> -> memref<1000xi32, #tpu.memory_space<hbm>>
        %dma_start3A_47 = tpu.memref_slice %arg4[%add3A_33] : memref<800000xi32, #tpu.memory_space<hbm>> -> memref<1000xi32, #tpu.memory_space<hbm>>
        tpu.enqueue_dma source(%dma_start3A_47 : memref<1000xi32, #tpu.memory_space<hbm>>) target(%arg7 : memref<1000xi32, #tpu.memory_space<vmem>>) target_semaphore(%run_scoped3A : memref<!tpu.dma_semaphore, #tpu.memory_space<semaphore_mem>>)
        %dma_wait3A_48 = tpu.memref_slice %arg4[%add3A_33] : memref<800000xi32, #tpu.memory_space<hbm>> -> memref<1000xi32, #tpu.memory_space<hbm>>
        %dma_wait3A_49 = tpu.memref_slice %arg4[%add3A_33] : memref<800000xi32, #tpu.memory_space<hbm>> -> memref<1000xi32, #tpu.memory_space<hbm>>
        tpu.wait_dma2 semaphore(%run_scoped3A : memref<!tpu.dma_semaphore, #tpu.memory_space<semaphore_mem>>) src(%dma_wait3A_49 : memref<1000xi32, #tpu.memory_space<hbm>>) dst(%arg7 : memref<1000xi32, #tpu.memory_space<vmem>>)
        tpu.yield
      }) : () -> ()
      %dma_start3A = arith.constant 0 : i32
      %dma_start3A_34 = arith.constant 0 : i32
      %dma_start3A_35 = tpu.memref_slice %arg2[%dma_start3A, %dma_start3A_34] : memref<10000x64xf32, #tpu.memory_space<hbm>> -> memref<10000x64xf32, #tpu.memory_space<hbm>>
      tpu.enqueue_indirect_dma source(%dma_start3A_35 : memref<10000x64xf32, #tpu.memory_space<hbm>>) target(%arg9 : memref<1000x64xf32, #tpu.memory_space<vmem>>) offsets(%arg6 : memref<1000xi32, #tpu.memory_space<vmem>>) semaphore(%arg11 : memref<!tpu.dma_semaphore, #tpu.memory_space<semaphore_mem>>)
      %scan3A_36 = arith.constant 0 : i32
      %scan3A_37 = arith.constant 0 : i32
      %scan3A_38 = arith.constant 63 : i32
      %scan3A_39 = arith.addi %scan3A_37, %scan3A_38 : i32
      %scan3A_40 = arith.constant 1 : i32
      %scan3A_41 = scf.for %scan3A_46 = %scan3A_37 to %scan3A_39 step %scan3A_40 iter_args(%scan3A_47 = %scan3A_36) -> (i32)  : i32 {
        %mul3A_48 = arith.constant 16 : i32
        %mul3A_49 = arith.muli %scan3A_46, %mul3A_48 : i32
        %min3A = arith.constant 984 : i32
        %min3A_50 = arith.minsi %mul3A_49, %min3A : i32
        %get3A = arith.index_cast %min3A_50 : i32 to index
        %get3A_51 = tpu.vector_load %arg7[%get3A] {strides = array<i32>} : memref<1000xi32, #tpu.memory_space<vmem>>, vector<16xi32>,
        %sub3A = vector.broadcast %mul3A_12 : i32 to vector<16xi32>
        %sub3A_52 = arith.subi %get3A_51, %sub3A : vector<16xi32>
        %lt3A_53 = arith.constant 0 : i32
        %lt3A_54 = vector.broadcast %lt3A_53 : i32 to vector<16xi32>
        %lt3A_55 = arith.cmpi slt, %sub3A_52, %lt3A_54 : vector<16xi32>
        %ge3A = arith.constant 12544 : i32
        %ge3A_56 = vector.broadcast %ge3A : i32 to vector<16xi32>
        %ge3A_57 = arith.cmpi sge, %sub3A_52, %ge3A_56 : vector<16xi32>
        %or3A = arith.ori %lt3A_55, %ge3A_57 : vector<16xi1>
        %iota3A = tpu.iota {dimensions = array<i32: 0>} : vector<16xi32>
        %add3A_58 = arith.constant 12592 : i32
        %add3A_59 = vector.broadcast %add3A_58 : i32 to vector<16xi32>
        %add3A_60 = arith.addi %add3A_59, %iota3A : vector<16xi32>
        %select_n3A = arith.select %or3A, %add3A_60, %sub3A_52 : vector<16xi1>, vector<16xi32>
        %swap3A = arith.index_cast %min3A_50 : i32 to index
        %swap3A_61 = tpu.vector_load %arg8[%swap3A] {strides = array<i32>} : memref<1000xi32, #tpu.memory_space<vmem>>, vector<16xi32>,
        %swap3A_62 = vector.shape_cast %swap3A_61 : vector<16xi32> to vector<16xi32>
        %swap3A_63 = vector.shape_cast %select_n3A : vector<16xi32> to vector<16xi32>
        tpu.vector_store %arg8[%swap3A], %swap3A_63 {strides = array<i32>} : memref<1000xi32, #tpu.memory_space<vmem>>, vector<16xi32>,
        %scan3A_64 = arith.constant 0 : i32
        scf.yield %scan3A_64 : i32
      }
      %scan3A_42 = arith.constant 63 : i32
      %dma_wait3A = arith.constant 0 : i32
      %dma_wait3A_43 = arith.constant 0 : i32
      %dma_wait3A_44 = tpu.memref_slice %arg2[%dma_wait3A, %dma_wait3A_43] : memref<10000x64xf32, #tpu.memory_space<hbm>> -> memref<10000x64xf32, #tpu.memory_space<hbm>>
      tpu.wait_indirect_dma semaphore(%arg11 : memref<!tpu.dma_semaphore, #tpu.memory_space<semaphore_mem>>) src(%dma_wait3A_44 : memref<10000x64xf32, #tpu.memory_space<hbm>>) dst(%arg9 : memref<1000x64xf32, #tpu.memory_space<vmem>>)
      "tpu.region"() ({
        %run_scoped3A = tpu.sem_alloc : memref<!tpu.dma_semaphore, #tpu.memory_space<semaphore_mem>>
        %dma_start3A_46 = arith.constant 0 : i32
        %dma_start3A_47 = arith.constant 0 : i32
        %dma_start3A_48 = tpu.memref_slice %arg10[%dma_start3A_46, %dma_start3A_47] : memref<12608x64xf32, #tpu.memory_space<vmem_shared>> -> memref<12608x64xf32, #tpu.memory_space<vmem_shared>>
        tpu.enqueue_indirect_dma source(%arg9 : memref<1000x64xf32, #tpu.memory_space<vmem>>) target(%dma_start3A_48 : memref<12608x64xf32, #tpu.memory_space<vmem_shared>>) offsets(%arg8 : memref<1000xi32, #tpu.memory_space<vmem>>) semaphore(%run_scoped3A : memref<!tpu.dma_semaphore, #tpu.memory_space<semaphore_mem>>) {add = true}
        %dma_wait3A_49 = arith.constant 0 : i32
        %dma_wait3A_50 = arith.constant 0 : i32
        %dma_wait3A_51 = tpu.memref_slice %arg10[%dma_wait3A_49, %dma_wait3A_50] : memref<12608x64xf32, #tpu.memory_space<vmem_shared>> -> memref<12608x64xf32, #tpu.memory_space<vmem_shared>>
        tpu.wait_indirect_dma semaphore(%run_scoped3A : memref<!tpu.dma_semaphore, #tpu.memory_space<semaphore_mem>>) src(%arg9 : memref<1000x64xf32, #tpu.memory_space<vmem>>) dst(%dma_wait3A_51 : memref<12608x64xf32, #tpu.memory_space<vmem_shared>>)
        tpu.yield
      }) : () -> ()
      %scan3A_45 = arith.constant 0 : i32
      scf.yield %scan3A_45 : i32
    }
    %scan3A_19 = arith.constant 50 : i32
    %barrier3A_20 = arith.constant 0 : index
    tpu.barrier barrier_id(%barrier3A_20)
    %lt3A_21 = arith.constant 8 : i32
    %lt3A_22 = arith.cmpi slt, %arg1, %lt3A_21 : i32
    %convert_element_type3A_23 = arith.extui %lt3A_22 : i1 to i32
    %cond3A_24 = arith.constant 0 : i32
    %cond3A_25 = arith.cmpi ne, %convert_element_type3A_23, %cond3A_24 : i32
    scf.if %cond3A_25 {
      %mul3A_26 = arith.constant 1568 : i32
      %mul3A_27 = arith.muli %arg1, %mul3A_26 : i32
      %mul3A_28 = arith.constant 12544 : i32
      %mul3A_29 = arith.muli %arg0, %mul3A_28 : i32
      %mul3A_30 = arith.constant 1568 : i32
      %mul3A_31 = arith.muli %arg1, %mul3A_30 : i32
      %add3A_32 = arith.addi %mul3A_29, %mul3A_31 : i32
      "tpu.region"() ({
        %run_scoped3A = tpu.sem_alloc : memref<!tpu.dma_semaphore, #tpu.memory_space<semaphore_mem>>
        %dma_start3A = arith.constant 0 : i32
        %dma_start3A_33 = tpu.memref_slice %arg5[%add3A_32, %dma_start3A] : memref<25088x64xf32, #tpu.memory_space<hbm>> -> memref<1568x64xf32, #tpu.memory_space<hbm>>
        %dma_start3A_34 = arith.constant 0 : i32
        %dma_start3A_35 = tpu.memref_slice %arg10[%mul3A_27, %dma_start3A_34] : memref<12608x64xf32, #tpu.memory_space<vmem_shared>> -> memref<1568x64xf32, #tpu.memory_space<vmem_shared>>
        tpu.enqueue_dma source(%dma_start3A_35 : memref<1568x64xf32, #tpu.memory_space<vmem_shared>>) target(%dma_start3A_33 : memref<1568x64xf32, #tpu.memory_space<hbm>>) target_semaphore(%run_scoped3A : memref<!tpu.dma_semaphore, #tpu.memory_space<semaphore_mem>>)
        %dma_wait3A = arith.constant 0 : i32
        %dma_wait3A_36 = tpu.memref_slice %arg5[%add3A_32, %dma_wait3A] : memref<25088x64xf32, #tpu.memory_space<hbm>> -> memref<1568x64xf32, #tpu.memory_space<hbm>>
        %dma_wait3A_37 = arith.constant 0 : i32
        %dma_wait3A_38 = tpu.memref_slice %arg10[%mul3A_27, %dma_wait3A_37] : memref<12608x64xf32, #tpu.memory_space<vmem_shared>> -> memref<1568x64xf32, #tpu.memory_space<vmem_shared>>
        tpu.wait_dma2 semaphore(%run_scoped3A : memref<!tpu.dma_semaphore, #tpu.memory_space<semaphore_mem>>) src(%dma_wait3A_38 : memref<1568x64xf32, #tpu.memory_space<vmem_shared>>) dst(%dma_wait3A_36 : memref<1568x64xf32, #tpu.memory_space<hbm>>)
        tpu.yield
      }) : () -> ()
    } else {
    }
    return
  }
}

#map = affine_map<(d0, d1) -> (0, 0)>
#map1 = affine_map<(d0, d1) -> (0)>
module attributes {stable_mosaic.version = 14 : i64} {
  func.func @body(%arg0: i32, %arg1: i32, %arg2: memref<50000x64xf32, #tpu.memory_space<hbm>>, %arg3: memref<800000xi32, #tpu.memory_space<hbm>>, %arg4: memref<800000xi32, #tpu.memory_space<hbm>>, %arg5: memref<10000x64xf32, #tpu.memory_space<hbm>>, %arg6: memref<1000xi32, #tpu.memory_space<vmem>>, %arg7: memref<1000xi32, #tpu.memory_space<vmem>>, %arg8: memref<1000xi32, #tpu.memory_space<vmem>>, %arg9: memref<1000x64xf32, #tpu.memory_space<vmem>>, %arg10: memref<5120x64xf32, #tpu.memory_space<vmem_shared>>, %arg11: memref<!tpu.dma_semaphore, #tpu.memory_space<semaphore_mem>>) attributes {dimension_semantics = [#tpu.dimension_semantics<core_parallel>, #tpu.dimension_semantics<subcore_parallel>], iteration_bounds = array<i64: 2, 16>, scalar_prefetch = 0 : i64, scratch_operands = 6 : i64, tpu.core_type = #tpu.core_type<sc_vector_subcore>, window_params = [{transform_indices = #map}, {transform_indices = #map1}, {transform_indices = #map1}, {transform_indices = #map}]} {
    %broadcast_in_dim3A = arith.constant 0.000000e+00 : f32
    %broadcast_in_dim3A_0 = vector.broadcast %broadcast_in_dim3A : f32 to vector<16xf32>
    %scan3A = arith.constant 0 : i32
    %scan3A_1 = arith.constant 0 : i32
    %scan3A_2 = arith.constant 1000 : i32
    %scan3A_3 = arith.addi %scan3A_1, %scan3A_2 : i32
    %scan3A_4 = arith.constant 1 : i32
    %scan3A_5 = scf.for %scan3A_26 = %scan3A_1 to %scan3A_3 step %scan3A_4 iter_args(%scan3A_27 = %scan3A) -> (i32)  : i32 {
      %swap3A = arith.index_cast %scan3A_26 : i32 to index
      %swap3A_28 = arith.constant 0 : index
      %swap3A_29 = tpu.vector_load %arg9[%swap3A, %swap3A_28] {strides = array<i32>} : memref<1000x64xf32, #tpu.memory_space<vmem>>, vector<1x16xf32>,
      %swap3A_30 = vector.shape_cast %swap3A_29 : vector<1x16xf32> to vector<16xf32>
      %swap3A_31 = vector.shape_cast %broadcast_in_dim3A_0 : vector<16xf32> to vector<1x16xf32>
      tpu.vector_store %arg9[%swap3A, %swap3A_28], %swap3A_31 {strides = array<i32>} : memref<1000x64xf32, #tpu.memory_space<vmem>>, vector<1x16xf32>,
      %swap3A_32 = arith.index_cast %scan3A_26 : i32 to index
      %swap3A_33 = arith.constant 16 : index
      %swap3A_34 = tpu.vector_load %arg9[%swap3A_32, %swap3A_33] {strides = array<i32>} : memref<1000x64xf32, #tpu.memory_space<vmem>>, vector<1x16xf32>,
      %swap3A_35 = vector.shape_cast %swap3A_34 : vector<1x16xf32> to vector<16xf32>
      %swap3A_36 = vector.shape_cast %broadcast_in_dim3A_0 : vector<16xf32> to vector<1x16xf32>
      tpu.vector_store %arg9[%swap3A_32, %swap3A_33], %swap3A_36 {strides = array<i32>} : memref<1000x64xf32, #tpu.memory_space<vmem>>, vector<1x16xf32>,
      %swap3A_37 = arith.index_cast %scan3A_26 : i32 to index
      %swap3A_38 = arith.constant 32 : index
      %swap3A_39 = tpu.vector_load %arg9[%swap3A_37, %swap3A_38] {strides = array<i32>} : memref<1000x64xf32, #tpu.memory_space<vmem>>, vector<1x16xf32>,
      %swap3A_40 = vector.shape_cast %swap3A_39 : vector<1x16xf32> to vector<16xf32>
      %swap3A_41 = vector.shape_cast %broadcast_in_dim3A_0 : vector<16xf32> to vector<1x16xf32>
      tpu.vector_store %arg9[%swap3A_37, %swap3A_38], %swap3A_41 {strides = array<i32>} : memref<1000x64xf32, #tpu.memory_space<vmem>>, vector<1x16xf32>,
      %swap3A_42 = arith.index_cast %scan3A_26 : i32 to index
      %swap3A_43 = arith.constant 48 : index
      %swap3A_44 = tpu.vector_load %arg9[%swap3A_42, %swap3A_43] {strides = array<i32>} : memref<1000x64xf32, #tpu.memory_space<vmem>>, vector<1x16xf32>,
      %swap3A_45 = vector.shape_cast %swap3A_44 : vector<1x16xf32> to vector<16xf32>
      %swap3A_46 = vector.shape_cast %broadcast_in_dim3A_0 : vector<16xf32> to vector<1x16xf32>
      tpu.vector_store %arg9[%swap3A_42, %swap3A_43], %swap3A_46 {strides = array<i32>} : memref<1000x64xf32, #tpu.memory_space<vmem>>, vector<1x16xf32>,
      %scan3A_47 = arith.constant 0 : i32
      scf.yield %scan3A_47 : i32
    }
    %scan3A_6 = arith.constant 1000 : i32
    %lt3A = arith.constant 16 : i32
    %lt3A_7 = arith.cmpi slt, %arg1, %lt3A : i32
    %convert_element_type3A = arith.extui %lt3A_7 : i1 to i32
    %cond3A = arith.constant 0 : i32
    %cond3A_8 = arith.cmpi ne, %convert_element_type3A, %cond3A : i32
    scf.if %cond3A_8 {
      %mul3A_26 = arith.constant 320 : i32
      %mul3A_27 = arith.muli %arg1, %mul3A_26 : i32
      %add3A_28 = arith.constant 0 : i32
      %add3A_29 = arith.addi %mul3A_27, %add3A_28 : i32
      "tpu.region"() ({
        %run_scoped3A = tpu.sem_alloc : memref<!tpu.dma_semaphore, #tpu.memory_space<semaphore_mem>>
        %dma_start3A = arith.constant 0 : i32
        %dma_start3A_30 = arith.constant 0 : i32
        %dma_start3A_31 = tpu.memref_slice %arg9[%dma_start3A, %dma_start3A_30] : memref<1000x64xf32, #tpu.memory_space<vmem>> -> memref<320x64xf32, #tpu.memory_space<vmem>>
        %dma_start3A_32 = arith.constant 0 : i32
        %dma_start3A_33 = tpu.memref_slice %arg10[%add3A_29, %dma_start3A_32] : memref<5120x64xf32, #tpu.memory_space<vmem_shared>> -> memref<320x64xf32, #tpu.memory_space<vmem_shared>>
        %dma_start3A_34 = arith.constant 0 : i32
        %dma_start3A_35 = tpu.memref_slice %arg10[%add3A_29, %dma_start3A_34] : memref<5120x64xf32, #tpu.memory_space<vmem_shared>> -> memref<320x64xf32, #tpu.memory_space<vmem_shared>>
        %dma_start3A_36 = arith.constant 0 : i32
        %dma_start3A_37 = arith.constant 0 : i32
        %dma_start3A_38 = tpu.memref_slice %arg9[%dma_start3A_36, %dma_start3A_37] : memref<1000x64xf32, #tpu.memory_space<vmem>> -> memref<320x64xf32, #tpu.memory_space<vmem>>
        tpu.enqueue_dma source(%dma_start3A_38 : memref<320x64xf32, #tpu.memory_space<vmem>>) target(%dma_start3A_35 : memref<320x64xf32, #tpu.memory_space<vmem_shared>>) target_semaphore(%run_scoped3A : memref<!tpu.dma_semaphore, #tpu.memory_space<semaphore_mem>>)
        %dma_wait3A = arith.constant 0 : i32
        %dma_wait3A_39 = arith.constant 0 : i32
        %dma_wait3A_40 = tpu.memref_slice %arg9[%dma_wait3A, %dma_wait3A_39] : memref<1000x64xf32, #tpu.memory_space<vmem>> -> memref<320x64xf32, #tpu.memory_space<vmem>>
        %dma_wait3A_41 = arith.constant 0 : i32
        %dma_wait3A_42 = tpu.memref_slice %arg10[%add3A_29, %dma_wait3A_41] : memref<5120x64xf32, #tpu.memory_space<vmem_shared>> -> memref<320x64xf32, #tpu.memory_space<vmem_shared>>
        %dma_wait3A_43 = arith.constant 0 : i32
        %dma_wait3A_44 = tpu.memref_slice %arg10[%add3A_29, %dma_wait3A_43] : memref<5120x64xf32, #tpu.memory_space<vmem_shared>> -> memref<320x64xf32, #tpu.memory_space<vmem_shared>>
        %dma_wait3A_45 = arith.constant 0 : i32
        %dma_wait3A_46 = arith.constant 0 : i32
        %dma_wait3A_47 = tpu.memref_slice %arg9[%dma_wait3A_45, %dma_wait3A_46] : memref<1000x64xf32, #tpu.memory_space<vmem>> -> memref<320x64xf32, #tpu.memory_space<vmem>>
        tpu.wait_dma2 semaphore(%run_scoped3A : memref<!tpu.dma_semaphore, #tpu.memory_space<semaphore_mem>>) src(%dma_wait3A_47 : memref<320x64xf32, #tpu.memory_space<vmem>>) dst(%dma_wait3A_44 : memref<320x64xf32, #tpu.memory_space<vmem_shared>>)
        tpu.yield
      }) : () -> ()
    } else {
    }
    %barrier3A = arith.constant 0 : index
    tpu.barrier barrier_id(%barrier3A)
    %mul3A = arith.constant 50000 : i32
    %mul3A_9 = arith.muli %arg1, %mul3A : i32
    %add3A = arith.constant 0 : i32
    %add3A_10 = arith.addi %add3A, %arg0 : i32
    %mul3A_11 = arith.constant 5000 : i32
    %mul3A_12 = arith.muli %add3A_10, %mul3A_11 : i32
    %scan3A_13 = arith.constant 0 : i32
    %scan3A_14 = arith.constant 0 : i32
    %scan3A_15 = arith.constant 50 : i32
    %scan3A_16 = arith.addi %scan3A_14, %scan3A_15 : i32
    %scan3A_17 = arith.constant 1 : i32
    %scan3A_18 = scf.for %scan3A_26 = %scan3A_14 to %scan3A_16 step %scan3A_17 iter_args(%scan3A_27 = %scan3A_13) -> (i32)  : i32 {
      %mul3A_28 = arith.constant 1000 : i32
      %mul3A_29 = arith.muli %scan3A_26, %mul3A_28 : i32
      %add3A_30 = arith.addi %mul3A_9, %mul3A_29 : i32
      "tpu.region"() ({
        %run_scoped3A = tpu.sem_alloc : memref<!tpu.dma_semaphore, #tpu.memory_space<semaphore_mem>>
        %dma_start3A_46 = tpu.memref_slice %arg3[%add3A_30] : memref<800000xi32, #tpu.memory_space<hbm>> -> memref<1000xi32, #tpu.memory_space<hbm>>
        %dma_start3A_47 = tpu.memref_slice %arg3[%add3A_30] : memref<800000xi32, #tpu.memory_space<hbm>> -> memref<1000xi32, #tpu.memory_space<hbm>>
        tpu.enqueue_dma source(%dma_start3A_47 : memref<1000xi32, #tpu.memory_space<hbm>>) target(%arg6 : memref<1000xi32, #tpu.memory_space<vmem>>) target_semaphore(%run_scoped3A : memref<!tpu.dma_semaphore, #tpu.memory_space<semaphore_mem>>)
        %dma_wait3A_48 = tpu.memref_slice %arg3[%add3A_30] : memref<800000xi32, #tpu.memory_space<hbm>> -> memref<1000xi32, #tpu.memory_space<hbm>>
        %dma_wait3A_49 = tpu.memref_slice %arg3[%add3A_30] : memref<800000xi32, #tpu.memory_space<hbm>> -> memref<1000xi32, #tpu.memory_space<hbm>>
        tpu.wait_dma2 semaphore(%run_scoped3A : memref<!tpu.dma_semaphore, #tpu.memory_space<semaphore_mem>>) src(%dma_wait3A_49 : memref<1000xi32, #tpu.memory_space<hbm>>) dst(%arg6 : memref<1000xi32, #tpu.memory_space<vmem>>)
        tpu.yield
      }) : () -> ()
      %mul3A_31 = arith.constant 1000 : i32
      %mul3A_32 = arith.muli %scan3A_26, %mul3A_31 : i32
      %add3A_33 = arith.addi %mul3A_9, %mul3A_32 : i32
      "tpu.region"() ({
        %run_scoped3A = tpu.sem_alloc : memref<!tpu.dma_semaphore, #tpu.memory_space<semaphore_mem>>
        %dma_start3A_46 = tpu.memref_slice %arg4[%add3A_33] : memref<800000xi32, #tpu.memory_space<hbm>> -> memref<1000xi32, #tpu.memory_space<hbm>>
        %dma_start3A_47 = tpu.memref_slice %arg4[%add3A_33] : memref<800000xi32, #tpu.memory_space<hbm>> -> memref<1000xi32, #tpu.memory_space<hbm>>
        tpu.enqueue_dma source(%dma_start3A_47 : memref<1000xi32, #tpu.memory_space<hbm>>) target(%arg7 : memref<1000xi32, #tpu.memory_space<vmem>>) target_semaphore(%run_scoped3A : memref<!tpu.dma_semaphore, #tpu.memory_space<semaphore_mem>>)
        %dma_wait3A_48 = tpu.memref_slice %arg4[%add3A_33] : memref<800000xi32, #tpu.memory_space<hbm>> -> memref<1000xi32, #tpu.memory_space<hbm>>
        %dma_wait3A_49 = tpu.memref_slice %arg4[%add3A_33] : memref<800000xi32, #tpu.memory_space<hbm>> -> memref<1000xi32, #tpu.memory_space<hbm>>
        tpu.wait_dma2 semaphore(%run_scoped3A : memref<!tpu.dma_semaphore, #tpu.memory_space<semaphore_mem>>) src(%dma_wait3A_49 : memref<1000xi32, #tpu.memory_space<hbm>>) dst(%arg7 : memref<1000xi32, #tpu.memory_space<vmem>>)
        tpu.yield
      }) : () -> ()
      %dma_start3A = arith.constant 0 : i32
      %dma_start3A_34 = arith.constant 0 : i32
      %dma_start3A_35 = tpu.memref_slice %arg2[%dma_start3A, %dma_start3A_34] : memref<50000x64xf32, #tpu.memory_space<hbm>> -> memref<50000x64xf32, #tpu.memory_space<hbm>>
      tpu.enqueue_indirect_dma source(%dma_start3A_35 : memref<50000x64xf32, #tpu.memory_space<hbm>>) target(%arg9 : memref<1000x64xf32, #tpu.memory_space<vmem>>) offsets(%arg6 : memref<1000xi32, #tpu.memory_space<vmem>>) semaphore(%arg11 : memref<!tpu.dma_semaphore, #tpu.memory_space<semaphore_mem>>)
      %scan3A_36 = arith.constant 0 : i32
      %scan3A_37 = arith.constant 0 : i32
      %scan3A_38 = arith.constant 63 : i32
      %scan3A_39 = arith.addi %scan3A_37, %scan3A_38 : i32
      %scan3A_40 = arith.constant 1 : i32
      %scan3A_41 = scf.for %scan3A_46 = %scan3A_37 to %scan3A_39 step %scan3A_40 iter_args(%scan3A_47 = %scan3A_36) -> (i32)  : i32 {
        %mul3A_48 = arith.constant 16 : i32
        %mul3A_49 = arith.muli %scan3A_46, %mul3A_48 : i32
        %min3A = arith.constant 984 : i32
        %min3A_50 = arith.minsi %mul3A_49, %min3A : i32
        %get3A = arith.index_cast %min3A_50 : i32 to index
        %get3A_51 = tpu.vector_load %arg7[%get3A] {strides = array<i32>} : memref<1000xi32, #tpu.memory_space<vmem>>, vector<16xi32>,
        %sub3A = vector.broadcast %mul3A_12 : i32 to vector<16xi32>
        %sub3A_52 = arith.subi %get3A_51, %sub3A : vector<16xi32>
        %lt3A_53 = arith.constant 0 : i32
        %lt3A_54 = vector.broadcast %lt3A_53 : i32 to vector<16xi32>
        %lt3A_55 = arith.cmpi slt, %sub3A_52, %lt3A_54 : vector<16xi32>
        %ge3A = arith.constant 5000 : i32
        %ge3A_56 = vector.broadcast %ge3A : i32 to vector<16xi32>
        %ge3A_57 = arith.cmpi sge, %sub3A_52, %ge3A_56 : vector<16xi32>
        %or3A = arith.ori %lt3A_55, %ge3A_57 : vector<16xi1>
        %iota3A = tpu.iota {dimensions = array<i32: 0>} : vector<16xi32>
        %add3A_58 = arith.constant 5104 : i32
        %add3A_59 = vector.broadcast %add3A_58 : i32 to vector<16xi32>
        %add3A_60 = arith.addi %add3A_59, %iota3A : vector<16xi32>
        %select_n3A = arith.select %or3A, %add3A_60, %sub3A_52 : vector<16xi1>, vector<16xi32>
        %swap3A = arith.index_cast %min3A_50 : i32 to index
        %swap3A_61 = tpu.vector_load %arg8[%swap3A] {strides = array<i32>} : memref<1000xi32, #tpu.memory_space<vmem>>, vector<16xi32>,
        %swap3A_62 = vector.shape_cast %swap3A_61 : vector<16xi32> to vector<16xi32>
        %swap3A_63 = vector.shape_cast %select_n3A : vector<16xi32> to vector<16xi32>
        tpu.vector_store %arg8[%swap3A], %swap3A_63 {strides = array<i32>} : memref<1000xi32, #tpu.memory_space<vmem>>, vector<16xi32>,
        %scan3A_64 = arith.constant 0 : i32
        scf.yield %scan3A_64 : i32
      }
      %scan3A_42 = arith.constant 63 : i32
      %dma_wait3A = arith.constant 0 : i32
      %dma_wait3A_43 = arith.constant 0 : i32
      %dma_wait3A_44 = tpu.memref_slice %arg2[%dma_wait3A, %dma_wait3A_43] : memref<50000x64xf32, #tpu.memory_space<hbm>> -> memref<50000x64xf32, #tpu.memory_space<hbm>>
      tpu.wait_indirect_dma semaphore(%arg11 : memref<!tpu.dma_semaphore, #tpu.memory_space<semaphore_mem>>) src(%dma_wait3A_44 : memref<50000x64xf32, #tpu.memory_space<hbm>>) dst(%arg9 : memref<1000x64xf32, #tpu.memory_space<vmem>>)
      "tpu.region"() ({
        %run_scoped3A = tpu.sem_alloc : memref<!tpu.dma_semaphore, #tpu.memory_space<semaphore_mem>>
        %dma_start3A_46 = arith.constant 0 : i32
        %dma_start3A_47 = arith.constant 0 : i32
        %dma_start3A_48 = tpu.memref_slice %arg10[%dma_start3A_46, %dma_start3A_47] : memref<5120x64xf32, #tpu.memory_space<vmem_shared>> -> memref<5120x64xf32, #tpu.memory_space<vmem_shared>>
        tpu.enqueue_indirect_dma source(%arg9 : memref<1000x64xf32, #tpu.memory_space<vmem>>) target(%dma_start3A_48 : memref<5120x64xf32, #tpu.memory_space<vmem_shared>>) offsets(%arg8 : memref<1000xi32, #tpu.memory_space<vmem>>) semaphore(%run_scoped3A : memref<!tpu.dma_semaphore, #tpu.memory_space<semaphore_mem>>) {add = true}
        %dma_wait3A_49 = arith.constant 0 : i32
        %dma_wait3A_50 = arith.constant 0 : i32
        %dma_wait3A_51 = tpu.memref_slice %arg10[%dma_wait3A_49, %dma_wait3A_50] : memref<5120x64xf32, #tpu.memory_space<vmem_shared>> -> memref<5120x64xf32, #tpu.memory_space<vmem_shared>>
        tpu.wait_indirect_dma semaphore(%run_scoped3A : memref<!tpu.dma_semaphore, #tpu.memory_space<semaphore_mem>>) src(%arg9 : memref<1000x64xf32, #tpu.memory_space<vmem>>) dst(%dma_wait3A_51 : memref<5120x64xf32, #tpu.memory_space<vmem_shared>>)
        tpu.yield
      }) : () -> ()
      %scan3A_45 = arith.constant 0 : i32
      scf.yield %scan3A_45 : i32
    }
    %scan3A_19 = arith.constant 50 : i32
    %barrier3A_20 = arith.constant 0 : index
    tpu.barrier barrier_id(%barrier3A_20)
    %lt3A_21 = arith.constant 5 : i32
    %lt3A_22 = arith.cmpi slt, %arg1, %lt3A_21 : i32
    %convert_element_type3A_23 = arith.extui %lt3A_22 : i1 to i32
    %cond3A_24 = arith.constant 0 : i32
    %cond3A_25 = arith.cmpi ne, %convert_element_type3A_23, %cond3A_24 : i32
    scf.if %cond3A_25 {
      %mul3A_26 = arith.constant 1000 : i32
      %mul3A_27 = arith.muli %arg1, %mul3A_26 : i32
      %mul3A_28 = arith.constant 5000 : i32
      %mul3A_29 = arith.muli %arg0, %mul3A_28 : i32
      %mul3A_30 = arith.constant 1000 : i32
      %mul3A_31 = arith.muli %arg1, %mul3A_30 : i32
      %add3A_32 = arith.addi %mul3A_29, %mul3A_31 : i32
      "tpu.region"() ({
        %run_scoped3A = tpu.sem_alloc : memref<!tpu.dma_semaphore, #tpu.memory_space<semaphore_mem>>
        %dma_start3A = arith.constant 0 : i32
        %dma_start3A_33 = tpu.memref_slice %arg5[%add3A_32, %dma_start3A] : memref<10000x64xf32, #tpu.memory_space<hbm>> -> memref<1000x64xf32, #tpu.memory_space<hbm>>
        %dma_start3A_34 = arith.constant 0 : i32
        %dma_start3A_35 = tpu.memref_slice %arg10[%mul3A_27, %dma_start3A_34] : memref<5120x64xf32, #tpu.memory_space<vmem_shared>> -> memref<1000x64xf32, #tpu.memory_space<vmem_shared>>
        tpu.enqueue_dma source(%dma_start3A_35 : memref<1000x64xf32, #tpu.memory_space<vmem_shared>>) target(%dma_start3A_33 : memref<1000x64xf32, #tpu.memory_space<hbm>>) target_semaphore(%run_scoped3A : memref<!tpu.dma_semaphore, #tpu.memory_space<semaphore_mem>>)
        %dma_wait3A = arith.constant 0 : i32
        %dma_wait3A_36 = tpu.memref_slice %arg5[%add3A_32, %dma_wait3A] : memref<10000x64xf32, #tpu.memory_space<hbm>> -> memref<1000x64xf32, #tpu.memory_space<hbm>>
        %dma_wait3A_37 = arith.constant 0 : i32
        %dma_wait3A_38 = tpu.memref_slice %arg10[%mul3A_27, %dma_wait3A_37] : memref<5120x64xf32, #tpu.memory_space<vmem_shared>> -> memref<1000x64xf32, #tpu.memory_space<vmem_shared>>
        tpu.wait_dma2 semaphore(%run_scoped3A : memref<!tpu.dma_semaphore, #tpu.memory_space<semaphore_mem>>) src(%dma_wait3A_38 : memref<1000x64xf32, #tpu.memory_space<vmem_shared>>) dst(%dma_wait3A_36 : memref<1000x64xf32, #tpu.memory_space<hbm>>)
        tpu.yield
      }) : () -> ()
    } else {
    }
    return
  }
}

#map = affine_map<(d0, d1) -> (0)>
module attributes {stable_mosaic.version = 14 : i64} {
  func.func @_counts_body(%arg0: i32, %arg1: i32, %arg2: memref<800000xi32, #tpu.memory_space<hbm>>, %arg3: memref<800000xi32, #tpu.memory_space<hbm>>, %arg4: memref<321536xf32, #tpu.memory_space<hbm>>, %arg5: memref<1601536xf32, #tpu.memory_space<hbm>>, %arg6: memref<1000xi32, #tpu.memory_space<vmem>>, %arg7: memref<10048xf32, #tpu.memory_space<vmem>>, %arg8: memref<50048xf32, #tpu.memory_space<vmem>>) attributes {dimension_semantics = [#tpu.dimension_semantics<core_parallel>, #tpu.dimension_semantics<subcore_parallel>], iteration_bounds = array<i64: 2, 16>, scalar_prefetch = 0 : i64, scratch_operands = 3 : i64, tpu.core_type = #tpu.core_type<sc_vector_subcore>, window_params = [{transform_indices = #map}, {transform_indices = #map}, {transform_indices = #map}, {transform_indices = #map}]} {
    %broadcast_in_dim3A = arith.constant 0.000000e+00 : f32
    %broadcast_in_dim3A_0 = vector.broadcast %broadcast_in_dim3A : f32 to vector<16xf32>
    %scan3A = arith.constant 0 : i32
    %scan3A_1 = arith.constant 0 : i32
    %scan3A_2 = arith.constant 628 : i32
    %scan3A_3 = arith.addi %scan3A_1, %scan3A_2 : i32
    %scan3A_4 = arith.constant 1 : i32
    %scan3A_5 = scf.for %scan3A_39 = %scan3A_1 to %scan3A_3 step %scan3A_4 iter_args(%scan3A_40 = %scan3A) -> (i32)  : i32 {
      %mul3A_41 = arith.constant 16 : i32
      %mul3A_42 = arith.muli %scan3A_39, %mul3A_41 : i32
      %swap3A = arith.index_cast %mul3A_42 : i32 to index
      %swap3A_43 = tpu.vector_load %arg7[%swap3A] {strides = array<i32>} : memref<10048xf32, #tpu.memory_space<vmem>>, vector<16xf32>,
      tpu.vector_store %arg7[%swap3A], %broadcast_in_dim3A_0 {strides = array<i32>} : memref<10048xf32, #tpu.memory_space<vmem>>, vector<16xf32>,
      %scan3A_44 = arith.constant 0 : i32
      scf.yield %scan3A_44 : i32
    }
    %scan3A_6 = arith.constant 628 : i32
    %scan3A_7 = arith.constant 0 : i32
    %scan3A_8 = arith.constant 0 : i32
    %scan3A_9 = arith.constant 3128 : i32
    %scan3A_10 = arith.addi %scan3A_8, %scan3A_9 : i32
    %scan3A_11 = arith.constant 1 : i32
    %scan3A_12 = scf.for %scan3A_39 = %scan3A_8 to %scan3A_10 step %scan3A_11 iter_args(%scan3A_40 = %scan3A_7) -> (i32)  : i32 {
      %mul3A_41 = arith.constant 16 : i32
      %mul3A_42 = arith.muli %scan3A_39, %mul3A_41 : i32
      %swap3A = arith.index_cast %mul3A_42 : i32 to index
      %swap3A_43 = tpu.vector_load %arg8[%swap3A] {strides = array<i32>} : memref<50048xf32, #tpu.memory_space<vmem>>, vector<16xf32>,
      tpu.vector_store %arg8[%swap3A], %broadcast_in_dim3A_0 {strides = array<i32>} : memref<50048xf32, #tpu.memory_space<vmem>>, vector<16xf32>,
      %scan3A_44 = arith.constant 0 : i32
      scf.yield %scan3A_44 : i32
    }
    %scan3A_13 = arith.constant 3128 : i32
    %mul3A = arith.constant 16 : i32
    %mul3A_14 = arith.muli %arg0, %mul3A : i32
    %add3A = arith.addi %mul3A_14, %arg1 : i32
    %mul3A_15 = arith.constant 25000 : i32
    %mul3A_16 = arith.muli %add3A, %mul3A_15 : i32
    %broadcast_in_dim3A_17 = arith.constant 1.000000e+00 : f32
    %broadcast_in_dim3A_18 = vector.broadcast %broadcast_in_dim3A_17 : f32 to vector<16xf32>
    %iota3A = tpu.iota {dimensions = array<i32: 0>} : vector<16xi32>
    %ge3A = arith.constant 8 : i32
    %ge3A_19 = vector.broadcast %ge3A : i32 to vector<16xi32>
    %ge3A_20 = arith.cmpi sge, %iota3A, %ge3A_19 : vector<16xi32>
    %scan3A_21 = arith.constant 0 : i32
    %scan3A_22 = arith.constant 0 : i32
    %scan3A_23 = arith.constant 25 : i32
    %scan3A_24 = arith.addi %scan3A_22, %scan3A_23 : i32
    %scan3A_25 = arith.constant 1 : i32
    %scan3A_26 = scf.for %scan3A_39 = %scan3A_22 to %scan3A_24 step %scan3A_25 iter_args(%scan3A_40 = %scan3A_21) -> (i32)  : i32 {
      %mul3A_41 = arith.constant 1000 : i32
      %mul3A_42 = arith.muli %scan3A_39, %mul3A_41 : i32
      %add3A_43 = arith.addi %mul3A_16, %mul3A_42 : i32
      "tpu.region"() ({
        %run_scoped3A = tpu.sem_alloc : memref<!tpu.dma_semaphore, #tpu.memory_space<semaphore_mem>>
        %dma_start3A = tpu.memref_slice %arg2[%add3A_43] : memref<800000xi32, #tpu.memory_space<hbm>> -> memref<1000xi32, #tpu.memory_space<hbm>>
        %dma_start3A_53 = tpu.memref_slice %arg2[%add3A_43] : memref<800000xi32, #tpu.memory_space<hbm>> -> memref<1000xi32, #tpu.memory_space<hbm>>
        tpu.enqueue_dma source(%dma_start3A_53 : memref<1000xi32, #tpu.memory_space<hbm>>) target(%arg6 : memref<1000xi32, #tpu.memory_space<vmem>>) target_semaphore(%run_scoped3A : memref<!tpu.dma_semaphore, #tpu.memory_space<semaphore_mem>>)
        %dma_wait3A = tpu.memref_slice %arg2[%add3A_43] : memref<800000xi32, #tpu.memory_space<hbm>> -> memref<1000xi32, #tpu.memory_space<hbm>>
        %dma_wait3A_54 = tpu.memref_slice %arg2[%add3A_43] : memref<800000xi32, #tpu.memory_space<hbm>> -> memref<1000xi32, #tpu.memory_space<hbm>>
        tpu.wait_dma2 semaphore(%run_scoped3A : memref<!tpu.dma_semaphore, #tpu.memory_space<semaphore_mem>>) src(%dma_wait3A_54 : memref<1000xi32, #tpu.memory_space<hbm>>) dst(%arg6 : memref<1000xi32, #tpu.memory_space<vmem>>)
        tpu.yield
      }) : () -> ()
      %scan3A_44 = arith.constant 0 : i32
      %scan3A_45 = arith.constant 0 : i32
      %scan3A_46 = arith.constant 61 : i32
      %scan3A_47 = arith.addi %scan3A_45, %scan3A_46 : i32
      %scan3A_48 = arith.constant 1 : i32
      %scan3A_49 = scf.for %scan3A_53 = %scan3A_45 to %scan3A_47 step %scan3A_48 iter_args(%scan3A_54 = %scan3A_44) -> (i32)  : i32 {
        %mul3A_55 = arith.constant 16 : i32
        %mul3A_56 = arith.muli %scan3A_53, %mul3A_55 : i32
        %get3A_57 = arith.index_cast %mul3A_56 : i32 to index
        %get3A_58 = tpu.vector_load %arg6[%get3A_57] {strides = array<i32>} : memref<1000xi32, #tpu.memory_space<vmem>>, vector<16xi32>,
        tpu.vector_store_idx %arg7[%get3A_58], %broadcast_in_dim3A_18 {add = true} : memref<10048xf32, #tpu.memory_space<vmem>>[vector<16xi32>], vector<16xf32>,
        %scan3A_59 = arith.constant 0 : i32
        scf.yield %scan3A_59 : i32
      }
      %scan3A_50 = arith.constant 61 : i32
      %get3A = arith.constant 984 : index
      %get3A_51 = tpu.vector_load %arg6[%get3A] {strides = array<i32>} : memref<1000xi32, #tpu.memory_space<vmem>>, vector<16xi32>,
      tpu.vector_store_idx %arg7[%get3A_51], %broadcast_in_dim3A_18 masked %ge3A_20 {add = true} : memref<10048xf32, #tpu.memory_space<vmem>>[vector<16xi32>], vector<16xf32>, vector<16xi1>
      %scan3A_52 = arith.constant 0 : i32
      scf.yield %scan3A_52 : i32
    }
    %scan3A_27 = arith.constant 25 : i32
    %scan3A_28 = arith.constant 0 : i32
    %scan3A_29 = arith.constant 0 : i32
    %scan3A_30 = arith.constant 25 : i32
    %scan3A_31 = arith.addi %scan3A_29, %scan3A_30 : i32
    %scan3A_32 = arith.constant 1 : i32
    %scan3A_33 = scf.for %scan3A_39 = %scan3A_29 to %scan3A_31 step %scan3A_32 iter_args(%scan3A_40 = %scan3A_28) -> (i32)  : i32 {
      %mul3A_41 = arith.constant 1000 : i32
      %mul3A_42 = arith.muli %scan3A_39, %mul3A_41 : i32
      %add3A_43 = arith.addi %mul3A_16, %mul3A_42 : i32
      "tpu.region"() ({
        %run_scoped3A = tpu.sem_alloc : memref<!tpu.dma_semaphore, #tpu.memory_space<semaphore_mem>>
        %dma_start3A = tpu.memref_slice %arg3[%add3A_43] : memref<800000xi32, #tpu.memory_space<hbm>> -> memref<1000xi32, #tpu.memory_space<hbm>>
        %dma_start3A_53 = tpu.memref_slice %arg3[%add3A_43] : memref<800000xi32, #tpu.memory_space<hbm>> -> memref<1000xi32, #tpu.memory_space<hbm>>
        tpu.enqueue_dma source(%dma_start3A_53 : memref<1000xi32, #tpu.memory_space<hbm>>) target(%arg6 : memref<1000xi32, #tpu.memory_space<vmem>>) target_semaphore(%run_scoped3A : memref<!tpu.dma_semaphore, #tpu.memory_space<semaphore_mem>>)
        %dma_wait3A = tpu.memref_slice %arg3[%add3A_43] : memref<800000xi32, #tpu.memory_space<hbm>> -> memref<1000xi32, #tpu.memory_space<hbm>>
        %dma_wait3A_54 = tpu.memref_slice %arg3[%add3A_43] : memref<800000xi32, #tpu.memory_space<hbm>> -> memref<1000xi32, #tpu.memory_space<hbm>>
        tpu.wait_dma2 semaphore(%run_scoped3A : memref<!tpu.dma_semaphore, #tpu.memory_space<semaphore_mem>>) src(%dma_wait3A_54 : memref<1000xi32, #tpu.memory_space<hbm>>) dst(%arg6 : memref<1000xi32, #tpu.memory_space<vmem>>)
        tpu.yield
      }) : () -> ()
      %scan3A_44 = arith.constant 0 : i32
      %scan3A_45 = arith.constant 0 : i32
      %scan3A_46 = arith.constant 61 : i32
      %scan3A_47 = arith.addi %scan3A_45, %scan3A_46 : i32
      %scan3A_48 = arith.constant 1 : i32
      %scan3A_49 = scf.for %scan3A_53 = %scan3A_45 to %scan3A_47 step %scan3A_48 iter_args(%scan3A_54 = %scan3A_44) -> (i32)  : i32 {
        %mul3A_55 = arith.constant 16 : i32
        %mul3A_56 = arith.muli %scan3A_53, %mul3A_55 : i32
        %get3A_57 = arith.index_cast %mul3A_56 : i32 to index
        %get3A_58 = tpu.vector_load %arg6[%get3A_57] {strides = array<i32>} : memref<1000xi32, #tpu.memory_space<vmem>>, vector<16xi32>,
        tpu.vector_store_idx %arg8[%get3A_58], %broadcast_in_dim3A_18 {add = true} : memref<50048xf32, #tpu.memory_space<vmem>>[vector<16xi32>], vector<16xf32>,
        %scan3A_59 = arith.constant 0 : i32
        scf.yield %scan3A_59 : i32
      }
      %scan3A_50 = arith.constant 61 : i32
      %get3A = arith.constant 984 : index
      %get3A_51 = tpu.vector_load %arg6[%get3A] {strides = array<i32>} : memref<1000xi32, #tpu.memory_space<vmem>>, vector<16xi32>,
      tpu.vector_store_idx %arg8[%get3A_51], %broadcast_in_dim3A_18 masked %ge3A_20 {add = true} : memref<50048xf32, #tpu.memory_space<vmem>>[vector<16xi32>], vector<16xf32>, vector<16xi1>
      %scan3A_52 = arith.constant 0 : i32
      scf.yield %scan3A_52 : i32
    }
    %scan3A_34 = arith.constant 25 : i32
    %mul3A_35 = arith.constant 10048 : i32
    %mul3A_36 = arith.muli %add3A, %mul3A_35 : i32
    "tpu.region"() ({
      %run_scoped3A = tpu.sem_alloc : memref<!tpu.dma_semaphore, #tpu.memory_space<semaphore_mem>>
      %dma_start3A = tpu.memref_slice %arg4[%mul3A_36] : memref<321536xf32, #tpu.memory_space<hbm>> -> memref<10048xf32, #tpu.memory_space<hbm>>
      %dma_start3A_39 = tpu.memref_slice %arg4[%mul3A_36] : memref<321536xf32, #tpu.memory_space<hbm>> -> memref<10048xf32, #tpu.memory_space<hbm>>
      tpu.enqueue_dma source(%arg7 : memref<10048xf32, #tpu.memory_space<vmem>>) target(%dma_start3A_39 : memref<10048xf32, #tpu.memory_space<hbm>>) target_semaphore(%run_scoped3A : memref<!tpu.dma_semaphore, #tpu.memory_space<semaphore_mem>>)
      %dma_wait3A = tpu.memref_slice %arg4[%mul3A_36] : memref<321536xf32, #tpu.memory_space<hbm>> -> memref<10048xf32, #tpu.memory_space<hbm>>
      %dma_wait3A_40 = tpu.memref_slice %arg4[%mul3A_36] : memref<321536xf32, #tpu.memory_space<hbm>> -> memref<10048xf32, #tpu.memory_space<hbm>>
      tpu.wait_dma2 semaphore(%run_scoped3A : memref<!tpu.dma_semaphore, #tpu.memory_space<semaphore_mem>>) src(%arg7 : memref<10048xf32, #tpu.memory_space<vmem>>) dst(%dma_wait3A_40 : memref<10048xf32, #tpu.memory_space<hbm>>)
      tpu.yield
    }) : () -> ()
    %mul3A_37 = arith.constant 50048 : i32
    %mul3A_38 = arith.muli %add3A, %mul3A_37 : i32
    "tpu.region"() ({
      %run_scoped3A = tpu.sem_alloc : memref<!tpu.dma_semaphore, #tpu.memory_space<semaphore_mem>>
      %dma_start3A = tpu.memref_slice %arg5[%mul3A_38] : memref<1601536xf32, #tpu.memory_space<hbm>> -> memref<50048xf32, #tpu.memory_space<hbm>>
      %dma_start3A_39 = tpu.memref_slice %arg5[%mul3A_38] : memref<1601536xf32, #tpu.memory_space<hbm>> -> memref<50048xf32, #tpu.memory_space<hbm>>
      tpu.enqueue_dma source(%arg8 : memref<50048xf32, #tpu.memory_space<vmem>>) target(%dma_start3A_39 : memref<50048xf32, #tpu.memory_space<hbm>>) target_semaphore(%run_scoped3A : memref<!tpu.dma_semaphore, #tpu.memory_space<semaphore_mem>>)
      %dma_wait3A = tpu.memref_slice %arg5[%mul3A_38] : memref<1601536xf32, #tpu.memory_space<hbm>> -> memref<50048xf32, #tpu.memory_space<hbm>>
      %dma_wait3A_40 = tpu.memref_slice %arg5[%mul3A_38] : memref<1601536xf32, #tpu.memory_space<hbm>> -> memref<50048xf32, #tpu.memory_space<hbm>>
      tpu.wait_dma2 semaphore(%run_scoped3A : memref<!tpu.dma_semaphore, #tpu.memory_space<semaphore_mem>>) src(%arg8 : memref<50048xf32, #tpu.memory_space<vmem>>) dst(%dma_wait3A_40 : memref<50048xf32, #tpu.memory_space<hbm>>)
      tpu.yield
    }) : () -> ()
    return
  }
}

#map = affine_map<(d0, d1) -> (0, 0)>
#map1 = affine_map<(d0, d1) -> (0)>
module attributes {stable_mosaic.version = 14 : i64} {
  func.func @body(%arg0: i32, %arg1: i32, %arg2: memref<10000x64xf32, #tpu.memory_space<hbm>>, %arg3: memref<800000xi32, #tpu.memory_space<hbm>>, %arg4: memref<800000xi32, #tpu.memory_space<hbm>>, %arg5: memref<25088x64xf32, #tpu.memory_space<hbm>>, %arg6: memref<1000xi32, #tpu.memory_space<vmem>>, %arg7: memref<1000xi32, #tpu.memory_space<vmem>>, %arg8: memref<1000xi32, #tpu.memory_space<vmem>>, %arg9: memref<1000x64xf32, #tpu.memory_space<vmem>>, %arg10: memref<12608x64xf32, #tpu.memory_space<vmem_shared>>, %arg11: memref<!tpu.dma_semaphore, #tpu.memory_space<semaphore_mem>>) attributes {dimension_semantics = [#tpu.dimension_semantics<core_parallel>, #tpu.dimension_semantics<subcore_parallel>], iteration_bounds = array<i64: 2, 16>, scalar_prefetch = 0 : i64, scratch_operands = 6 : i64, tpu.core_type = #tpu.core_type<sc_vector_subcore>, window_params = [{transform_indices = #map}, {transform_indices = #map1}, {transform_indices = #map1}, {transform_indices = #map}]} {
    %broadcast_in_dim3A = arith.constant 0.000000e+00 : f32
    %broadcast_in_dim3A_0 = vector.broadcast %broadcast_in_dim3A : f32 to vector<16xf32>
    %scan3A = arith.constant 0 : i32
    %scan3A_1 = arith.constant 0 : i32
    %scan3A_2 = arith.constant 1000 : i32
    %scan3A_3 = arith.addi %scan3A_1, %scan3A_2 : i32
    %scan3A_4 = arith.constant 1 : i32
    %scan3A_5 = scf.for %scan3A_26 = %scan3A_1 to %scan3A_3 step %scan3A_4 iter_args(%scan3A_27 = %scan3A) -> (i32)  : i32 {
      %swap3A = arith.index_cast %scan3A_26 : i32 to index
      %swap3A_28 = arith.constant 0 : index
      %swap3A_29 = tpu.vector_load %arg9[%swap3A, %swap3A_28] {strides = array<i32>} : memref<1000x64xf32, #tpu.memory_space<vmem>>, vector<1x16xf32>,
      %swap3A_30 = vector.shape_cast %swap3A_29 : vector<1x16xf32> to vector<16xf32>
      %swap3A_31 = vector.shape_cast %broadcast_in_dim3A_0 : vector<16xf32> to vector<1x16xf32>
      tpu.vector_store %arg9[%swap3A, %swap3A_28], %swap3A_31 {strides = array<i32>} : memref<1000x64xf32, #tpu.memory_space<vmem>>, vector<1x16xf32>,
      %swap3A_32 = arith.index_cast %scan3A_26 : i32 to index
      %swap3A_33 = arith.constant 16 : index
      %swap3A_34 = tpu.vector_load %arg9[%swap3A_32, %swap3A_33] {strides = array<i32>} : memref<1000x64xf32, #tpu.memory_space<vmem>>, vector<1x16xf32>,
      %swap3A_35 = vector.shape_cast %swap3A_34 : vector<1x16xf32> to vector<16xf32>
      %swap3A_36 = vector.shape_cast %broadcast_in_dim3A_0 : vector<16xf32> to vector<1x16xf32>
      tpu.vector_store %arg9[%swap3A_32, %swap3A_33], %swap3A_36 {strides = array<i32>} : memref<1000x64xf32, #tpu.memory_space<vmem>>, vector<1x16xf32>,
      %swap3A_37 = arith.index_cast %scan3A_26 : i32 to index
      %swap3A_38 = arith.constant 32 : index
      %swap3A_39 = tpu.vector_load %arg9[%swap3A_37, %swap3A_38] {strides = array<i32>} : memref<1000x64xf32, #tpu.memory_space<vmem>>, vector<1x16xf32>,
      %swap3A_40 = vector.shape_cast %swap3A_39 : vector<1x16xf32> to vector<16xf32>
      %swap3A_41 = vector.shape_cast %broadcast_in_dim3A_0 : vector<16xf32> to vector<1x16xf32>
      tpu.vector_store %arg9[%swap3A_37, %swap3A_38], %swap3A_41 {strides = array<i32>} : memref<1000x64xf32, #tpu.memory_space<vmem>>, vector<1x16xf32>,
      %swap3A_42 = arith.index_cast %scan3A_26 : i32 to index
      %swap3A_43 = arith.constant 48 : index
      %swap3A_44 = tpu.vector_load %arg9[%swap3A_42, %swap3A_43] {strides = array<i32>} : memref<1000x64xf32, #tpu.memory_space<vmem>>, vector<1x16xf32>,
      %swap3A_45 = vector.shape_cast %swap3A_44 : vector<1x16xf32> to vector<16xf32>
      %swap3A_46 = vector.shape_cast %broadcast_in_dim3A_0 : vector<16xf32> to vector<1x16xf32>
      tpu.vector_store %arg9[%swap3A_42, %swap3A_43], %swap3A_46 {strides = array<i32>} : memref<1000x64xf32, #tpu.memory_space<vmem>>, vector<1x16xf32>,
      %scan3A_47 = arith.constant 0 : i32
      scf.yield %scan3A_47 : i32
    }
    %scan3A_6 = arith.constant 1000 : i32
    %lt3A = arith.constant 8 : i32
    %lt3A_7 = arith.cmpi slt, %arg1, %lt3A : i32
    %convert_element_type3A = arith.extui %lt3A_7 : i1 to i32
    %cond3A = arith.constant 0 : i32
    %cond3A_8 = arith.cmpi ne, %convert_element_type3A, %cond3A : i32
    scf.if %cond3A_8 {
      %mul3A_26 = arith.constant 1576 : i32
      %mul3A_27 = arith.muli %arg1, %mul3A_26 : i32
      %add3A_28 = arith.constant 0 : i32
      %add3A_29 = arith.addi %mul3A_27, %add3A_28 : i32
      "tpu.region"() ({
        %run_scoped3A = tpu.sem_alloc : memref<!tpu.dma_semaphore, #tpu.memory_space<semaphore_mem>>
        %dma_start3A = arith.constant 0 : i32
        %dma_start3A_34 = arith.constant 0 : i32
        %dma_start3A_35 = tpu.memref_slice %arg9[%dma_start3A, %dma_start3A_34] : memref<1000x64xf32, #tpu.memory_space<vmem>> -> memref<1000x64xf32, #tpu.memory_space<vmem>>
        %dma_start3A_36 = arith.constant 0 : i32
        %dma_start3A_37 = tpu.memref_slice %arg10[%add3A_29, %dma_start3A_36] : memref<12608x64xf32, #tpu.memory_space<vmem_shared>> -> memref<1000x64xf32, #tpu.memory_space<vmem_shared>>
        %dma_start3A_38 = arith.constant 0 : i32
        %dma_start3A_39 = tpu.memref_slice %arg10[%add3A_29, %dma_start3A_38] : memref<12608x64xf32, #tpu.memory_space<vmem_shared>> -> memref<1000x64xf32, #tpu.memory_space<vmem_shared>>
        %dma_start3A_40 = arith.constant 0 : i32
        %dma_start3A_41 = arith.constant 0 : i32
        %dma_start3A_42 = tpu.memref_slice %arg9[%dma_start3A_40, %dma_start3A_41] : memref<1000x64xf32, #tpu.memory_space<vmem>> -> memref<1000x64xf32, #tpu.memory_space<vmem>>
        tpu.enqueue_dma source(%dma_start3A_42 : memref<1000x64xf32, #tpu.memory_space<vmem>>) target(%dma_start3A_39 : memref<1000x64xf32, #tpu.memory_space<vmem_shared>>) target_semaphore(%run_scoped3A : memref<!tpu.dma_semaphore, #tpu.memory_space<semaphore_mem>>)
        %dma_wait3A = arith.constant 0 : i32
        %dma_wait3A_43 = arith.constant 0 : i32
        %dma_wait3A_44 = tpu.memref_slice %arg9[%dma_wait3A, %dma_wait3A_43] : memref<1000x64xf32, #tpu.memory_space<vmem>> -> memref<1000x64xf32, #tpu.memory_space<vmem>>
        %dma_wait3A_45 = arith.constant 0 : i32
        %dma_wait3A_46 = tpu.memref_slice %arg10[%add3A_29, %dma_wait3A_45] : memref<12608x64xf32, #tpu.memory_space<vmem_shared>> -> memref<1000x64xf32, #tpu.memory_space<vmem_shared>>
        %dma_wait3A_47 = arith.constant 0 : i32
        %dma_wait3A_48 = tpu.memref_slice %arg10[%add3A_29, %dma_wait3A_47] : memref<12608x64xf32, #tpu.memory_space<vmem_shared>> -> memref<1000x64xf32, #tpu.memory_space<vmem_shared>>
        %dma_wait3A_49 = arith.constant 0 : i32
        %dma_wait3A_50 = arith.constant 0 : i32
        %dma_wait3A_51 = tpu.memref_slice %arg9[%dma_wait3A_49, %dma_wait3A_50] : memref<1000x64xf32, #tpu.memory_space<vmem>> -> memref<1000x64xf32, #tpu.memory_space<vmem>>
        tpu.wait_dma2 semaphore(%run_scoped3A : memref<!tpu.dma_semaphore, #tpu.memory_space<semaphore_mem>>) src(%dma_wait3A_51 : memref<1000x64xf32, #tpu.memory_space<vmem>>) dst(%dma_wait3A_48 : memref<1000x64xf32, #tpu.memory_space<vmem_shared>>)
        tpu.yield
      }) : () -> ()
      %mul3A_30 = arith.constant 1576 : i32
      %mul3A_31 = arith.muli %arg1, %mul3A_30 : i32
      %add3A_32 = arith.constant 1000 : i32
      %add3A_33 = arith.addi %mul3A_31, %add3A_32 : i32
      "tpu.region"() ({
        %run_scoped3A = tpu.sem_alloc : memref<!tpu.dma_semaphore, #tpu.memory_space<semaphore_mem>>
        %dma_start3A = arith.constant 0 : i32
        %dma_start3A_34 = arith.constant 0 : i32
        %dma_start3A_35 = tpu.memref_slice %arg9[%dma_start3A, %dma_start3A_34] : memref<1000x64xf32, #tpu.memory_space<vmem>> -> memref<576x64xf32, #tpu.memory_space<vmem>>
        %dma_start3A_36 = arith.constant 0 : i32
        %dma_start3A_37 = tpu.memref_slice %arg10[%add3A_33, %dma_start3A_36] : memref<12608x64xf32, #tpu.memory_space<vmem_shared>> -> memref<576x64xf32, #tpu.memory_space<vmem_shared>>
        %dma_start3A_38 = arith.constant 0 : i32
        %dma_start3A_39 = tpu.memref_slice %arg10[%add3A_33, %dma_start3A_38] : memref<12608x64xf32, #tpu.memory_space<vmem_shared>> -> memref<576x64xf32, #tpu.memory_space<vmem_shared>>
        %dma_start3A_40 = arith.constant 0 : i32
        %dma_start3A_41 = arith.constant 0 : i32
        %dma_start3A_42 = tpu.memref_slice %arg9[%dma_start3A_40, %dma_start3A_41] : memref<1000x64xf32, #tpu.memory_space<vmem>> -> memref<576x64xf32, #tpu.memory_space<vmem>>
        tpu.enqueue_dma source(%dma_start3A_42 : memref<576x64xf32, #tpu.memory_space<vmem>>) target(%dma_start3A_39 : memref<576x64xf32, #tpu.memory_space<vmem_shared>>) target_semaphore(%run_scoped3A : memref<!tpu.dma_semaphore, #tpu.memory_space<semaphore_mem>>)
        %dma_wait3A = arith.constant 0 : i32
        %dma_wait3A_43 = arith.constant 0 : i32
        %dma_wait3A_44 = tpu.memref_slice %arg9[%dma_wait3A, %dma_wait3A_43] : memref<1000x64xf32, #tpu.memory_space<vmem>> -> memref<576x64xf32, #tpu.memory_space<vmem>>
        %dma_wait3A_45 = arith.constant 0 : i32
        %dma_wait3A_46 = tpu.memref_slice %arg10[%add3A_33, %dma_wait3A_45] : memref<12608x64xf32, #tpu.memory_space<vmem_shared>> -> memref<576x64xf32, #tpu.memory_space<vmem_shared>>
        %dma_wait3A_47 = arith.constant 0 : i32
        %dma_wait3A_48 = tpu.memref_slice %arg10[%add3A_33, %dma_wait3A_47] : memref<12608x64xf32, #tpu.memory_space<vmem_shared>> -> memref<576x64xf32, #tpu.memory_space<vmem_shared>>
        %dma_wait3A_49 = arith.constant 0 : i32
        %dma_wait3A_50 = arith.constant 0 : i32
        %dma_wait3A_51 = tpu.memref_slice %arg9[%dma_wait3A_49, %dma_wait3A_50] : memref<1000x64xf32, #tpu.memory_space<vmem>> -> memref<576x64xf32, #tpu.memory_space<vmem>>
        tpu.wait_dma2 semaphore(%run_scoped3A : memref<!tpu.dma_semaphore, #tpu.memory_space<semaphore_mem>>) src(%dma_wait3A_51 : memref<576x64xf32, #tpu.memory_space<vmem>>) dst(%dma_wait3A_48 : memref<576x64xf32, #tpu.memory_space<vmem_shared>>)
        tpu.yield
      }) : () -> ()
    } else {
    }
    %barrier3A = arith.constant 0 : index
    tpu.barrier barrier_id(%barrier3A)
    %mul3A = arith.constant 50000 : i32
    %mul3A_9 = arith.muli %arg1, %mul3A : i32
    %add3A = arith.constant 0 : i32
    %add3A_10 = arith.addi %add3A, %arg0 : i32
    %mul3A_11 = arith.constant 12544 : i32
    %mul3A_12 = arith.muli %add3A_10, %mul3A_11 : i32
    %scan3A_13 = arith.constant 0 : i32
    %scan3A_14 = arith.constant 0 : i32
    %scan3A_15 = arith.constant 50 : i32
    %scan3A_16 = arith.addi %scan3A_14, %scan3A_15 : i32
    %scan3A_17 = arith.constant 1 : i32
    %scan3A_18 = scf.for %scan3A_26 = %scan3A_14 to %scan3A_16 step %scan3A_17 iter_args(%scan3A_27 = %scan3A_13) -> (i32)  : i32 {
      %mul3A_28 = arith.constant 1000 : i32
      %mul3A_29 = arith.muli %scan3A_26, %mul3A_28 : i32
      %add3A_30 = arith.addi %mul3A_9, %mul3A_29 : i32
      "tpu.region"() ({
        %run_scoped3A = tpu.sem_alloc : memref<!tpu.dma_semaphore, #tpu.memory_space<semaphore_mem>>
        %dma_start3A_46 = tpu.memref_slice %arg3[%add3A_30] : memref<800000xi32, #tpu.memory_space<hbm>> -> memref<1000xi32, #tpu.memory_space<hbm>>
        %dma_start3A_47 = tpu.memref_slice %arg3[%add3A_30] : memref<800000xi32, #tpu.memory_space<hbm>> -> memref<1000xi32, #tpu.memory_space<hbm>>
        tpu.enqueue_dma source(%dma_start3A_47 : memref<1000xi32, #tpu.memory_space<hbm>>) target(%arg6 : memref<1000xi32, #tpu.memory_space<vmem>>) target_semaphore(%run_scoped3A : memref<!tpu.dma_semaphore, #tpu.memory_space<semaphore_mem>>)
        %dma_wait3A_48 = tpu.memref_slice %arg3[%add3A_30] : memref<800000xi32, #tpu.memory_space<hbm>> -> memref<1000xi32, #tpu.memory_space<hbm>>
        %dma_wait3A_49 = tpu.memref_slice %arg3[%add3A_30] : memref<800000xi32, #tpu.memory_space<hbm>> -> memref<1000xi32, #tpu.memory_space<hbm>>
        tpu.wait_dma2 semaphore(%run_scoped3A : memref<!tpu.dma_semaphore, #tpu.memory_space<semaphore_mem>>) src(%dma_wait3A_49 : memref<1000xi32, #tpu.memory_space<hbm>>) dst(%arg6 : memref<1000xi32, #tpu.memory_space<vmem>>)
        tpu.yield
      }) : () -> ()
      %mul3A_31 = arith.constant 1000 : i32
      %mul3A_32 = arith.muli %scan3A_26, %mul3A_31 : i32
      %add3A_33 = arith.addi %mul3A_9, %mul3A_32 : i32
      "tpu.region"() ({
        %run_scoped3A = tpu.sem_alloc : memref<!tpu.dma_semaphore, #tpu.memory_space<semaphore_mem>>
        %dma_start3A_46 = tpu.memref_slice %arg4[%add3A_33] : memref<800000xi32, #tpu.memory_space<hbm>> -> memref<1000xi32, #tpu.memory_space<hbm>>
        %dma_start3A_47 = tpu.memref_slice %arg4[%add3A_33] : memref<800000xi32, #tpu.memory_space<hbm>> -> memref<1000xi32, #tpu.memory_space<hbm>>
        tpu.enqueue_dma source(%dma_start3A_47 : memref<1000xi32, #tpu.memory_space<hbm>>) target(%arg7 : memref<1000xi32, #tpu.memory_space<vmem>>) target_semaphore(%run_scoped3A : memref<!tpu.dma_semaphore, #tpu.memory_space<semaphore_mem>>)
        %dma_wait3A_48 = tpu.memref_slice %arg4[%add3A_33] : memref<800000xi32, #tpu.memory_space<hbm>> -> memref<1000xi32, #tpu.memory_space<hbm>>
        %dma_wait3A_49 = tpu.memref_slice %arg4[%add3A_33] : memref<800000xi32, #tpu.memory_space<hbm>> -> memref<1000xi32, #tpu.memory_space<hbm>>
        tpu.wait_dma2 semaphore(%run_scoped3A : memref<!tpu.dma_semaphore, #tpu.memory_space<semaphore_mem>>) src(%dma_wait3A_49 : memref<1000xi32, #tpu.memory_space<hbm>>) dst(%arg7 : memref<1000xi32, #tpu.memory_space<vmem>>)
        tpu.yield
      }) : () -> ()
      %dma_start3A = arith.constant 0 : i32
      %dma_start3A_34 = arith.constant 0 : i32
      %dma_start3A_35 = tpu.memref_slice %arg2[%dma_start3A, %dma_start3A_34] : memref<10000x64xf32, #tpu.memory_space<hbm>> -> memref<10000x64xf32, #tpu.memory_space<hbm>>
      tpu.enqueue_indirect_dma source(%dma_start3A_35 : memref<10000x64xf32, #tpu.memory_space<hbm>>) target(%arg9 : memref<1000x64xf32, #tpu.memory_space<vmem>>) offsets(%arg6 : memref<1000xi32, #tpu.memory_space<vmem>>) semaphore(%arg11 : memref<!tpu.dma_semaphore, #tpu.memory_space<semaphore_mem>>)
      %scan3A_36 = arith.constant 0 : i32
      %scan3A_37 = arith.constant 0 : i32
      %scan3A_38 = arith.constant 63 : i32
      %scan3A_39 = arith.addi %scan3A_37, %scan3A_38 : i32
      %scan3A_40 = arith.constant 1 : i32
      %scan3A_41 = scf.for %scan3A_46 = %scan3A_37 to %scan3A_39 step %scan3A_40 iter_args(%scan3A_47 = %scan3A_36) -> (i32)  : i32 {
        %mul3A_48 = arith.constant 16 : i32
        %mul3A_49 = arith.muli %scan3A_46, %mul3A_48 : i32
        %min3A = arith.constant 984 : i32
        %min3A_50 = arith.minsi %mul3A_49, %min3A : i32
        %get3A = arith.index_cast %min3A_50 : i32 to index
        %get3A_51 = tpu.vector_load %arg7[%get3A] {strides = array<i32>} : memref<1000xi32, #tpu.memory_space<vmem>>, vector<16xi32>,
        %sub3A = vector.broadcast %mul3A_12 : i32 to vector<16xi32>
        %sub3A_52 = arith.subi %get3A_51, %sub3A : vector<16xi32>
        %lt3A_53 = arith.constant 0 : i32
        %lt3A_54 = vector.broadcast %lt3A_53 : i32 to vector<16xi32>
        %lt3A_55 = arith.cmpi slt, %sub3A_52, %lt3A_54 : vector<16xi32>
        %ge3A = arith.constant 12544 : i32
        %ge3A_56 = vector.broadcast %ge3A : i32 to vector<16xi32>
        %ge3A_57 = arith.cmpi sge, %sub3A_52, %ge3A_56 : vector<16xi32>
        %or3A = arith.ori %lt3A_55, %ge3A_57 : vector<16xi1>
        %iota3A = tpu.iota {dimensions = array<i32: 0>} : vector<16xi32>
        %add3A_58 = arith.constant 12592 : i32
        %add3A_59 = vector.broadcast %add3A_58 : i32 to vector<16xi32>
        %add3A_60 = arith.addi %add3A_59, %iota3A : vector<16xi32>
        %select_n3A = arith.select %or3A, %add3A_60, %sub3A_52 : vector<16xi1>, vector<16xi32>
        %swap3A = arith.index_cast %min3A_50 : i32 to index
        %swap3A_61 = tpu.vector_load %arg8[%swap3A] {strides = array<i32>} : memref<1000xi32, #tpu.memory_space<vmem>>, vector<16xi32>,
        %swap3A_62 = vector.shape_cast %swap3A_61 : vector<16xi32> to vector<16xi32>
        %swap3A_63 = vector.shape_cast %select_n3A : vector<16xi32> to vector<16xi32>
        tpu.vector_store %arg8[%swap3A], %swap3A_63 {strides = array<i32>} : memref<1000xi32, #tpu.memory_space<vmem>>, vector<16xi32>,
        %scan3A_64 = arith.constant 0 : i32
        scf.yield %scan3A_64 : i32
      }
      %scan3A_42 = arith.constant 63 : i32
      %dma_wait3A = arith.constant 0 : i32
      %dma_wait3A_43 = arith.constant 0 : i32
      %dma_wait3A_44 = tpu.memref_slice %arg2[%dma_wait3A, %dma_wait3A_43] : memref<10000x64xf32, #tpu.memory_space<hbm>> -> memref<10000x64xf32, #tpu.memory_space<hbm>>
      tpu.wait_indirect_dma semaphore(%arg11 : memref<!tpu.dma_semaphore, #tpu.memory_space<semaphore_mem>>) src(%dma_wait3A_44 : memref<10000x64xf32, #tpu.memory_space<hbm>>) dst(%arg9 : memref<1000x64xf32, #tpu.memory_space<vmem>>)
      "tpu.region"() ({
        %run_scoped3A = tpu.sem_alloc : memref<!tpu.dma_semaphore, #tpu.memory_space<semaphore_mem>>
        %dma_start3A_46 = arith.constant 0 : i32
        %dma_start3A_47 = arith.constant 0 : i32
        %dma_start3A_48 = tpu.memref_slice %arg10[%dma_start3A_46, %dma_start3A_47] : memref<12608x64xf32, #tpu.memory_space<vmem_shared>> -> memref<12608x64xf32, #tpu.memory_space<vmem_shared>>
        tpu.enqueue_indirect_dma source(%arg9 : memref<1000x64xf32, #tpu.memory_space<vmem>>) target(%dma_start3A_48 : memref<12608x64xf32, #tpu.memory_space<vmem_shared>>) offsets(%arg8 : memref<1000xi32, #tpu.memory_space<vmem>>) semaphore(%run_scoped3A : memref<!tpu.dma_semaphore, #tpu.memory_space<semaphore_mem>>) {add = true}
        %dma_wait3A_49 = arith.constant 0 : i32
        %dma_wait3A_50 = arith.constant 0 : i32
        %dma_wait3A_51 = tpu.memref_slice %arg10[%dma_wait3A_49, %dma_wait3A_50] : memref<12608x64xf32, #tpu.memory_space<vmem_shared>> -> memref<12608x64xf32, #tpu.memory_space<vmem_shared>>
        tpu.wait_indirect_dma semaphore(%run_scoped3A : memref<!tpu.dma_semaphore, #tpu.memory_space<semaphore_mem>>) src(%arg9 : memref<1000x64xf32, #tpu.memory_space<vmem>>) dst(%dma_wait3A_51 : memref<12608x64xf32, #tpu.memory_space<vmem_shared>>)
        tpu.yield
      }) : () -> ()
      %scan3A_45 = arith.constant 0 : i32
      scf.yield %scan3A_45 : i32
    }
    %scan3A_19 = arith.constant 50 : i32
    %barrier3A_20 = arith.constant 0 : index
    tpu.barrier barrier_id(%barrier3A_20)
    %lt3A_21 = arith.constant 8 : i32
    %lt3A_22 = arith.cmpi slt, %arg1, %lt3A_21 : i32
    %convert_element_type3A_23 = arith.extui %lt3A_22 : i1 to i32
    %cond3A_24 = arith.constant 0 : i32
    %cond3A_25 = arith.cmpi ne, %convert_element_type3A_23, %cond3A_24 : i32
    scf.if %cond3A_25 {
      %mul3A_26 = arith.constant 1568 : i32
      %mul3A_27 = arith.muli %arg1, %mul3A_26 : i32
      %mul3A_28 = arith.constant 12544 : i32
      %mul3A_29 = arith.muli %arg0, %mul3A_28 : i32
      %mul3A_30 = arith.constant 1568 : i32
      %mul3A_31 = arith.muli %arg1, %mul3A_30 : i32
      %add3A_32 = arith.addi %mul3A_29, %mul3A_31 : i32
      "tpu.region"() ({
        %run_scoped3A = tpu.sem_alloc : memref<!tpu.dma_semaphore, #tpu.memory_space<semaphore_mem>>
        %dma_start3A = arith.constant 0 : i32
        %dma_start3A_33 = tpu.memref_slice %arg5[%add3A_32, %dma_start3A] : memref<25088x64xf32, #tpu.memory_space<hbm>> -> memref<1568x64xf32, #tpu.memory_space<hbm>>
        %dma_start3A_34 = arith.constant 0 : i32
        %dma_start3A_35 = tpu.memref_slice %arg10[%mul3A_27, %dma_start3A_34] : memref<12608x64xf32, #tpu.memory_space<vmem_shared>> -> memref<1568x64xf32, #tpu.memory_space<vmem_shared>>
        tpu.enqueue_dma source(%dma_start3A_35 : memref<1568x64xf32, #tpu.memory_space<vmem_shared>>) target(%dma_start3A_33 : memref<1568x64xf32, #tpu.memory_space<hbm>>) target_semaphore(%run_scoped3A : memref<!tpu.dma_semaphore, #tpu.memory_space<semaphore_mem>>)
        %dma_wait3A = arith.constant 0 : i32
        %dma_wait3A_36 = tpu.memref_slice %arg5[%add3A_32, %dma_wait3A] : memref<25088x64xf32, #tpu.memory_space<hbm>> -> memref<1568x64xf32, #tpu.memory_space<hbm>>
        %dma_wait3A_37 = arith.constant 0 : i32
        %dma_wait3A_38 = tpu.memref_slice %arg10[%mul3A_27, %dma_wait3A_37] : memref<12608x64xf32, #tpu.memory_space<vmem_shared>> -> memref<1568x64xf32, #tpu.memory_space<vmem_shared>>
        tpu.wait_dma2 semaphore(%run_scoped3A : memref<!tpu.dma_semaphore, #tpu.memory_space<semaphore_mem>>) src(%dma_wait3A_38 : memref<1568x64xf32, #tpu.memory_space<vmem_shared>>) dst(%dma_wait3A_36 : memref<1568x64xf32, #tpu.memory_space<hbm>>)
        tpu.yield
      }) : () -> ()
    } else {
    }
    return
  }
}

#map = affine_map<(d0, d1) -> (0, 0)>
#map1 = affine_map<(d0, d1) -> (0)>
module attributes {stable_mosaic.version = 14 : i64} {
  func.func @body(%arg0: i32, %arg1: i32, %arg2: memref<10000x64xf32, #tpu.memory_space<hbm>>, %arg3: memref<800000xi32, #tpu.memory_space<hbm>>, %arg4: memref<800000xi32, #tpu.memory_space<hbm>>, %arg5: memref<25088x64xf32, #tpu.memory_space<hbm>>, %arg6: memref<1000xi32, #tpu.memory_space<vmem>>, %arg7: memref<1000xi32, #tpu.memory_space<vmem>>, %arg8: memref<1000xi32, #tpu.memory_space<vmem>>, %arg9: memref<1000x64xf32, #tpu.memory_space<vmem>>, %arg10: memref<12608x64xf32, #tpu.memory_space<vmem_shared>>, %arg11: memref<!tpu.dma_semaphore, #tpu.memory_space<semaphore_mem>>) attributes {dimension_semantics = [#tpu.dimension_semantics<core_parallel>, #tpu.dimension_semantics<subcore_parallel>], iteration_bounds = array<i64: 2, 16>, scalar_prefetch = 0 : i64, scratch_operands = 6 : i64, tpu.core_type = #tpu.core_type<sc_vector_subcore>, window_params = [{transform_indices = #map}, {transform_indices = #map1}, {transform_indices = #map1}, {transform_indices = #map}]} {
    %broadcast_in_dim3A = arith.constant 0.000000e+00 : f32
    %broadcast_in_dim3A_0 = vector.broadcast %broadcast_in_dim3A : f32 to vector<16xf32>
    %scan3A = arith.constant 0 : i32
    %scan3A_1 = arith.constant 0 : i32
    %scan3A_2 = arith.constant 1000 : i32
    %scan3A_3 = arith.addi %scan3A_1, %scan3A_2 : i32
    %scan3A_4 = arith.constant 1 : i32
    %scan3A_5 = scf.for %scan3A_26 = %scan3A_1 to %scan3A_3 step %scan3A_4 iter_args(%scan3A_27 = %scan3A) -> (i32)  : i32 {
      %swap3A = arith.index_cast %scan3A_26 : i32 to index
      %swap3A_28 = arith.constant 0 : index
      %swap3A_29 = tpu.vector_load %arg9[%swap3A, %swap3A_28] {strides = array<i32>} : memref<1000x64xf32, #tpu.memory_space<vmem>>, vector<1x16xf32>,
      %swap3A_30 = vector.shape_cast %swap3A_29 : vector<1x16xf32> to vector<16xf32>
      %swap3A_31 = vector.shape_cast %broadcast_in_dim3A_0 : vector<16xf32> to vector<1x16xf32>
      tpu.vector_store %arg9[%swap3A, %swap3A_28], %swap3A_31 {strides = array<i32>} : memref<1000x64xf32, #tpu.memory_space<vmem>>, vector<1x16xf32>,
      %swap3A_32 = arith.index_cast %scan3A_26 : i32 to index
      %swap3A_33 = arith.constant 16 : index
      %swap3A_34 = tpu.vector_load %arg9[%swap3A_32, %swap3A_33] {strides = array<i32>} : memref<1000x64xf32, #tpu.memory_space<vmem>>, vector<1x16xf32>,
      %swap3A_35 = vector.shape_cast %swap3A_34 : vector<1x16xf32> to vector<16xf32>
      %swap3A_36 = vector.shape_cast %broadcast_in_dim3A_0 : vector<16xf32> to vector<1x16xf32>
      tpu.vector_store %arg9[%swap3A_32, %swap3A_33], %swap3A_36 {strides = array<i32>} : memref<1000x64xf32, #tpu.memory_space<vmem>>, vector<1x16xf32>,
      %swap3A_37 = arith.index_cast %scan3A_26 : i32 to index
      %swap3A_38 = arith.constant 32 : index
      %swap3A_39 = tpu.vector_load %arg9[%swap3A_37, %swap3A_38] {strides = array<i32>} : memref<1000x64xf32, #tpu.memory_space<vmem>>, vector<1x16xf32>,
      %swap3A_40 = vector.shape_cast %swap3A_39 : vector<1x16xf32> to vector<16xf32>
      %swap3A_41 = vector.shape_cast %broadcast_in_dim3A_0 : vector<16xf32> to vector<1x16xf32>
      tpu.vector_store %arg9[%swap3A_37, %swap3A_38], %swap3A_41 {strides = array<i32>} : memref<1000x64xf32, #tpu.memory_space<vmem>>, vector<1x16xf32>,
      %swap3A_42 = arith.index_cast %scan3A_26 : i32 to index
      %swap3A_43 = arith.constant 48 : index
      %swap3A_44 = tpu.vector_load %arg9[%swap3A_42, %swap3A_43] {strides = array<i32>} : memref<1000x64xf32, #tpu.memory_space<vmem>>, vector<1x16xf32>,
      %swap3A_45 = vector.shape_cast %swap3A_44 : vector<1x16xf32> to vector<16xf32>
      %swap3A_46 = vector.shape_cast %broadcast_in_dim3A_0 : vector<16xf32> to vector<1x16xf32>
      tpu.vector_store %arg9[%swap3A_42, %swap3A_43], %swap3A_46 {strides = array<i32>} : memref<1000x64xf32, #tpu.memory_space<vmem>>, vector<1x16xf32>,
      %scan3A_47 = arith.constant 0 : i32
      scf.yield %scan3A_47 : i32
    }
    %scan3A_6 = arith.constant 1000 : i32
    %lt3A = arith.constant 8 : i32
    %lt3A_7 = arith.cmpi slt, %arg1, %lt3A : i32
    %convert_element_type3A = arith.extui %lt3A_7 : i1 to i32
    %cond3A = arith.constant 0 : i32
    %cond3A_8 = arith.cmpi ne, %convert_element_type3A, %cond3A : i32
    scf.if %cond3A_8 {
      %mul3A_26 = arith.constant 1576 : i32
      %mul3A_27 = arith.muli %arg1, %mul3A_26 : i32
      %add3A_28 = arith.constant 0 : i32
      %add3A_29 = arith.addi %mul3A_27, %add3A_28 : i32
      "tpu.region"() ({
        %run_scoped3A = tpu.sem_alloc : memref<!tpu.dma_semaphore, #tpu.memory_space<semaphore_mem>>
        %dma_start3A = arith.constant 0 : i32
        %dma_start3A_34 = arith.constant 0 : i32
        %dma_start3A_35 = tpu.memref_slice %arg9[%dma_start3A, %dma_start3A_34] : memref<1000x64xf32, #tpu.memory_space<vmem>> -> memref<1000x64xf32, #tpu.memory_space<vmem>>
        %dma_start3A_36 = arith.constant 0 : i32
        %dma_start3A_37 = tpu.memref_slice %arg10[%add3A_29, %dma_start3A_36] : memref<12608x64xf32, #tpu.memory_space<vmem_shared>> -> memref<1000x64xf32, #tpu.memory_space<vmem_shared>>
        %dma_start3A_38 = arith.constant 0 : i32
        %dma_start3A_39 = tpu.memref_slice %arg10[%add3A_29, %dma_start3A_38] : memref<12608x64xf32, #tpu.memory_space<vmem_shared>> -> memref<1000x64xf32, #tpu.memory_space<vmem_shared>>
        %dma_start3A_40 = arith.constant 0 : i32
        %dma_start3A_41 = arith.constant 0 : i32
        %dma_start3A_42 = tpu.memref_slice %arg9[%dma_start3A_40, %dma_start3A_41] : memref<1000x64xf32, #tpu.memory_space<vmem>> -> memref<1000x64xf32, #tpu.memory_space<vmem>>
        tpu.enqueue_dma source(%dma_start3A_42 : memref<1000x64xf32, #tpu.memory_space<vmem>>) target(%dma_start3A_39 : memref<1000x64xf32, #tpu.memory_space<vmem_shared>>) target_semaphore(%run_scoped3A : memref<!tpu.dma_semaphore, #tpu.memory_space<semaphore_mem>>)
        %dma_wait3A = arith.constant 0 : i32
        %dma_wait3A_43 = arith.constant 0 : i32
        %dma_wait3A_44 = tpu.memref_slice %arg9[%dma_wait3A, %dma_wait3A_43] : memref<1000x64xf32, #tpu.memory_space<vmem>> -> memref<1000x64xf32, #tpu.memory_space<vmem>>
        %dma_wait3A_45 = arith.constant 0 : i32
        %dma_wait3A_46 = tpu.memref_slice %arg10[%add3A_29, %dma_wait3A_45] : memref<12608x64xf32, #tpu.memory_space<vmem_shared>> -> memref<1000x64xf32, #tpu.memory_space<vmem_shared>>
        %dma_wait3A_47 = arith.constant 0 : i32
        %dma_wait3A_48 = tpu.memref_slice %arg10[%add3A_29, %dma_wait3A_47] : memref<12608x64xf32, #tpu.memory_space<vmem_shared>> -> memref<1000x64xf32, #tpu.memory_space<vmem_shared>>
        %dma_wait3A_49 = arith.constant 0 : i32
        %dma_wait3A_50 = arith.constant 0 : i32
        %dma_wait3A_51 = tpu.memref_slice %arg9[%dma_wait3A_49, %dma_wait3A_50] : memref<1000x64xf32, #tpu.memory_space<vmem>> -> memref<1000x64xf32, #tpu.memory_space<vmem>>
        tpu.wait_dma2 semaphore(%run_scoped3A : memref<!tpu.dma_semaphore, #tpu.memory_space<semaphore_mem>>) src(%dma_wait3A_51 : memref<1000x64xf32, #tpu.memory_space<vmem>>) dst(%dma_wait3A_48 : memref<1000x64xf32, #tpu.memory_space<vmem_shared>>)
        tpu.yield
      }) : () -> ()
      %mul3A_30 = arith.constant 1576 : i32
      %mul3A_31 = arith.muli %arg1, %mul3A_30 : i32
      %add3A_32 = arith.constant 1000 : i32
      %add3A_33 = arith.addi %mul3A_31, %add3A_32 : i32
      "tpu.region"() ({
        %run_scoped3A = tpu.sem_alloc : memref<!tpu.dma_semaphore, #tpu.memory_space<semaphore_mem>>
        %dma_start3A = arith.constant 0 : i32
        %dma_start3A_34 = arith.constant 0 : i32
        %dma_start3A_35 = tpu.memref_slice %arg9[%dma_start3A, %dma_start3A_34] : memref<1000x64xf32, #tpu.memory_space<vmem>> -> memref<576x64xf32, #tpu.memory_space<vmem>>
        %dma_start3A_36 = arith.constant 0 : i32
        %dma_start3A_37 = tpu.memref_slice %arg10[%add3A_33, %dma_start3A_36] : memref<12608x64xf32, #tpu.memory_space<vmem_shared>> -> memref<576x64xf32, #tpu.memory_space<vmem_shared>>
        %dma_start3A_38 = arith.constant 0 : i32
        %dma_start3A_39 = tpu.memref_slice %arg10[%add3A_33, %dma_start3A_38] : memref<12608x64xf32, #tpu.memory_space<vmem_shared>> -> memref<576x64xf32, #tpu.memory_space<vmem_shared>>
        %dma_start3A_40 = arith.constant 0 : i32
        %dma_start3A_41 = arith.constant 0 : i32
        %dma_start3A_42 = tpu.memref_slice %arg9[%dma_start3A_40, %dma_start3A_41] : memref<1000x64xf32, #tpu.memory_space<vmem>> -> memref<576x64xf32, #tpu.memory_space<vmem>>
        tpu.enqueue_dma source(%dma_start3A_42 : memref<576x64xf32, #tpu.memory_space<vmem>>) target(%dma_start3A_39 : memref<576x64xf32, #tpu.memory_space<vmem_shared>>) target_semaphore(%run_scoped3A : memref<!tpu.dma_semaphore, #tpu.memory_space<semaphore_mem>>)
        %dma_wait3A = arith.constant 0 : i32
        %dma_wait3A_43 = arith.constant 0 : i32
        %dma_wait3A_44 = tpu.memref_slice %arg9[%dma_wait3A, %dma_wait3A_43] : memref<1000x64xf32, #tpu.memory_space<vmem>> -> memref<576x64xf32, #tpu.memory_space<vmem>>
        %dma_wait3A_45 = arith.constant 0 : i32
        %dma_wait3A_46 = tpu.memref_slice %arg10[%add3A_33, %dma_wait3A_45] : memref<12608x64xf32, #tpu.memory_space<vmem_shared>> -> memref<576x64xf32, #tpu.memory_space<vmem_shared>>
        %dma_wait3A_47 = arith.constant 0 : i32
        %dma_wait3A_48 = tpu.memref_slice %arg10[%add3A_33, %dma_wait3A_47] : memref<12608x64xf32, #tpu.memory_space<vmem_shared>> -> memref<576x64xf32, #tpu.memory_space<vmem_shared>>
        %dma_wait3A_49 = arith.constant 0 : i32
        %dma_wait3A_50 = arith.constant 0 : i32
        %dma_wait3A_51 = tpu.memref_slice %arg9[%dma_wait3A_49, %dma_wait3A_50] : memref<1000x64xf32, #tpu.memory_space<vmem>> -> memref<576x64xf32, #tpu.memory_space<vmem>>
        tpu.wait_dma2 semaphore(%run_scoped3A : memref<!tpu.dma_semaphore, #tpu.memory_space<semaphore_mem>>) src(%dma_wait3A_51 : memref<576x64xf32, #tpu.memory_space<vmem>>) dst(%dma_wait3A_48 : memref<576x64xf32, #tpu.memory_space<vmem_shared>>)
        tpu.yield
      }) : () -> ()
    } else {
    }
    %barrier3A = arith.constant 0 : index
    tpu.barrier barrier_id(%barrier3A)
    %mul3A = arith.constant 50000 : i32
    %mul3A_9 = arith.muli %arg1, %mul3A : i32
    %add3A = arith.constant 2 : i32
    %add3A_10 = arith.addi %add3A, %arg0 : i32
    %mul3A_11 = arith.constant 12544 : i32
    %mul3A_12 = arith.muli %add3A_10, %mul3A_11 : i32
    %scan3A_13 = arith.constant 0 : i32
    %scan3A_14 = arith.constant 0 : i32
    %scan3A_15 = arith.constant 50 : i32
    %scan3A_16 = arith.addi %scan3A_14, %scan3A_15 : i32
    %scan3A_17 = arith.constant 1 : i32
    %scan3A_18 = scf.for %scan3A_26 = %scan3A_14 to %scan3A_16 step %scan3A_17 iter_args(%scan3A_27 = %scan3A_13) -> (i32)  : i32 {
      %mul3A_28 = arith.constant 1000 : i32
      %mul3A_29 = arith.muli %scan3A_26, %mul3A_28 : i32
      %add3A_30 = arith.addi %mul3A_9, %mul3A_29 : i32
      "tpu.region"() ({
        %run_scoped3A = tpu.sem_alloc : memref<!tpu.dma_semaphore, #tpu.memory_space<semaphore_mem>>
        %dma_start3A_46 = tpu.memref_slice %arg3[%add3A_30] : memref<800000xi32, #tpu.memory_space<hbm>> -> memref<1000xi32, #tpu.memory_space<hbm>>
        %dma_start3A_47 = tpu.memref_slice %arg3[%add3A_30] : memref<800000xi32, #tpu.memory_space<hbm>> -> memref<1000xi32, #tpu.memory_space<hbm>>
        tpu.enqueue_dma source(%dma_start3A_47 : memref<1000xi32, #tpu.memory_space<hbm>>) target(%arg6 : memref<1000xi32, #tpu.memory_space<vmem>>) target_semaphore(%run_scoped3A : memref<!tpu.dma_semaphore, #tpu.memory_space<semaphore_mem>>)
        %dma_wait3A_48 = tpu.memref_slice %arg3[%add3A_30] : memref<800000xi32, #tpu.memory_space<hbm>> -> memref<1000xi32, #tpu.memory_space<hbm>>
        %dma_wait3A_49 = tpu.memref_slice %arg3[%add3A_30] : memref<800000xi32, #tpu.memory_space<hbm>> -> memref<1000xi32, #tpu.memory_space<hbm>>
        tpu.wait_dma2 semaphore(%run_scoped3A : memref<!tpu.dma_semaphore, #tpu.memory_space<semaphore_mem>>) src(%dma_wait3A_49 : memref<1000xi32, #tpu.memory_space<hbm>>) dst(%arg6 : memref<1000xi32, #tpu.memory_space<vmem>>)
        tpu.yield
      }) : () -> ()
      %mul3A_31 = arith.constant 1000 : i32
      %mul3A_32 = arith.muli %scan3A_26, %mul3A_31 : i32
      %add3A_33 = arith.addi %mul3A_9, %mul3A_32 : i32
      "tpu.region"() ({
        %run_scoped3A = tpu.sem_alloc : memref<!tpu.dma_semaphore, #tpu.memory_space<semaphore_mem>>
        %dma_start3A_46 = tpu.memref_slice %arg4[%add3A_33] : memref<800000xi32, #tpu.memory_space<hbm>> -> memref<1000xi32, #tpu.memory_space<hbm>>
        %dma_start3A_47 = tpu.memref_slice %arg4[%add3A_33] : memref<800000xi32, #tpu.memory_space<hbm>> -> memref<1000xi32, #tpu.memory_space<hbm>>
        tpu.enqueue_dma source(%dma_start3A_47 : memref<1000xi32, #tpu.memory_space<hbm>>) target(%arg7 : memref<1000xi32, #tpu.memory_space<vmem>>) target_semaphore(%run_scoped3A : memref<!tpu.dma_semaphore, #tpu.memory_space<semaphore_mem>>)
        %dma_wait3A_48 = tpu.memref_slice %arg4[%add3A_33] : memref<800000xi32, #tpu.memory_space<hbm>> -> memref<1000xi32, #tpu.memory_space<hbm>>
        %dma_wait3A_49 = tpu.memref_slice %arg4[%add3A_33] : memref<800000xi32, #tpu.memory_space<hbm>> -> memref<1000xi32, #tpu.memory_space<hbm>>
        tpu.wait_dma2 semaphore(%run_scoped3A : memref<!tpu.dma_semaphore, #tpu.memory_space<semaphore_mem>>) src(%dma_wait3A_49 : memref<1000xi32, #tpu.memory_space<hbm>>) dst(%arg7 : memref<1000xi32, #tpu.memory_space<vmem>>)
        tpu.yield
      }) : () -> ()
      %dma_start3A = arith.constant 0 : i32
      %dma_start3A_34 = arith.constant 0 : i32
      %dma_start3A_35 = tpu.memref_slice %arg2[%dma_start3A, %dma_start3A_34] : memref<10000x64xf32, #tpu.memory_space<hbm>> -> memref<10000x64xf32, #tpu.memory_space<hbm>>
      tpu.enqueue_indirect_dma source(%dma_start3A_35 : memref<10000x64xf32, #tpu.memory_space<hbm>>) target(%arg9 : memref<1000x64xf32, #tpu.memory_space<vmem>>) offsets(%arg6 : memref<1000xi32, #tpu.memory_space<vmem>>) semaphore(%arg11 : memref<!tpu.dma_semaphore, #tpu.memory_space<semaphore_mem>>)
      %scan3A_36 = arith.constant 0 : i32
      %scan3A_37 = arith.constant 0 : i32
      %scan3A_38 = arith.constant 63 : i32
      %scan3A_39 = arith.addi %scan3A_37, %scan3A_38 : i32
      %scan3A_40 = arith.constant 1 : i32
      %scan3A_41 = scf.for %scan3A_46 = %scan3A_37 to %scan3A_39 step %scan3A_40 iter_args(%scan3A_47 = %scan3A_36) -> (i32)  : i32 {
        %mul3A_48 = arith.constant 16 : i32
        %mul3A_49 = arith.muli %scan3A_46, %mul3A_48 : i32
        %min3A = arith.constant 984 : i32
        %min3A_50 = arith.minsi %mul3A_49, %min3A : i32
        %get3A = arith.index_cast %min3A_50 : i32 to index
        %get3A_51 = tpu.vector_load %arg7[%get3A] {strides = array<i32>} : memref<1000xi32, #tpu.memory_space<vmem>>, vector<16xi32>,
        %sub3A = vector.broadcast %mul3A_12 : i32 to vector<16xi32>
        %sub3A_52 = arith.subi %get3A_51, %sub3A : vector<16xi32>
        %lt3A_53 = arith.constant 0 : i32
        %lt3A_54 = vector.broadcast %lt3A_53 : i32 to vector<16xi32>
        %lt3A_55 = arith.cmpi slt, %sub3A_52, %lt3A_54 : vector<16xi32>
        %ge3A = arith.constant 12544 : i32
        %ge3A_56 = vector.broadcast %ge3A : i32 to vector<16xi32>
        %ge3A_57 = arith.cmpi sge, %sub3A_52, %ge3A_56 : vector<16xi32>
        %or3A = arith.ori %lt3A_55, %ge3A_57 : vector<16xi1>
        %iota3A = tpu.iota {dimensions = array<i32: 0>} : vector<16xi32>
        %add3A_58 = arith.constant 12592 : i32
        %add3A_59 = vector.broadcast %add3A_58 : i32 to vector<16xi32>
        %add3A_60 = arith.addi %add3A_59, %iota3A : vector<16xi32>
        %select_n3A = arith.select %or3A, %add3A_60, %sub3A_52 : vector<16xi1>, vector<16xi32>
        %swap3A = arith.index_cast %min3A_50 : i32 to index
        %swap3A_61 = tpu.vector_load %arg8[%swap3A] {strides = array<i32>} : memref<1000xi32, #tpu.memory_space<vmem>>, vector<16xi32>,
        %swap3A_62 = vector.shape_cast %swap3A_61 : vector<16xi32> to vector<16xi32>
        %swap3A_63 = vector.shape_cast %select_n3A : vector<16xi32> to vector<16xi32>
        tpu.vector_store %arg8[%swap3A], %swap3A_63 {strides = array<i32>} : memref<1000xi32, #tpu.memory_space<vmem>>, vector<16xi32>,
        %scan3A_64 = arith.constant 0 : i32
        scf.yield %scan3A_64 : i32
      }
      %scan3A_42 = arith.constant 63 : i32
      %dma_wait3A = arith.constant 0 : i32
      %dma_wait3A_43 = arith.constant 0 : i32
      %dma_wait3A_44 = tpu.memref_slice %arg2[%dma_wait3A, %dma_wait3A_43] : memref<10000x64xf32, #tpu.memory_space<hbm>> -> memref<10000x64xf32, #tpu.memory_space<hbm>>
      tpu.wait_indirect_dma semaphore(%arg11 : memref<!tpu.dma_semaphore, #tpu.memory_space<semaphore_mem>>) src(%dma_wait3A_44 : memref<10000x64xf32, #tpu.memory_space<hbm>>) dst(%arg9 : memref<1000x64xf32, #tpu.memory_space<vmem>>)
      "tpu.region"() ({
        %run_scoped3A = tpu.sem_alloc : memref<!tpu.dma_semaphore, #tpu.memory_space<semaphore_mem>>
        %dma_start3A_46 = arith.constant 0 : i32
        %dma_start3A_47 = arith.constant 0 : i32
        %dma_start3A_48 = tpu.memref_slice %arg10[%dma_start3A_46, %dma_start3A_47] : memref<12608x64xf32, #tpu.memory_space<vmem_shared>> -> memref<12608x64xf32, #tpu.memory_space<vmem_shared>>
        tpu.enqueue_indirect_dma source(%arg9 : memref<1000x64xf32, #tpu.memory_space<vmem>>) target(%dma_start3A_48 : memref<12608x64xf32, #tpu.memory_space<vmem_shared>>) offsets(%arg8 : memref<1000xi32, #tpu.memory_space<vmem>>) semaphore(%run_scoped3A : memref<!tpu.dma_semaphore, #tpu.memory_space<semaphore_mem>>) {add = true}
        %dma_wait3A_49 = arith.constant 0 : i32
        %dma_wait3A_50 = arith.constant 0 : i32
        %dma_wait3A_51 = tpu.memref_slice %arg10[%dma_wait3A_49, %dma_wait3A_50] : memref<12608x64xf32, #tpu.memory_space<vmem_shared>> -> memref<12608x64xf32, #tpu.memory_space<vmem_shared>>
        tpu.wait_indirect_dma semaphore(%run_scoped3A : memref<!tpu.dma_semaphore, #tpu.memory_space<semaphore_mem>>) src(%arg9 : memref<1000x64xf32, #tpu.memory_space<vmem>>) dst(%dma_wait3A_51 : memref<12608x64xf32, #tpu.memory_space<vmem_shared>>)
        tpu.yield
      }) : () -> ()
      %scan3A_45 = arith.constant 0 : i32
      scf.yield %scan3A_45 : i32
    }
    %scan3A_19 = arith.constant 50 : i32
    %barrier3A_20 = arith.constant 0 : index
    tpu.barrier barrier_id(%barrier3A_20)
    %lt3A_21 = arith.constant 8 : i32
    %lt3A_22 = arith.cmpi slt, %arg1, %lt3A_21 : i32
    %convert_element_type3A_23 = arith.extui %lt3A_22 : i1 to i32
    %cond3A_24 = arith.constant 0 : i32
    %cond3A_25 = arith.cmpi ne, %convert_element_type3A_23, %cond3A_24 : i32
    scf.if %cond3A_25 {
      %mul3A_26 = arith.constant 1568 : i32
      %mul3A_27 = arith.muli %arg1, %mul3A_26 : i32
      %mul3A_28 = arith.constant 12544 : i32
      %mul3A_29 = arith.muli %arg0, %mul3A_28 : i32
      %mul3A_30 = arith.constant 1568 : i32
      %mul3A_31 = arith.muli %arg1, %mul3A_30 : i32
      %add3A_32 = arith.addi %mul3A_29, %mul3A_31 : i32
      "tpu.region"() ({
        %run_scoped3A = tpu.sem_alloc : memref<!tpu.dma_semaphore, #tpu.memory_space<semaphore_mem>>
        %dma_start3A = arith.constant 0 : i32
        %dma_start3A_33 = tpu.memref_slice %arg5[%add3A_32, %dma_start3A] : memref<25088x64xf32, #tpu.memory_space<hbm>> -> memref<1568x64xf32, #tpu.memory_space<hbm>>
        %dma_start3A_34 = arith.constant 0 : i32
        %dma_start3A_35 = tpu.memref_slice %arg10[%mul3A_27, %dma_start3A_34] : memref<12608x64xf32, #tpu.memory_space<vmem_shared>> -> memref<1568x64xf32, #tpu.memory_space<vmem_shared>>
        tpu.enqueue_dma source(%dma_start3A_35 : memref<1568x64xf32, #tpu.memory_space<vmem_shared>>) target(%dma_start3A_33 : memref<1568x64xf32, #tpu.memory_space<hbm>>) target_semaphore(%run_scoped3A : memref<!tpu.dma_semaphore, #tpu.memory_space<semaphore_mem>>)
        %dma_wait3A = arith.constant 0 : i32
        %dma_wait3A_36 = tpu.memref_slice %arg5[%add3A_32, %dma_wait3A] : memref<25088x64xf32, #tpu.memory_space<hbm>> -> memref<1568x64xf32, #tpu.memory_space<hbm>>
        %dma_wait3A_37 = arith.constant 0 : i32
        %dma_wait3A_38 = tpu.memref_slice %arg10[%mul3A_27, %dma_wait3A_37] : memref<12608x64xf32, #tpu.memory_space<vmem_shared>> -> memref<1568x64xf32, #tpu.memory_space<vmem_shared>>
        tpu.wait_dma2 semaphore(%run_scoped3A : memref<!tpu.dma_semaphore, #tpu.memory_space<semaphore_mem>>) src(%dma_wait3A_38 : memref<1568x64xf32, #tpu.memory_space<vmem_shared>>) dst(%dma_wait3A_36 : memref<1568x64xf32, #tpu.memory_space<hbm>>)
        tpu.yield
      }) : () -> ()
    } else {
    }
    return
  }
}

#map = affine_map<(d0, d1) -> (0, 0)>
#map1 = affine_map<(d0, d1) -> (0)>
module attributes {stable_mosaic.version = 14 : i64} {
  func.func @body(%arg0: i32, %arg1: i32, %arg2: memref<10000x64xf32, #tpu.memory_space<hbm>>, %arg3: memref<800000xi32, #tpu.memory_space<hbm>>, %arg4: memref<800000xi32, #tpu.memory_space<hbm>>, %arg5: memref<25088x64xf32, #tpu.memory_space<hbm>>, %arg6: memref<1000xi32, #tpu.memory_space<vmem>>, %arg7: memref<1000xi32, #tpu.memory_space<vmem>>, %arg8: memref<1000xi32, #tpu.memory_space<vmem>>, %arg9: memref<1000x64xf32, #tpu.memory_space<vmem>>, %arg10: memref<12608x64xf32, #tpu.memory_space<vmem_shared>>, %arg11: memref<!tpu.dma_semaphore, #tpu.memory_space<semaphore_mem>>) attributes {dimension_semantics = [#tpu.dimension_semantics<core_parallel>, #tpu.dimension_semantics<subcore_parallel>], iteration_bounds = array<i64: 2, 16>, scalar_prefetch = 0 : i64, scratch_operands = 6 : i64, tpu.core_type = #tpu.core_type<sc_vector_subcore>, window_params = [{transform_indices = #map}, {transform_indices = #map1}, {transform_indices = #map1}, {transform_indices = #map}]} {
    %broadcast_in_dim3A = arith.constant 0.000000e+00 : f32
    %broadcast_in_dim3A_0 = vector.broadcast %broadcast_in_dim3A : f32 to vector<16xf32>
    %scan3A = arith.constant 0 : i32
    %scan3A_1 = arith.constant 0 : i32
    %scan3A_2 = arith.constant 1000 : i32
    %scan3A_3 = arith.addi %scan3A_1, %scan3A_2 : i32
    %scan3A_4 = arith.constant 1 : i32
    %scan3A_5 = scf.for %scan3A_26 = %scan3A_1 to %scan3A_3 step %scan3A_4 iter_args(%scan3A_27 = %scan3A) -> (i32)  : i32 {
      %swap3A = arith.index_cast %scan3A_26 : i32 to index
      %swap3A_28 = arith.constant 0 : index
      %swap3A_29 = tpu.vector_load %arg9[%swap3A, %swap3A_28] {strides = array<i32>} : memref<1000x64xf32, #tpu.memory_space<vmem>>, vector<1x16xf32>,
      %swap3A_30 = vector.shape_cast %swap3A_29 : vector<1x16xf32> to vector<16xf32>
      %swap3A_31 = vector.shape_cast %broadcast_in_dim3A_0 : vector<16xf32> to vector<1x16xf32>
      tpu.vector_store %arg9[%swap3A, %swap3A_28], %swap3A_31 {strides = array<i32>} : memref<1000x64xf32, #tpu.memory_space<vmem>>, vector<1x16xf32>,
      %swap3A_32 = arith.index_cast %scan3A_26 : i32 to index
      %swap3A_33 = arith.constant 16 : index
      %swap3A_34 = tpu.vector_load %arg9[%swap3A_32, %swap3A_33] {strides = array<i32>} : memref<1000x64xf32, #tpu.memory_space<vmem>>, vector<1x16xf32>,
      %swap3A_35 = vector.shape_cast %swap3A_34 : vector<1x16xf32> to vector<16xf32>
      %swap3A_36 = vector.shape_cast %broadcast_in_dim3A_0 : vector<16xf32> to vector<1x16xf32>
      tpu.vector_store %arg9[%swap3A_32, %swap3A_33], %swap3A_36 {strides = array<i32>} : memref<1000x64xf32, #tpu.memory_space<vmem>>, vector<1x16xf32>,
      %swap3A_37 = arith.index_cast %scan3A_26 : i32 to index
      %swap3A_38 = arith.constant 32 : index
      %swap3A_39 = tpu.vector_load %arg9[%swap3A_37, %swap3A_38] {strides = array<i32>} : memref<1000x64xf32, #tpu.memory_space<vmem>>, vector<1x16xf32>,
      %swap3A_40 = vector.shape_cast %swap3A_39 : vector<1x16xf32> to vector<16xf32>
      %swap3A_41 = vector.shape_cast %broadcast_in_dim3A_0 : vector<16xf32> to vector<1x16xf32>
      tpu.vector_store %arg9[%swap3A_37, %swap3A_38], %swap3A_41 {strides = array<i32>} : memref<1000x64xf32, #tpu.memory_space<vmem>>, vector<1x16xf32>,
      %swap3A_42 = arith.index_cast %scan3A_26 : i32 to index
      %swap3A_43 = arith.constant 48 : index
      %swap3A_44 = tpu.vector_load %arg9[%swap3A_42, %swap3A_43] {strides = array<i32>} : memref<1000x64xf32, #tpu.memory_space<vmem>>, vector<1x16xf32>,
      %swap3A_45 = vector.shape_cast %swap3A_44 : vector<1x16xf32> to vector<16xf32>
      %swap3A_46 = vector.shape_cast %broadcast_in_dim3A_0 : vector<16xf32> to vector<1x16xf32>
      tpu.vector_store %arg9[%swap3A_42, %swap3A_43], %swap3A_46 {strides = array<i32>} : memref<1000x64xf32, #tpu.memory_space<vmem>>, vector<1x16xf32>,
      %scan3A_47 = arith.constant 0 : i32
      scf.yield %scan3A_47 : i32
    }
    %scan3A_6 = arith.constant 1000 : i32
    %lt3A = arith.constant 8 : i32
    %lt3A_7 = arith.cmpi slt, %arg1, %lt3A : i32
    %convert_element_type3A = arith.extui %lt3A_7 : i1 to i32
    %cond3A = arith.constant 0 : i32
    %cond3A_8 = arith.cmpi ne, %convert_element_type3A, %cond3A : i32
    scf.if %cond3A_8 {
      %mul3A_26 = arith.constant 1576 : i32
      %mul3A_27 = arith.muli %arg1, %mul3A_26 : i32
      %add3A_28 = arith.constant 0 : i32
      %add3A_29 = arith.addi %mul3A_27, %add3A_28 : i32
      "tpu.region"() ({
        %run_scoped3A = tpu.sem_alloc : memref<!tpu.dma_semaphore, #tpu.memory_space<semaphore_mem>>
        %dma_start3A = arith.constant 0 : i32
        %dma_start3A_34 = arith.constant 0 : i32
        %dma_start3A_35 = tpu.memref_slice %arg9[%dma_start3A, %dma_start3A_34] : memref<1000x64xf32, #tpu.memory_space<vmem>> -> memref<1000x64xf32, #tpu.memory_space<vmem>>
        %dma_start3A_36 = arith.constant 0 : i32
        %dma_start3A_37 = tpu.memref_slice %arg10[%add3A_29, %dma_start3A_36] : memref<12608x64xf32, #tpu.memory_space<vmem_shared>> -> memref<1000x64xf32, #tpu.memory_space<vmem_shared>>
        %dma_start3A_38 = arith.constant 0 : i32
        %dma_start3A_39 = tpu.memref_slice %arg10[%add3A_29, %dma_start3A_38] : memref<12608x64xf32, #tpu.memory_space<vmem_shared>> -> memref<1000x64xf32, #tpu.memory_space<vmem_shared>>
        %dma_start3A_40 = arith.constant 0 : i32
        %dma_start3A_41 = arith.constant 0 : i32
        %dma_start3A_42 = tpu.memref_slice %arg9[%dma_start3A_40, %dma_start3A_41] : memref<1000x64xf32, #tpu.memory_space<vmem>> -> memref<1000x64xf32, #tpu.memory_space<vmem>>
        tpu.enqueue_dma source(%dma_start3A_42 : memref<1000x64xf32, #tpu.memory_space<vmem>>) target(%dma_start3A_39 : memref<1000x64xf32, #tpu.memory_space<vmem_shared>>) target_semaphore(%run_scoped3A : memref<!tpu.dma_semaphore, #tpu.memory_space<semaphore_mem>>)
        %dma_wait3A = arith.constant 0 : i32
        %dma_wait3A_43 = arith.constant 0 : i32
        %dma_wait3A_44 = tpu.memref_slice %arg9[%dma_wait3A, %dma_wait3A_43] : memref<1000x64xf32, #tpu.memory_space<vmem>> -> memref<1000x64xf32, #tpu.memory_space<vmem>>
        %dma_wait3A_45 = arith.constant 0 : i32
        %dma_wait3A_46 = tpu.memref_slice %arg10[%add3A_29, %dma_wait3A_45] : memref<12608x64xf32, #tpu.memory_space<vmem_shared>> -> memref<1000x64xf32, #tpu.memory_space<vmem_shared>>
        %dma_wait3A_47 = arith.constant 0 : i32
        %dma_wait3A_48 = tpu.memref_slice %arg10[%add3A_29, %dma_wait3A_47] : memref<12608x64xf32, #tpu.memory_space<vmem_shared>> -> memref<1000x64xf32, #tpu.memory_space<vmem_shared>>
        %dma_wait3A_49 = arith.constant 0 : i32
        %dma_wait3A_50 = arith.constant 0 : i32
        %dma_wait3A_51 = tpu.memref_slice %arg9[%dma_wait3A_49, %dma_wait3A_50] : memref<1000x64xf32, #tpu.memory_space<vmem>> -> memref<1000x64xf32, #tpu.memory_space<vmem>>
        tpu.wait_dma2 semaphore(%run_scoped3A : memref<!tpu.dma_semaphore, #tpu.memory_space<semaphore_mem>>) src(%dma_wait3A_51 : memref<1000x64xf32, #tpu.memory_space<vmem>>) dst(%dma_wait3A_48 : memref<1000x64xf32, #tpu.memory_space<vmem_shared>>)
        tpu.yield
      }) : () -> ()
      %mul3A_30 = arith.constant 1576 : i32
      %mul3A_31 = arith.muli %arg1, %mul3A_30 : i32
      %add3A_32 = arith.constant 1000 : i32
      %add3A_33 = arith.addi %mul3A_31, %add3A_32 : i32
      "tpu.region"() ({
        %run_scoped3A = tpu.sem_alloc : memref<!tpu.dma_semaphore, #tpu.memory_space<semaphore_mem>>
        %dma_start3A = arith.constant 0 : i32
        %dma_start3A_34 = arith.constant 0 : i32
        %dma_start3A_35 = tpu.memref_slice %arg9[%dma_start3A, %dma_start3A_34] : memref<1000x64xf32, #tpu.memory_space<vmem>> -> memref<576x64xf32, #tpu.memory_space<vmem>>
        %dma_start3A_36 = arith.constant 0 : i32
        %dma_start3A_37 = tpu.memref_slice %arg10[%add3A_33, %dma_start3A_36] : memref<12608x64xf32, #tpu.memory_space<vmem_shared>> -> memref<576x64xf32, #tpu.memory_space<vmem_shared>>
        %dma_start3A_38 = arith.constant 0 : i32
        %dma_start3A_39 = tpu.memref_slice %arg10[%add3A_33, %dma_start3A_38] : memref<12608x64xf32, #tpu.memory_space<vmem_shared>> -> memref<576x64xf32, #tpu.memory_space<vmem_shared>>
        %dma_start3A_40 = arith.constant 0 : i32
        %dma_start3A_41 = arith.constant 0 : i32
        %dma_start3A_42 = tpu.memref_slice %arg9[%dma_start3A_40, %dma_start3A_41] : memref<1000x64xf32, #tpu.memory_space<vmem>> -> memref<576x64xf32, #tpu.memory_space<vmem>>
        tpu.enqueue_dma source(%dma_start3A_42 : memref<576x64xf32, #tpu.memory_space<vmem>>) target(%dma_start3A_39 : memref<576x64xf32, #tpu.memory_space<vmem_shared>>) target_semaphore(%run_scoped3A : memref<!tpu.dma_semaphore, #tpu.memory_space<semaphore_mem>>)
        %dma_wait3A = arith.constant 0 : i32
        %dma_wait3A_43 = arith.constant 0 : i32
        %dma_wait3A_44 = tpu.memref_slice %arg9[%dma_wait3A, %dma_wait3A_43] : memref<1000x64xf32, #tpu.memory_space<vmem>> -> memref<576x64xf32, #tpu.memory_space<vmem>>
        %dma_wait3A_45 = arith.constant 0 : i32
        %dma_wait3A_46 = tpu.memref_slice %arg10[%add3A_33, %dma_wait3A_45] : memref<12608x64xf32, #tpu.memory_space<vmem_shared>> -> memref<576x64xf32, #tpu.memory_space<vmem_shared>>
        %dma_wait3A_47 = arith.constant 0 : i32
        %dma_wait3A_48 = tpu.memref_slice %arg10[%add3A_33, %dma_wait3A_47] : memref<12608x64xf32, #tpu.memory_space<vmem_shared>> -> memref<576x64xf32, #tpu.memory_space<vmem_shared>>
        %dma_wait3A_49 = arith.constant 0 : i32
        %dma_wait3A_50 = arith.constant 0 : i32
        %dma_wait3A_51 = tpu.memref_slice %arg9[%dma_wait3A_49, %dma_wait3A_50] : memref<1000x64xf32, #tpu.memory_space<vmem>> -> memref<576x64xf32, #tpu.memory_space<vmem>>
        tpu.wait_dma2 semaphore(%run_scoped3A : memref<!tpu.dma_semaphore, #tpu.memory_space<semaphore_mem>>) src(%dma_wait3A_51 : memref<576x64xf32, #tpu.memory_space<vmem>>) dst(%dma_wait3A_48 : memref<576x64xf32, #tpu.memory_space<vmem_shared>>)
        tpu.yield
      }) : () -> ()
    } else {
    }
    %barrier3A = arith.constant 0 : index
    tpu.barrier barrier_id(%barrier3A)
    %mul3A = arith.constant 50000 : i32
    %mul3A_9 = arith.muli %arg1, %mul3A : i32
    %add3A = arith.constant 0 : i32
    %add3A_10 = arith.addi %add3A, %arg0 : i32
    %mul3A_11 = arith.constant 12544 : i32
    %mul3A_12 = arith.muli %add3A_10, %mul3A_11 : i32
    %scan3A_13 = arith.constant 0 : i32
    %scan3A_14 = arith.constant 0 : i32
    %scan3A_15 = arith.constant 50 : i32
    %scan3A_16 = arith.addi %scan3A_14, %scan3A_15 : i32
    %scan3A_17 = arith.constant 1 : i32
    %scan3A_18 = scf.for %scan3A_26 = %scan3A_14 to %scan3A_16 step %scan3A_17 iter_args(%scan3A_27 = %scan3A_13) -> (i32)  : i32 {
      %mul3A_28 = arith.constant 1000 : i32
      %mul3A_29 = arith.muli %scan3A_26, %mul3A_28 : i32
      %add3A_30 = arith.addi %mul3A_9, %mul3A_29 : i32
      "tpu.region"() ({
        %run_scoped3A = tpu.sem_alloc : memref<!tpu.dma_semaphore, #tpu.memory_space<semaphore_mem>>
        %dma_start3A_46 = tpu.memref_slice %arg3[%add3A_30] : memref<800000xi32, #tpu.memory_space<hbm>> -> memref<1000xi32, #tpu.memory_space<hbm>>
        %dma_start3A_47 = tpu.memref_slice %arg3[%add3A_30] : memref<800000xi32, #tpu.memory_space<hbm>> -> memref<1000xi32, #tpu.memory_space<hbm>>
        tpu.enqueue_dma source(%dma_start3A_47 : memref<1000xi32, #tpu.memory_space<hbm>>) target(%arg6 : memref<1000xi32, #tpu.memory_space<vmem>>) target_semaphore(%run_scoped3A : memref<!tpu.dma_semaphore, #tpu.memory_space<semaphore_mem>>)
        %dma_wait3A_48 = tpu.memref_slice %arg3[%add3A_30] : memref<800000xi32, #tpu.memory_space<hbm>> -> memref<1000xi32, #tpu.memory_space<hbm>>
        %dma_wait3A_49 = tpu.memref_slice %arg3[%add3A_30] : memref<800000xi32, #tpu.memory_space<hbm>> -> memref<1000xi32, #tpu.memory_space<hbm>>
        tpu.wait_dma2 semaphore(%run_scoped3A : memref<!tpu.dma_semaphore, #tpu.memory_space<semaphore_mem>>) src(%dma_wait3A_49 : memref<1000xi32, #tpu.memory_space<hbm>>) dst(%arg6 : memref<1000xi32, #tpu.memory_space<vmem>>)
        tpu.yield
      }) : () -> ()
      %mul3A_31 = arith.constant 1000 : i32
      %mul3A_32 = arith.muli %scan3A_26, %mul3A_31 : i32
      %add3A_33 = arith.addi %mul3A_9, %mul3A_32 : i32
      "tpu.region"() ({
        %run_scoped3A = tpu.sem_alloc : memref<!tpu.dma_semaphore, #tpu.memory_space<semaphore_mem>>
        %dma_start3A_46 = tpu.memref_slice %arg4[%add3A_33] : memref<800000xi32, #tpu.memory_space<hbm>> -> memref<1000xi32, #tpu.memory_space<hbm>>
        %dma_start3A_47 = tpu.memref_slice %arg4[%add3A_33] : memref<800000xi32, #tpu.memory_space<hbm>> -> memref<1000xi32, #tpu.memory_space<hbm>>
        tpu.enqueue_dma source(%dma_start3A_47 : memref<1000xi32, #tpu.memory_space<hbm>>) target(%arg7 : memref<1000xi32, #tpu.memory_space<vmem>>) target_semaphore(%run_scoped3A : memref<!tpu.dma_semaphore, #tpu.memory_space<semaphore_mem>>)
        %dma_wait3A_48 = tpu.memref_slice %arg4[%add3A_33] : memref<800000xi32, #tpu.memory_space<hbm>> -> memref<1000xi32, #tpu.memory_space<hbm>>
        %dma_wait3A_49 = tpu.memref_slice %arg4[%add3A_33] : memref<800000xi32, #tpu.memory_space<hbm>> -> memref<1000xi32, #tpu.memory_space<hbm>>
        tpu.wait_dma2 semaphore(%run_scoped3A : memref<!tpu.dma_semaphore, #tpu.memory_space<semaphore_mem>>) src(%dma_wait3A_49 : memref<1000xi32, #tpu.memory_space<hbm>>) dst(%arg7 : memref<1000xi32, #tpu.memory_space<vmem>>)
        tpu.yield
      }) : () -> ()
      %dma_start3A = arith.constant 0 : i32
      %dma_start3A_34 = arith.constant 0 : i32
      %dma_start3A_35 = tpu.memref_slice %arg2[%dma_start3A, %dma_start3A_34] : memref<10000x64xf32, #tpu.memory_space<hbm>> -> memref<10000x64xf32, #tpu.memory_space<hbm>>
      tpu.enqueue_indirect_dma source(%dma_start3A_35 : memref<10000x64xf32, #tpu.memory_space<hbm>>) target(%arg9 : memref<1000x64xf32, #tpu.memory_space<vmem>>) offsets(%arg6 : memref<1000xi32, #tpu.memory_space<vmem>>) semaphore(%arg11 : memref<!tpu.dma_semaphore, #tpu.memory_space<semaphore_mem>>)
      %scan3A_36 = arith.constant 0 : i32
      %scan3A_37 = arith.constant 0 : i32
      %scan3A_38 = arith.constant 63 : i32
      %scan3A_39 = arith.addi %scan3A_37, %scan3A_38 : i32
      %scan3A_40 = arith.constant 1 : i32
      %scan3A_41 = scf.for %scan3A_46 = %scan3A_37 to %scan3A_39 step %scan3A_40 iter_args(%scan3A_47 = %scan3A_36) -> (i32)  : i32 {
        %mul3A_48 = arith.constant 16 : i32
        %mul3A_49 = arith.muli %scan3A_46, %mul3A_48 : i32
        %min3A = arith.constant 984 : i32
        %min3A_50 = arith.minsi %mul3A_49, %min3A : i32
        %get3A = arith.index_cast %min3A_50 : i32 to index
        %get3A_51 = tpu.vector_load %arg7[%get3A] {strides = array<i32>} : memref<1000xi32, #tpu.memory_space<vmem>>, vector<16xi32>,
        %sub3A = vector.broadcast %mul3A_12 : i32 to vector<16xi32>
        %sub3A_52 = arith.subi %get3A_51, %sub3A : vector<16xi32>
        %lt3A_53 = arith.constant 0 : i32
        %lt3A_54 = vector.broadcast %lt3A_53 : i32 to vector<16xi32>
        %lt3A_55 = arith.cmpi slt, %sub3A_52, %lt3A_54 : vector<16xi32>
        %ge3A = arith.constant 12544 : i32
        %ge3A_56 = vector.broadcast %ge3A : i32 to vector<16xi32>
        %ge3A_57 = arith.cmpi sge, %sub3A_52, %ge3A_56 : vector<16xi32>
        %or3A = arith.ori %lt3A_55, %ge3A_57 : vector<16xi1>
        %iota3A = tpu.iota {dimensions = array<i32: 0>} : vector<16xi32>
        %add3A_58 = arith.constant 12592 : i32
        %add3A_59 = vector.broadcast %add3A_58 : i32 to vector<16xi32>
        %add3A_60 = arith.addi %add3A_59, %iota3A : vector<16xi32>
        %select_n3A = arith.select %or3A, %add3A_60, %sub3A_52 : vector<16xi1>, vector<16xi32>
        %swap3A = arith.index_cast %min3A_50 : i32 to index
        %swap3A_61 = tpu.vector_load %arg8[%swap3A] {strides = array<i32>} : memref<1000xi32, #tpu.memory_space<vmem>>, vector<16xi32>,
        %swap3A_62 = vector.shape_cast %swap3A_61 : vector<16xi32> to vector<16xi32>
        %swap3A_63 = vector.shape_cast %select_n3A : vector<16xi32> to vector<16xi32>
        tpu.vector_store %arg8[%swap3A], %swap3A_63 {strides = array<i32>} : memref<1000xi32, #tpu.memory_space<vmem>>, vector<16xi32>,
        %scan3A_64 = arith.constant 0 : i32
        scf.yield %scan3A_64 : i32
      }
      %scan3A_42 = arith.constant 63 : i32
      %dma_wait3A = arith.constant 0 : i32
      %dma_wait3A_43 = arith.constant 0 : i32
      %dma_wait3A_44 = tpu.memref_slice %arg2[%dma_wait3A, %dma_wait3A_43] : memref<10000x64xf32, #tpu.memory_space<hbm>> -> memref<10000x64xf32, #tpu.memory_space<hbm>>
      tpu.wait_indirect_dma semaphore(%arg11 : memref<!tpu.dma_semaphore, #tpu.memory_space<semaphore_mem>>) src(%dma_wait3A_44 : memref<10000x64xf32, #tpu.memory_space<hbm>>) dst(%arg9 : memref<1000x64xf32, #tpu.memory_space<vmem>>)
      "tpu.region"() ({
        %run_scoped3A = tpu.sem_alloc : memref<!tpu.dma_semaphore, #tpu.memory_space<semaphore_mem>>
        %dma_start3A_46 = arith.constant 0 : i32
        %dma_start3A_47 = arith.constant 0 : i32
        %dma_start3A_48 = tpu.memref_slice %arg10[%dma_start3A_46, %dma_start3A_47] : memref<12608x64xf32, #tpu.memory_space<vmem_shared>> -> memref<12608x64xf32, #tpu.memory_space<vmem_shared>>
        tpu.enqueue_indirect_dma source(%arg9 : memref<1000x64xf32, #tpu.memory_space<vmem>>) target(%dma_start3A_48 : memref<12608x64xf32, #tpu.memory_space<vmem_shared>>) offsets(%arg8 : memref<1000xi32, #tpu.memory_space<vmem>>) semaphore(%run_scoped3A : memref<!tpu.dma_semaphore, #tpu.memory_space<semaphore_mem>>) {add = true}
        %dma_wait3A_49 = arith.constant 0 : i32
        %dma_wait3A_50 = arith.constant 0 : i32
        %dma_wait3A_51 = tpu.memref_slice %arg10[%dma_wait3A_49, %dma_wait3A_50] : memref<12608x64xf32, #tpu.memory_space<vmem_shared>> -> memref<12608x64xf32, #tpu.memory_space<vmem_shared>>
        tpu.wait_indirect_dma semaphore(%run_scoped3A : memref<!tpu.dma_semaphore, #tpu.memory_space<semaphore_mem>>) src(%arg9 : memref<1000x64xf32, #tpu.memory_space<vmem>>) dst(%dma_wait3A_51 : memref<12608x64xf32, #tpu.memory_space<vmem_shared>>)
        tpu.yield
      }) : () -> ()
      %scan3A_45 = arith.constant 0 : i32
      scf.yield %scan3A_45 : i32
    }
    %scan3A_19 = arith.constant 50 : i32
    %barrier3A_20 = arith.constant 0 : index
    tpu.barrier barrier_id(%barrier3A_20)
    %lt3A_21 = arith.constant 8 : i32
    %lt3A_22 = arith.cmpi slt, %arg1, %lt3A_21 : i32
    %convert_element_type3A_23 = arith.extui %lt3A_22 : i1 to i32
    %cond3A_24 = arith.constant 0 : i32
    %cond3A_25 = arith.cmpi ne, %convert_element_type3A_23, %cond3A_24 : i32
    scf.if %cond3A_25 {
      %mul3A_26 = arith.constant 1568 : i32
      %mul3A_27 = arith.muli %arg1, %mul3A_26 : i32
      %mul3A_28 = arith.constant 12544 : i32
      %mul3A_29 = arith.muli %arg0, %mul3A_28 : i32
      %mul3A_30 = arith.constant 1568 : i32
      %mul3A_31 = arith.muli %arg1, %mul3A_30 : i32
      %add3A_32 = arith.addi %mul3A_29, %mul3A_31 : i32
      "tpu.region"() ({
        %run_scoped3A = tpu.sem_alloc : memref<!tpu.dma_semaphore, #tpu.memory_space<semaphore_mem>>
        %dma_start3A = arith.constant 0 : i32
        %dma_start3A_33 = tpu.memref_slice %arg5[%add3A_32, %dma_start3A] : memref<25088x64xf32, #tpu.memory_space<hbm>> -> memref<1568x64xf32, #tpu.memory_space<hbm>>
        %dma_start3A_34 = arith.constant 0 : i32
        %dma_start3A_35 = tpu.memref_slice %arg10[%mul3A_27, %dma_start3A_34] : memref<12608x64xf32, #tpu.memory_space<vmem_shared>> -> memref<1568x64xf32, #tpu.memory_space<vmem_shared>>
        tpu.enqueue_dma source(%dma_start3A_35 : memref<1568x64xf32, #tpu.memory_space<vmem_shared>>) target(%dma_start3A_33 : memref<1568x64xf32, #tpu.memory_space<hbm>>) target_semaphore(%run_scoped3A : memref<!tpu.dma_semaphore, #tpu.memory_space<semaphore_mem>>)
        %dma_wait3A = arith.constant 0 : i32
        %dma_wait3A_36 = tpu.memref_slice %arg5[%add3A_32, %dma_wait3A] : memref<25088x64xf32, #tpu.memory_space<hbm>> -> memref<1568x64xf32, #tpu.memory_space<hbm>>
        %dma_wait3A_37 = arith.constant 0 : i32
        %dma_wait3A_38 = tpu.memref_slice %arg10[%mul3A_27, %dma_wait3A_37] : memref<12608x64xf32, #tpu.memory_space<vmem_shared>> -> memref<1568x64xf32, #tpu.memory_space<vmem_shared>>
        tpu.wait_dma2 semaphore(%run_scoped3A : memref<!tpu.dma_semaphore, #tpu.memory_space<semaphore_mem>>) src(%dma_wait3A_38 : memref<1568x64xf32, #tpu.memory_space<vmem_shared>>) dst(%dma_wait3A_36 : memref<1568x64xf32, #tpu.memory_space<hbm>>)
        tpu.yield
      }) : () -> ()
    } else {
    }
    return
  }
}

module attributes {stable_mosaic.version = 14 : i64} {
  func.func @body(%arg0: i32, %arg1: memref<2000x128xf32, #tpu.memory_space<vmem>>, %arg2: memref<128x64xf32, #tpu.memory_space<vmem>>, %arg3: memref<8x64xf32, #tpu.memory_space<vmem>>, %arg4: memref<2000x64xf32, #tpu.memory_space<vmem>>) attributes {dimension_semantics = [#tpu.dimension_semantics<arbitrary>], iteration_bounds = array<i64: 25>, scalar_prefetch = 0 : i64, scratch_operands = 0 : i64, tpu.core_type = #tpu.core_type<tc>, window_params = [{transform_indices = @transform_0, window_bounds = array<i64: 2000, 128>}, {pipeline_mode = #tpu.pipeline_mode<synchronous>, transform_indices = @transform_1, window_bounds = array<i64: 128, 64>}, {pipeline_mode = #tpu.pipeline_mode<synchronous>, transform_indices = @transform_2, window_bounds = array<i64: 8, 64>}, {transform_indices = @transform_3, window_bounds = array<i64: 2000, 64>}]} {
    %get3A = arith.constant 0 : index
    %get3A_0 = arith.constant 0 : index
    %get3A_1 = vector.load %arg1[%get3A, %get3A_0] : memref<2000x128xf32, #tpu.memory_space<vmem>>, vector<2000x128xf32>
    %get3A_2 = arith.constant 0 : index
    %get3A_3 = arith.constant 0 : index
    %get3A_4 = vector.load %arg2[%get3A_2, %get3A_3] : memref<128x64xf32, #tpu.memory_space<vmem>>, vector<128x64xf32>
    %dot_general3A = arith.constant dense<0.000000e+00> : vector<2000x64xf32>
    %dot_general3A_5 = tpu.matmul %get3A_1, %get3A_4, %dot_general3A {dimension_numbers = #tpu.dot_dimension_numbers<[1], [0], [0], [1], [0, 0, 1, 1], [], []>, transpose_lhs_hint = false} : vector<2000x128xf32>, vector<128x64xf32>, vector<2000x64xf32> -> vector<2000x64xf32>
    %get3A_6 = arith.constant 0 : index
    %get3A_7 = arith.constant 0 : index
    %get3A_8 = vector.load %arg3[%get3A_6, %get3A_7] : memref<8x64xf32, #tpu.memory_space<vmem>>, vector<1x64xf32>
    %add3A = vector.broadcast %get3A_8 : vector<1x64xf32> to vector<2000x64xf32>
    %add3A_9 = arith.addf %dot_general3A_5, %add3A : vector<2000x64xf32>
    %swap3A = arith.constant 0 : index
    %swap3A_10 = arith.constant 0 : index
    %swap3A_11 = vector.load %arg4[%swap3A, %swap3A_10] : memref<2000x64xf32, #tpu.memory_space<vmem>>, vector<2000x64xf32>
    tpu.vector_store %arg4[%swap3A, %swap3A_10], %add3A_9 {strides = array<i32>} : memref<2000x64xf32, #tpu.memory_space<vmem>>, vector<2000x64xf32>,
    return
  }
  func.func @transform_0(%arg0: i32) -> (i32, i32) {
    %c0_i32 = arith.constant 0 : i32
    %c0_i32_0 = arith.constant 0 : i32
    return %arg0, %c0_i32 : i32, i32
  }
  func.func @transform_1(%arg0: i32) -> (i32, i32) {
    %c0_i32 = arith.constant 0 : i32
    %c0_i32_0 = arith.constant 0 : i32
    %c0_i32_1 = arith.constant 0 : i32
    return %c0_i32, %c0_i32_0 : i32, i32
  }
  func.func @transform_2(%arg0: i32) -> (i32, i32) {
    %c0_i32 = arith.constant 0 : i32
    %c0_i32_0 = arith.constant 0 : i32
    %c0_i32_1 = arith.constant 0 : i32
    return %c0_i32, %c0_i32_0 : i32, i32
  }
  func.func @transform_3(%arg0: i32) -> (i32, i32) {
    %c0_i32 = arith.constant 0 : i32
    %c0_i32_0 = arith.constant 0 : i32
    return %arg0, %c0_i32 : i32, i32
  }
}

module attributes {stable_mosaic.version = 14 : i64} {
  func.func @body(%arg0: memref<32x10048xf32, #tpu.memory_space<vmem>>, %arg1: memref<32x50048xf32, #tpu.memory_space<vmem>>, %arg2: memref<8x10048xf32, #tpu.memory_space<vmem>>, %arg3: memref<8x50048xf32, #tpu.memory_space<vmem>>) attributes {dimension_semantics = [], scalar_prefetch = 0 : i64, scratch_operands = 0 : i64, tpu.core_type = #tpu.core_type<tc>} {
    %get3A = arith.constant 0 : index
    %get3A_0 = arith.constant 0 : index
    %get3A_1 = vector.load %arg0[%get3A, %get3A_0] : memref<32x10048xf32, #tpu.memory_space<vmem>>, vector<32x10048xf32>
    %reduce_sum3A = arith.constant dense<0.000000e+00> : vector<10048xf32>
    %reduce_sum3A_2 = vector.multi_reduction <add>, %get3A_1, %reduce_sum3A [0] : vector<32x10048xf32> to vector<10048xf32>
    %max3A = arith.constant 1.000000e+00 : f32
    %max3A_3 = vector.broadcast %max3A : f32 to vector<10048xf32>
    %max3A_4 = arith.maximumf %reduce_sum3A_2, %max3A_3 : vector<10048xf32>
    %div3A = arith.constant 1.000000e+00 : f32
    %div3A_5 = vector.broadcast %div3A : f32 to vector<10048xf32>
    %div3A_6 = arith.divf %div3A_5, %max3A_4 : vector<10048xf32>
    %get3A_7 = arith.constant 0 : index
    %get3A_8 = arith.constant 0 : index
    %get3A_9 = vector.load %arg1[%get3A_7, %get3A_8] : memref<32x50048xf32, #tpu.memory_space<vmem>>, vector<32x50048xf32>
    %reduce_sum3A_10 = arith.constant dense<0.000000e+00> : vector<50048xf32>
    %reduce_sum3A_11 = vector.multi_reduction <add>, %get3A_9, %reduce_sum3A_10 [0] : vector<32x50048xf32> to vector<50048xf32>
    %max3A_12 = arith.constant 1.000000e+00 : f32
    %max3A_13 = vector.broadcast %max3A_12 : f32 to vector<50048xf32>
    %max3A_14 = arith.maximumf %reduce_sum3A_11, %max3A_13 : vector<50048xf32>
    %div3A_15 = arith.constant 1.000000e+00 : f32
    %div3A_16 = vector.broadcast %div3A_15 : f32 to vector<50048xf32>
    %div3A_17 = arith.divf %div3A_16, %max3A_14 : vector<50048xf32>
    %broadcast_in_dim3A = vector.shape_cast %div3A_6 : vector<10048xf32> to vector<1x10048xf32>
    %broadcast_in_dim3A_18 = vector.shape_cast %broadcast_in_dim3A : vector<1x10048xf32> to vector<1x10048xf32>
    %broadcast_in_dim3A_19 = vector.broadcast %broadcast_in_dim3A_18 : vector<1x10048xf32> to vector<8x10048xf32>
    %swap3A = arith.constant 0 : index
    %swap3A_20 = arith.constant 0 : index
    %swap3A_21 = vector.load %arg2[%swap3A, %swap3A_20] : memref<8x10048xf32, #tpu.memory_space<vmem>>, vector<8x10048xf32>
    tpu.vector_store %arg2[%swap3A, %swap3A_20], %broadcast_in_dim3A_19 {strides = array<i32>} : memref<8x10048xf32, #tpu.memory_space<vmem>>, vector<8x10048xf32>,
    %broadcast_in_dim3A_22 = vector.shape_cast %div3A_17 : vector<50048xf32> to vector<1x50048xf32>
    %broadcast_in_dim3A_23 = vector.shape_cast %broadcast_in_dim3A_22 : vector<1x50048xf32> to vector<1x50048xf32>
    %broadcast_in_dim3A_24 = vector.broadcast %broadcast_in_dim3A_23 : vector<1x50048xf32> to vector<8x50048xf32>
    %swap3A_25 = arith.constant 0 : index
    %swap3A_26 = arith.constant 0 : index
    %swap3A_27 = vector.load %arg3[%swap3A_25, %swap3A_26] : memref<8x50048xf32, #tpu.memory_space<vmem>>, vector<8x50048xf32>
    tpu.vector_store %arg3[%swap3A_25, %swap3A_26], %broadcast_in_dim3A_24 {strides = array<i32>} : memref<8x50048xf32, #tpu.memory_space<vmem>>, vector<8x50048xf32>,
    return
  }
}

module attributes {stable_mosaic.version = 14 : i64} {
  func.func @_combine_body(%arg0: i32, %arg1: memref<1000x64xf32, #tpu.memory_space<vmem>>, %arg2: memref<1000x1xf32, #tpu.memory_space<vmem>>, %arg3: memref<1000x64xf32, #tpu.memory_space<vmem>>, %arg4: memref<64x64xf32, #tpu.memory_space<vmem>>, %arg5: memref<64x64xf32, #tpu.memory_space<vmem>>, %arg6: memref<8x64xf32, #tpu.memory_space<vmem>>, %arg7: memref<1000x64xf32, #tpu.memory_space<vmem>>) attributes {dimension_semantics = [#tpu.dimension_semantics<arbitrary>], iteration_bounds = array<i64: 10>, scalar_prefetch = 0 : i64, scratch_operands = 0 : i64, tpu.core_type = #tpu.core_type<tc>, window_params = [{transform_indices = @transform_0, window_bounds = array<i64: 1000, 64>}, {transform_indices = @transform_1, window_bounds = array<i64: 1000, 1>}, {transform_indices = @transform_2, window_bounds = array<i64: 1000, 64>}, {pipeline_mode = #tpu.pipeline_mode<synchronous>, transform_indices = @transform_3, window_bounds = array<i64: 64, 64>}, {pipeline_mode = #tpu.pipeline_mode<synchronous>, transform_indices = @transform_4, window_bounds = array<i64: 64, 64>}, {pipeline_mode = #tpu.pipeline_mode<synchronous>, transform_indices = @transform_5, window_bounds = array<i64: 8, 64>}, {transform_indices = @transform_6, window_bounds = array<i64: 1000, 64>}]} {
    %get3A = arith.constant 0 : index
    %get3A_0 = arith.constant 0 : index
    %get3A_1 = vector.load %arg1[%get3A, %get3A_0] : memref<1000x64xf32, #tpu.memory_space<vmem>>, vector<1000x64xf32>
    %get3A_2 = arith.constant 0 : index
    %get3A_3 = arith.constant 0 : index
    %get3A_4 = vector.load %arg2[%get3A_2, %get3A_3] : memref<1000x1xf32, #tpu.memory_space<vmem>>, vector<1000x1xf32>
    %mul3A = vector.broadcast %get3A_4 : vector<1000x1xf32> to vector<1000x64xf32>
    %mul3A_5 = arith.mulf %get3A_1, %mul3A : vector<1000x64xf32>
    %get3A_6 = arith.constant 0 : index
    %get3A_7 = arith.constant 0 : index
    %get3A_8 = vector.load %arg4[%get3A_6, %get3A_7] : memref<64x64xf32, #tpu.memory_space<vmem>>, vector<64x64xf32>
    %dot_general3A = arith.constant dense<0.000000e+00> : vector<1000x64xf32>
    %dot_general3A_9 = tpu.matmul %mul3A_5, %get3A_8, %dot_general3A {dimension_numbers = #tpu.dot_dimension_numbers<[1], [0], [0], [1], [0, 0, 1, 1], [], []>, transpose_lhs_hint = false} : vector<1000x64xf32>, vector<64x64xf32>, vector<1000x64xf32> -> vector<1000x64xf32>
    %get3A_10 = arith.constant 0 : index
    %get3A_11 = arith.constant 0 : index
    %get3A_12 = vector.load %arg6[%get3A_10, %get3A_11] : memref<8x64xf32, #tpu.memory_space<vmem>>, vector<1x64xf32>
    %add3A = vector.broadcast %get3A_12 : vector<1x64xf32> to vector<1000x64xf32>
    %add3A_13 = arith.addf %dot_general3A_9, %add3A : vector<1000x64xf32>
    %get3A_14 = arith.constant 0 : index
    %get3A_15 = arith.constant 0 : index
    %get3A_16 = vector.load %arg3[%get3A_14, %get3A_15] : memref<1000x64xf32, #tpu.memory_space<vmem>>, vector<1000x64xf32>
    %get3A_17 = arith.constant 0 : index
    %get3A_18 = arith.constant 0 : index
    %get3A_19 = vector.load %arg5[%get3A_17, %get3A_18] : memref<64x64xf32, #tpu.memory_space<vmem>>, vector<64x64xf32>
    %dot_general3A_20 = arith.constant dense<0.000000e+00> : vector<1000x64xf32>
    %dot_general3A_21 = tpu.matmul %get3A_16, %get3A_19, %dot_general3A_20 {dimension_numbers = #tpu.dot_dimension_numbers<[1], [0], [0], [1], [0, 0, 1, 1], [], []>, transpose_lhs_hint = false} : vector<1000x64xf32>, vector<64x64xf32>, vector<1000x64xf32> -> vector<1000x64xf32>
    %add3A_22 = arith.addf %add3A_13, %dot_general3A_21 : vector<1000x64xf32>
    %max3A = arith.constant 0.000000e+00 : f32
    %max3A_23 = vector.broadcast %max3A : f32 to vector<1000x64xf32>
    %max3A_24 = arith.maximumf %add3A_22, %max3A_23 : vector<1000x64xf32>
    %swap3A = arith.constant 0 : index
    %swap3A_25 = arith.constant 0 : index
    %swap3A_26 = vector.load %arg7[%swap3A, %swap3A_25] : memref<1000x64xf32, #tpu.memory_space<vmem>>, vector<1000x64xf32>
    tpu.vector_store %arg7[%swap3A, %swap3A_25], %max3A_24 {strides = array<i32>} : memref<1000x64xf32, #tpu.memory_space<vmem>>, vector<1000x64xf32>,
    return
  }
  func.func @transform_0(%arg0: i32) -> (i32, i32) {
    %c0_i32 = arith.constant 0 : i32
    %c0_i32_0 = arith.constant 0 : i32
    return %arg0, %c0_i32 : i32, i32
  }
  func.func @transform_1(%arg0: i32) -> (i32, i32) {
    %c0_i32 = arith.constant 0 : i32
    %c0_i32_0 = arith.constant 0 : i32
    return %arg0, %c0_i32 : i32, i32
  }
  func.func @transform_2(%arg0: i32) -> (i32, i32) {
    %c0_i32 = arith.constant 0 : i32
    %c0_i32_0 = arith.constant 0 : i32
    return %arg0, %c0_i32 : i32, i32
  }
  func.func @transform_3(%arg0: i32) -> (i32, i32) {
    %c0_i32 = arith.constant 0 : i32
    %c0_i32_0 = arith.constant 0 : i32
    %c0_i32_1 = arith.constant 0 : i32
    return %c0_i32, %c0_i32_0 : i32, i32
  }
  func.func @transform_4(%arg0: i32) -> (i32, i32) {
    %c0_i32 = arith.constant 0 : i32
    %c0_i32_0 = arith.constant 0 : i32
    %c0_i32_1 = arith.constant 0 : i32
    return %c0_i32, %c0_i32_0 : i32, i32
  }
  func.func @transform_5(%arg0: i32) -> (i32, i32) {
    %c0_i32 = arith.constant 0 : i32
    %c0_i32_0 = arith.constant 0 : i32
    %c0_i32_1 = arith.constant 0 : i32
    return %c0_i32, %c0_i32_0 : i32, i32
  }
  func.func @transform_6(%arg0: i32) -> (i32, i32) {
    %c0_i32 = arith.constant 0 : i32
    %c0_i32_0 = arith.constant 0 : i32
    return %arg0, %c0_i32 : i32, i32
  }
}

module attributes {stable_mosaic.version = 14 : i64} {
  func.func @_combine_body(%arg0: i32, %arg1: memref<2000x64xf32, #tpu.memory_space<vmem>>, %arg2: memref<2000x1xf32, #tpu.memory_space<vmem>>, %arg3: memref<2000x64xf32, #tpu.memory_space<vmem>>, %arg4: memref<64x64xf32, #tpu.memory_space<vmem>>, %arg5: memref<64x64xf32, #tpu.memory_space<vmem>>, %arg6: memref<8x64xf32, #tpu.memory_space<vmem>>, %arg7: memref<2000x64xf32, #tpu.memory_space<vmem>>) attributes {dimension_semantics = [#tpu.dimension_semantics<arbitrary>], iteration_bounds = array<i64: 25>, scalar_prefetch = 0 : i64, scratch_operands = 0 : i64, tpu.core_type = #tpu.core_type<tc>, window_params = [{transform_indices = @transform_0, window_bounds = array<i64: 2000, 64>}, {transform_indices = @transform_1, window_bounds = array<i64: 2000, 1>}, {transform_indices = @transform_2, window_bounds = array<i64: 2000, 64>}, {pipeline_mode = #tpu.pipeline_mode<synchronous>, transform_indices = @transform_3, window_bounds = array<i64: 64, 64>}, {pipeline_mode = #tpu.pipeline_mode<synchronous>, transform_indices = @transform_4, window_bounds = array<i64: 64, 64>}, {pipeline_mode = #tpu.pipeline_mode<synchronous>, transform_indices = @transform_5, window_bounds = array<i64: 8, 64>}, {transform_indices = @transform_6, window_bounds = array<i64: 2000, 64>}]} {
    %get3A = arith.constant 0 : index
    %get3A_0 = arith.constant 0 : index
    %get3A_1 = vector.load %arg1[%get3A, %get3A_0] : memref<2000x64xf32, #tpu.memory_space<vmem>>, vector<2000x64xf32>
    %get3A_2 = arith.constant 0 : index
    %get3A_3 = arith.constant 0 : index
    %get3A_4 = vector.load %arg2[%get3A_2, %get3A_3] : memref<2000x1xf32, #tpu.memory_space<vmem>>, vector<2000x1xf32>
    %mul3A = vector.broadcast %get3A_4 : vector<2000x1xf32> to vector<2000x64xf32>
    %mul3A_5 = arith.mulf %get3A_1, %mul3A : vector<2000x64xf32>
    %get3A_6 = arith.constant 0 : index
    %get3A_7 = arith.constant 0 : index
    %get3A_8 = vector.load %arg4[%get3A_6, %get3A_7] : memref<64x64xf32, #tpu.memory_space<vmem>>, vector<64x64xf32>
    %dot_general3A = arith.constant dense<0.000000e+00> : vector<2000x64xf32>
    %dot_general3A_9 = tpu.matmul %mul3A_5, %get3A_8, %dot_general3A {dimension_numbers = #tpu.dot_dimension_numbers<[1], [0], [0], [1], [0, 0, 1, 1], [], []>, transpose_lhs_hint = false} : vector<2000x64xf32>, vector<64x64xf32>, vector<2000x64xf32> -> vector<2000x64xf32>
    %get3A_10 = arith.constant 0 : index
    %get3A_11 = arith.constant 0 : index
    %get3A_12 = vector.load %arg6[%get3A_10, %get3A_11] : memref<8x64xf32, #tpu.memory_space<vmem>>, vector<1x64xf32>
    %add3A = vector.broadcast %get3A_12 : vector<1x64xf32> to vector<2000x64xf32>
    %add3A_13 = arith.addf %dot_general3A_9, %add3A : vector<2000x64xf32>
    %get3A_14 = arith.constant 0 : index
    %get3A_15 = arith.constant 0 : index
    %get3A_16 = vector.load %arg3[%get3A_14, %get3A_15] : memref<2000x64xf32, #tpu.memory_space<vmem>>, vector<2000x64xf32>
    %get3A_17 = arith.constant 0 : index
    %get3A_18 = arith.constant 0 : index
    %get3A_19 = vector.load %arg5[%get3A_17, %get3A_18] : memref<64x64xf32, #tpu.memory_space<vmem>>, vector<64x64xf32>
    %dot_general3A_20 = arith.constant dense<0.000000e+00> : vector<2000x64xf32>
    %dot_general3A_21 = tpu.matmul %get3A_16, %get3A_19, %dot_general3A_20 {dimension_numbers = #tpu.dot_dimension_numbers<[1], [0], [0], [1], [0, 0, 1, 1], [], []>, transpose_lhs_hint = false} : vector<2000x64xf32>, vector<64x64xf32>, vector<2000x64xf32> -> vector<2000x64xf32>
    %add3A_22 = arith.addf %add3A_13, %dot_general3A_21 : vector<2000x64xf32>
    %max3A = arith.constant 0.000000e+00 : f32
    %max3A_23 = vector.broadcast %max3A : f32 to vector<2000x64xf32>
    %max3A_24 = arith.maximumf %add3A_22, %max3A_23 : vector<2000x64xf32>
    %swap3A = arith.constant 0 : index
    %swap3A_25 = arith.constant 0 : index
    %swap3A_26 = vector.load %arg7[%swap3A, %swap3A_25] : memref<2000x64xf32, #tpu.memory_space<vmem>>, vector<2000x64xf32>
    tpu.vector_store %arg7[%swap3A, %swap3A_25], %max3A_24 {strides = array<i32>} : memref<2000x64xf32, #tpu.memory_space<vmem>>, vector<2000x64xf32>,
    return
  }
  func.func @transform_0(%arg0: i32) -> (i32, i32) {
    %c0_i32 = arith.constant 0 : i32
    %c0_i32_0 = arith.constant 0 : i32
    return %arg0, %c0_i32 : i32, i32
  }
  func.func @transform_1(%arg0: i32) -> (i32, i32) {
    %c0_i32 = arith.constant 0 : i32
    %c0_i32_0 = arith.constant 0 : i32
    return %arg0, %c0_i32 : i32, i32
  }
  func.func @transform_2(%arg0: i32) -> (i32, i32) {
    %c0_i32 = arith.constant 0 : i32
    %c0_i32_0 = arith.constant 0 : i32
    return %arg0, %c0_i32 : i32, i32
  }
  func.func @transform_3(%arg0: i32) -> (i32, i32) {
    %c0_i32 = arith.constant 0 : i32
    %c0_i32_0 = arith.constant 0 : i32
    %c0_i32_1 = arith.constant 0 : i32
    return %c0_i32, %c0_i32_0 : i32, i32
  }
  func.func @transform_4(%arg0: i32) -> (i32, i32) {
    %c0_i32 = arith.constant 0 : i32
    %c0_i32_0 = arith.constant 0 : i32
    %c0_i32_1 = arith.constant 0 : i32
    return %c0_i32, %c0_i32_0 : i32, i32
  }
  func.func @transform_5(%arg0: i32) -> (i32, i32) {
    %c0_i32 = arith.constant 0 : i32
    %c0_i32_0 = arith.constant 0 : i32
    %c0_i32_1 = arith.constant 0 : i32
    return %c0_i32, %c0_i32_0 : i32, i32
  }
  func.func @transform_6(%arg0: i32) -> (i32, i32) {
    %c0_i32 = arith.constant 0 : i32
    %c0_i32_0 = arith.constant 0 : i32
    return %arg0, %c0_i32 : i32, i32
  }
}

module attributes {stable_mosaic.version = 14 : i64} {
  func.func @body(%arg0: i32, %arg1: memref<2000x64xf32, #tpu.memory_space<vmem>>, %arg2: memref<64x64xf32, #tpu.memory_space<vmem>>, %arg3: memref<8x64xf32, #tpu.memory_space<vmem>>, %arg4: memref<64x8xf32, #tpu.memory_space<vmem>>, %arg5: memref<8x8xf32, #tpu.memory_space<vmem>>, %arg6: memref<2000x8xf32, #tpu.memory_space<vmem>>) attributes {dimension_semantics = [#tpu.dimension_semantics<arbitrary>], iteration_bounds = array<i64: 25>, scalar_prefetch = 0 : i64, scratch_operands = 0 : i64, tpu.core_type = #tpu.core_type<tc>, window_params = [{transform_indices = @transform_0, window_bounds = array<i64: 2000, 64>}, {pipeline_mode = #tpu.pipeline_mode<synchronous>, transform_indices = @transform_1, window_bounds = array<i64: 64, 64>}, {pipeline_mode = #tpu.pipeline_mode<synchronous>, transform_indices = @transform_2, window_bounds = array<i64: 8, 64>}, {pipeline_mode = #tpu.pipeline_mode<synchronous>, transform_indices = @transform_3, window_bounds = array<i64: 64, 8>}, {pipeline_mode = #tpu.pipeline_mode<synchronous>, transform_indices = @transform_4, window_bounds = array<i64: 8, 8>}, {transform_indices = @transform_5, window_bounds = array<i64: 2000, 8>}]} {
    %get3A = arith.constant 0 : index
    %get3A_0 = arith.constant 0 : index
    %get3A_1 = vector.load %arg1[%get3A, %get3A_0] : memref<2000x64xf32, #tpu.memory_space<vmem>>, vector<2000x64xf32>
    %get3A_2 = arith.constant 0 : index
    %get3A_3 = arith.constant 0 : index
    %get3A_4 = vector.load %arg2[%get3A_2, %get3A_3] : memref<64x64xf32, #tpu.memory_space<vmem>>, vector<64x64xf32>
    %dot_general3A = arith.constant dense<0.000000e+00> : vector<2000x64xf32>
    %dot_general3A_5 = tpu.matmul %get3A_1, %get3A_4, %dot_general3A {dimension_numbers = #tpu.dot_dimension_numbers<[1], [0], [0], [1], [0, 0, 1, 1], [], []>, transpose_lhs_hint = false} : vector<2000x64xf32>, vector<64x64xf32>, vector<2000x64xf32> -> vector<2000x64xf32>
    %get3A_6 = arith.constant 0 : index
    %get3A_7 = arith.constant 0 : index
    %get3A_8 = vector.load %arg3[%get3A_6, %get3A_7] : memref<8x64xf32, #tpu.memory_space<vmem>>, vector<1x64xf32>
    %add3A = vector.broadcast %get3A_8 : vector<1x64xf32> to vector<2000x64xf32>
    %add3A_9 = arith.addf %dot_general3A_5, %add3A : vector<2000x64xf32>
    %max3A = arith.constant 0.000000e+00 : f32
    %max3A_10 = vector.broadcast %max3A : f32 to vector<2000x64xf32>
    %max3A_11 = arith.maximumf %add3A_9, %max3A_10 : vector<2000x64xf32>
    %get3A_12 = arith.constant 0 : index
    %get3A_13 = arith.constant 0 : index
    %get3A_14 = vector.load %arg4[%get3A_12, %get3A_13] : memref<64x8xf32, #tpu.memory_space<vmem>>, vector<64x8xf32>
    %dot_general3A_15 = arith.constant dense<0.000000e+00> : vector<2000x8xf32>
    %dot_general3A_16 = tpu.matmul %max3A_11, %get3A_14, %dot_general3A_15 {dimension_numbers = #tpu.dot_dimension_numbers<[1], [0], [0], [1], [0, 0, 1, 1], [], []>, transpose_lhs_hint = false} : vector<2000x64xf32>, vector<64x8xf32>, vector<2000x8xf32> -> vector<2000x8xf32>
    %get3A_17 = arith.constant 0 : index
    %get3A_18 = arith.constant 0 : index
    %get3A_19 = vector.load %arg5[%get3A_17, %get3A_18] : memref<8x8xf32, #tpu.memory_space<vmem>>, vector<1x8xf32>
    %add3A_20 = vector.broadcast %get3A_19 : vector<1x8xf32> to vector<2000x8xf32>
    %add3A_21 = arith.addf %dot_general3A_16, %add3A_20 : vector<2000x8xf32>
    %swap3A = arith.constant 0 : index
    %swap3A_22 = arith.constant 0 : index
    %swap3A_23 = vector.load %arg6[%swap3A, %swap3A_22] : memref<2000x8xf32, #tpu.memory_space<vmem>>, vector<2000x8xf32>
    tpu.vector_store %arg6[%swap3A, %swap3A_22], %add3A_21 {strides = array<i32>} : memref<2000x8xf32, #tpu.memory_space<vmem>>, vector<2000x8xf32>,
    return
  }
  func.func @transform_0(%arg0: i32) -> (i32, i32) {
    %c0_i32 = arith.constant 0 : i32
    %c0_i32_0 = arith.constant 0 : i32
    return %arg0, %c0_i32 : i32, i32
  }
  func.func @transform_1(%arg0: i32) -> (i32, i32) {
    %c0_i32 = arith.constant 0 : i32
    %c0_i32_0 = arith.constant 0 : i32
    %c0_i32_1 = arith.constant 0 : i32
    return %c0_i32, %c0_i32_0 : i32, i32
  }
  func.func @transform_2(%arg0: i32) -> (i32, i32) {
    %c0_i32 = arith.constant 0 : i32
    %c0_i32_0 = arith.constant 0 : i32
    %c0_i32_1 = arith.constant 0 : i32
    return %c0_i32, %c0_i32_0 : i32, i32
  }
  func.func @transform_3(%arg0: i32) -> (i32, i32) {
    %c0_i32 = arith.constant 0 : i32
    %c0_i32_0 = arith.constant 0 : i32
    %c0_i32_1 = arith.constant 0 : i32
    return %c0_i32, %c0_i32_0 : i32, i32
  }
  func.func @transform_4(%arg0: i32) -> (i32, i32) {
    %c0_i32 = arith.constant 0 : i32
    %c0_i32_0 = arith.constant 0 : i32
    %c0_i32_1 = arith.constant 0 : i32
    return %c0_i32, %c0_i32_0 : i32, i32
  }
  func.func @transform_5(%arg0: i32) -> (i32, i32) {
    %c0_i32 = arith.constant 0 : i32
    %c0_i32_0 = arith.constant 0 : i32
    return %arg0, %c0_i32 : i32, i32
  }
}

</mosaic_0001>

<sc_bundles>
// kernel: kernel.14.cloned.1.call-start
scs
__scs_entry_jumppad:
0x0: {  	(pc) =	sbr.rel $0x88, $3  }
0x1: {  	(tag) =	ssettag $0x0;
	lr =	simm.s32 $0x1  }
0x2: {  	[smem:$0x3F87] =	sst lr;
	_ =	strace $0xD0000000  }
0x3: {  	_ = 	snop  }
0x4: {  	_ = 	snop  }
0x5: {  	_ = 	snop  }
0x6: {  	_ = 	snop  }
0x7: {  	_ = 	snop  }
__scs_overlays_trampoline_lowered:
0x8: {  	[smem:$0x3F96] =	sst s0  }
0x9: {  	[smem:$0x3F97] =	sst s1  }
0xa: {  	[smem:$0x3F98] =	sst s2  }
0xb: {  	[smem:$0x3F99] =	sst s3  }
0xc: {  	[smem:$0x3F9A] =	sst s4  }
0xd: {  	[smem:$0x3F9B] =	sst s5  }
0xe: {  	[smem:$0x3F9C] =	sst s6  }
0xf: {  	[smem:$0x3F9D] =	sst s7  }
0x10: {  	[smem:$0x3F9E] =	sst s8  }
0x11: {  	[smem:$0x3F9F] =	sst s9;
	s0 =	simm.s32 @!p0 $0x0  }
0x12: {  	s1 =	sld [smem:$0x3F85];
	s0 =	simm.s32 @p0 $0x1  }
0x13: {  	[smem:$0x3FA0] =	sst s0;
	s0 =	simm.s32 @!p1 $0x0  }
0x14: {  	s2 =	sld [smem:$0x3F84];
	s0 =	simm.s32 @p1 $0x1  }
0x15: {  	[smem:$0x3FA1] =	sst s0;
	s0 =	simm.s32 @!p2 $0x0  }
0x16: {  	s3 =	sld [smem:$0x3FDB];
	s0 =	simm.s32 @p2 $0x1  }
0x17: {  	s4 =	simm.s32 $0x1BF5;
	[smem:$0x3FA3] =	sst s0  }
0x18: {  	s0 =	sld [smem:$0x3F86];
	_ =	swait.ge [sflag:s4], $0x0  }
0x19: {  	s7 =	sld [smem:$0x3F87]  }
0x1a: {  	s8 =	sadd.s32 $0xFFFFE003, lr  }
0x1b: {  	s9 =	sadd.s32 $0xFFFFFEF7, lr;
	s5 =	simm.s32 $0xFFFFFFFF;
	p2 =	slt.u32 s8, $0xFFFFF086  }
0x1c: {  	p1 =	slt.u32 s9, $0xF7A;
	s5 =	simm.s32 @!p2 $0x0  }
0x1d: {  	s5 =	simm.s32 @p1 $0x1;
	p0 =	seq.s32 s7, s2  }
0x1e: {  	s7 =	smul.u32 @!p0 $0xF7A, s2;
	p2 =	seq.s32 @!p0 s5, $0x0  }
0x1f: {  	s9 =	smul.u32 $0xF7A, s1;
	s8 =	simm.s32 @!p0 $0x1BF5;
	p2 =	por !p2, p0  }
0x20: {  	[sflag:s8] =	ssyncset.s32 @!p0 $0xFFFFF086;
	s6 =	sadd.s32 @!p0 s3, s7;
	s7 =	simm.s32 @!p0 $0x108  }
0x21: {  	s3 =	sadd.s32 s3, s9;
	s6 =	sadd.s32 @!p0 $0x88, s6;
	s7 =	simm.s32 @p2 $0x1082  }
0x22: {  	[simem:s7], [sflag:s8] =	dma.local @!p0 [hbm:s6], $0xF7A  }
0x23: {  	s9 =	sor.u32 $0xD0000000, s2;
	s6 =	simm.s32 $0x108;
	_ =	swait.ge @!p0 [sflag:s8], $0x0  }
0x24: {  	s3 =	sadd.s32 $0x88, s3;
	s6 =	simm.s32 @!p1 $0x1082;
	[sflag:s4] =	ssyncset.s32 $0xFFFFF086  }
0x25: {  	[simem:s6], [sflag:s4] =	dma.local [hbm:s3], $0xF7A  }
0x26: {  	[smem:$0x3F87] =	sst s1;
	(tag) =	ssettag s2;
	_ =	strace s9  }
0x27: {  	s1 =	sld [smem:$0x3F97]  }
0x28: {  	s2 =	sld [smem:$0x3F98]  }
0x29: {  	s4 =	sld [smem:$0x3F9A]  }
0x2a: {  	p0 =	seq.s32 s5, $0x0;
	s5 =	sld [smem:$0x3F9B]  }
0x2b: {  	s6 =	sld [smem:$0x3F9C]  }
0x2c: {  	s7 =	sld [smem:$0x3F9D]  }
0x2d: {  	s3 =	simm.s32 $0x108;
	s8 =	sld [smem:$0x3F9E]  }
0x2e: {  	s3 =	simm.s32 @!p0 $0x1082;
	s9 =	sld [smem:$0x3F9F]  }
0x2f: {  	lr =	sadd.s32 s0, s3;
	s0 =	sld [smem:$0x3F96]  }
0x30: {  	s3 =	sld [smem:$0x3F99]  }
0x31: {  	[smem:$0x3FA2] =	sst s10  }
0x32: {  	s10 =	sld [smem:$0x3FA0];
	_ =	sdelay $0x3  }
0x33: {  	p0 =	seq.s32 s10, $0x1;
	s10 =	sld [smem:$0x3FA2];
	_ =	sdelay $0x3  }
0x34: {  	[smem:$0x3FA2] =	sst s10  }
0x35: {  	s10 =	sld [smem:$0x3FA1];
	_ =	sdelay $0x3  }
0x36: {  	p1 =	seq.s32 s10, $0x1;
	s10 =	sld [smem:$0x3FA2];
	_ =	sdelay $0x3  }
0x37: {  	[smem:$0x3FA2] =	sst s10  }
0x38: {  	s10 =	sld [smem:$0x3FA3]  }
0x39: {  	_ = 	snop;
	(pc) =	sbr.ind lr, $3  }
0x3a: {  	_ = 	snop  }
0x3b: {  	_ = 	snop  }
0x3c: {  	p2 =	seq.s32 s10, $0x1;
	s10 =	sld [smem:$0x3FA2]  }
0x3d: {  	_ =	shalt  }
0x3e: {  	_ =	shalt  }
0x3f: {  	_ =	shalt  }
0x40: {  	_ =	shalt  }
0x41: {  	_ =	shalt  }
0x42: {  	_ =	shalt  }
0x43: {  	_ =	shalt  }
0x44: {  	_ =	shalt  }
0x45: {  	_ =	shalt  }
0x46: {  	_ =	shalt  }
0x47: {  	_ =	shalt  }
0x48: {  	_ =	shalt  }
0x49: {  	_ =	shalt  }
0x4a: {  	_ =	shalt  }
0x4b: {  	_ =	shalt  }
0x4c: {  	_ =	shalt  }
0x4d: {  	_ =	shalt  }
0x4e: {  	_ =	shalt  }
0x4f: {  	_ =	shalt  }
0x50: {  	_ =	shalt  }
0x51: {  	_ =	shalt  }
0x52: {  	_ =	shalt  }
0x53: {  	_ =	shalt  }
0x54: {  	_ =	shalt  }
0x55: {  	_ =	shalt  }
0x56: {  	_ =	shalt  }
0x57: {  	_ =	shalt  }
0x58: {  	_ =	shalt  }
0x59: {  	_ =	shalt  }
0x5a: {  	_ =	shalt  }
0x5b: {  	_ =	shalt  }
0x5c: {  	_ =	shalt  }
0x5d: {  	_ =	shalt  }
0x5e: {  	_ =	shalt  }
0x5f: {  	_ =	shalt  }
0x60: {  	_ =	shalt  }
0x61: {  	_ =	shalt  }
0x62: {  	_ =	shalt  }
0x63: {  	_ =	shalt  }
0x64: {  	_ =	shalt  }
0x65: {  	_ =	shalt  }
0x66: {  	_ =	shalt  }
0x67: {  	_ =	shalt  }
0x68: {  	_ =	shalt  }
0x69: {  	_ =	shalt  }
0x6a: {  	_ =	shalt  }
0x6b: {  	_ =	shalt  }
0x6c: {  	_ =	shalt  }
0x6d: {  	_ =	shalt  }
0x6e: {  	_ =	shalt  }
0x6f: {  	_ =	shalt  }
0x70: {  	_ =	shalt  }
0x71: {  	_ =	shalt  }
0x72: {  	_ =	shalt  }
0x73: {  	_ =	shalt  }
0x74: {  	_ =	shalt  }
0x75: {  	_ =	shalt  }
0x76: {  	_ =	shalt  }
0x77: {  	_ =	shalt  }
0x78: {  	_ =	shalt  }
0x79: {  	_ =	shalt  }
0x7a: {  	_ =	shalt  }
0x7b: {  	_ =	shalt  }
0x7c: {  	_ =	shalt  }
0x7d: {  	_ =	shalt  }
0x7e: {  	_ =	shalt  }
0x7f: {  	_ =	shalt  }
0x80: {  	_ =	shalt  }
0x81: {  	_ =	shalt  }
0x82: {  	_ =	shalt  }
0x83: {  	_ =	shalt  }
0x84: {  	_ =	shalt  }
0x85: {  	_ =	shalt  }
0x86: {  	_ =	shalt  }
0x87: {  	_ =	shalt  }
.Lfunc_end0:
.L_simem_size_0:
called_computation_lowered:
.L_overlay_start_0:
0x88: {  	s2 =	sld [smem:$0x3FD9]  }
0x89: {  	s3 =	sld [smem:$0x3FFE];
	_ =	sdelay $0x1  }
0x8a: {  	s1 =	srdreg.scid  }
0x8b: {  	s0 =	sand.u32 $0x1, s1  }
0x8c: {  	s16 =	sshll.u32 s0, $0xA;
	s2 =	sadd.s32 s3, s2  }
0x8d: {  	s2 =	sadd.s32 s2, s16  }
0x8e: {  	[smem:$0x3FAE] =	sst s2  }
0x8f: {  	_ = 	snop  }
0x90: {  	(tm) =	ssettm $0x1  }
0x91: {  	s17 =	sld [smem:$0x3FFB];
	_ =	sdelay $0x3  }
0x92: {  	_ =	strace s17  }
0x93: {  	s2 =	sld [smem:$0x3FFC];
	_ =	sdelay $0x3  }
0x94: {  	_ =	strace s2  }
0x95: {  	s2 =	sld [smem:$0x3FFD];
	_ =	sdelay $0x3  }
0x96: {  	_ =	strace s2  }
0x97: {  	_ =	strace $0x8FFFFFFF  }
0x98: {  	s18 =	sld [smem:$0x3FDB];
	_ =	sdelay $0x1  }
0x99: {  	s19 =	simm.s32 $_scs_section_size  }
0x9a: {  	s4 =	simm.s32 $_size__tile_overlayer_lowered;
	s5 =	simm.s32 $_tile_overlayer_lowered  }
0x9b: {  	s22 =	simm.s32 $0x1BFF;
	s21 =	sshll.u32 s5, $0x1;
	s2 =	sadd.s32 s19, s18  }
0x9c: {  	s6 =	simm.s32 $0x0;
	s20 =	sshll.u32 s4, $0x1;
	s4 =	sadd.s32 s21, s2  }
0x9d: {  	[timem:s6], [sflag:s22] =	dma.local [hbm:s4], s20  }
0x9e: {  	_ =	swait.ge [sflag:s22], s20  }
0x9f: {  	s3 =	ssub.s32 $0x0, s20;
	[sflag:s22] =	ssyncset.done $0x0  }
0xa0: {  	[sflag:s22] =	ssyncadd.s32 s3;
	_ =	sdelay $0x1  }
0xa1: {  	s23 =	simm.s32 $0x1B8B  }
0xa2: {  	_ =	swait.ge [sflag:s23], $0x1  }
0xa3: {  	[sflag:s23] =	ssyncset.done $0x0  }
0xa4: {  	s25 =	simm.s32 $0x1B8E;
	s24 =	sld [smem:$0x3FFE];
	[sflag:s23] =	ssyncadd.s32 $0xFFFFFFFF  }
0xa5: {  	s26 =	simm.s32 $execute0_lowered;
	[smem:$0x3FD2] =	sst s25  }
0xa6: {  	s4 =	sshll.u32 s26, $0x1;
	_ =	strace $0x80000046;
	[dreg:$0x1] =	wrdreg $0xFFFFFFFF  }
0xa7: {  	s28 =	simm.s32 $_size_execute0_lowered;
	s2 =	sadd.s32 s2, s4;
	[dreg:$0x0] =	wrdreg $0x0  }
0xa8: {  	s4 =	sshll.u32 s28, $0x1;
	[dreg:$0x2] =	wrdreg s2  }
0xa9: {  	[dreg:$0x3] =	wrdreg s4  }
0xaa: {  	[dreg:$0x4] =	wrdreg $0xC0  }
0xab: {  	_ =	task [dreg:s6], $0x5FFFF  }
0xac: {  	[dreg:$0x1] =	wrdreg $0xFFFFFFFF  }
0xad: {  	[dreg:$0x0] =	wrdreg $0x60  }
0xae: {  	[dreg:$0x2] =	wrdreg s24  }
0xaf: {  	[dreg:$0x3] =	wrdreg $0xB  }
0xb0: {  	_ =	task.clear_ibuf [dreg:s6], $0x4FFFF;
	_ =	strace $0x90000046  }
0xb1: {  	s29 =	simm.s32 $0xB;
	_ =	strace $0x80000048  }
0xb2: {  	_ =	swait.ge [sflag:s29], $0x1  }
0xb3: {  	[sflag:s29] =	ssyncadd.s32 $0xFFFFFFFF  }
0xb4: {  	_ =	strace $0x90000048  }
0xb5: {  	_ =	sfence  }
0xb6: {  	s30 =	sld [smem:$0x0];
	_ =	sdelay $0x2  }
0xb7: {  	s31 =	sshll.u32 s1, $0xD;
	s1 =	sshrl.u32 s1, $0x2  }
0xb8: {  	s3 =	sand.u32 $0x4000, s31;
	s1 =	sadd.s32 s1, s30  }
0xb9: {  	s0 =	sor.u32 s3, s0;
	s1 =	sshll.u32 s1, $0x11  }
0xba: {  	s0 =	sor.u32 s1, s0  }
0xbb: {  	s0 =	sadd.s32 $0x8F2B, s0  }
0xbc: {  	[sflag:s0] =	ssyncadd.remote.s32 $0x1  }
0xbd: {  	_ =	sfence.sel $0xFFFF  }
0xbe: {  	[dreg:$0x0] =	wrdreg $0xFFFFFFFF;
	(pc) =	sbr.abs _section_cstart, $3  }
0xbf: {  	[dreg:$0x1] =	wrdreg $0xFFFFFFFF  }
0xc0: {  	_ =	task.clear_ibuf [dreg:s6], $0x2FFFF;
	_ =	strace $0x9FFFFFFF  }
0xc1: {  	(tm) =	ssettm $0x7FFFFFFF  }
tec
execute0_lowered:
.L_overlay_start_1:
0x0: {  	(tag) =	ssettag $0x1  }
0x1: {  	s0 =	srdreg.scid  }
0x2: {  	s6 =	rddreg [dreg:$0x0];
	s5 =	sand.u32 $0x1, s0  }
0x3: {  	s1 =	stileid.u32;
	s2 =	simm.s32 $0x0;
	s3 =	sshll.u32 s5, $0x4  }
0x4: {  	s11 =	simm.s32 $0x2B80;
	s0 =	rddreg [dreg:$0x1];
	s7 =	sor.u32 s1, s3  }
0x5: {  	s12 =	simm.s32 $0x0;
	[smem:$0x7FF] =	sst s2;
	s8 =	smul.u32 $0x4E8, s7  }
0x6: {  	s4 =	sadd.s32 $0x4BE00, s6;
	s5 =	ssub.s32 $0x2, s5;
	s9 =	smul.u32 $0x1870, s7  }
0x7: {  	_ =	strace $0x80000047;
	s3 =	sadd.s32 $0x1AE00, s6;
	s31 =	sshrl.u32 s5, $0x1  }
0x8: {  	s10 =	ssub.s32 s5, s31;
	s8 =	sadd.s32 s8, s6;
	s9 =	sadd.s32 s9, s6  }
0x9: {  	s5 =	smul.u32 $0x61A8, s7;
	s6 =	sadd.s32 $0x64600, s8;
	s7 =	sadd.s32 $0x6E400, s9  }
0xa: {  	v0 =	vimm.f32 $0.0e+00;
	v1 =	vimm.f32 $1.000000000e+00;
	vm0 =	vcmask $0x3F20;
	s8 =	smax.u32 s10, $0x1;
	s9 =	simm.s32 $0x1;
	s10 =	simm.s32 $0x400  }
.LBB2_1:
0xb: {  	s13 =	simm.s32 $0x40;
	s14 =	simm.s32 $0x0  }
.LBB2_2:
0xc: {  	p0 =	sne.s32 s13, $0x9CC0;
	[tilespmem:s14+$0x400] =	vst v0;
	s14 =	smov.u32 s13;
	s13 =	sadd.s32 $0x40, s13  }
.Ltmp0:
0xd: {  	(pc) =	sbr.rel @p0 .LBB2_2-.Ltmp0, $2  }
0xe: {  	_ =	sdelay $0x2  }
0xf: {  	s14 =	sshra.s32 s14, $0x2  }
0x10: {  	[tilespmem:s14+$0x400] =	vst v0;
	s13 =	simm.s32 $0x0;
	s14 =	simm.s32 $0x40;
	s15 =	simm.s32 $0x0  }
.LBB2_4:
0x11: {  	p0 =	sne.s32 s14, $0x30DC0;
	[tilespmem:s15+$0x2B80] =	vst v0;
	s15 =	smov.u32 s14;
	s14 =	sadd.s32 $0x40, s14  }
.Ltmp1:
0x12: {  	(pc) =	sbr.rel @p0 .LBB2_4-.Ltmp1, $2  }
0x13: {  	_ =	sdelay $0x2  }
0x14: {  	s15 =	sshra.s32 s15, $0x2  }
0x15: {  	[tilespmem:s15+$0x2B80] =	vst v0  }
.LBB2_6:
0x16: {  	s14 =	smul.u32 $0x3E8, s13;
	_ =	sdelay $0x1  }
0x17: {  	s14 =	sadd.s32 s5, s14  }
0x18: {  	s14 =	sshrl.u32 s14, $0x3  }
0x19: {  	s15 =	simm.s32 $0x0;
	s14 =	sadd.s32 s3, s14  }
0x1a: {  	[tilespmem:s15], [sflag:$0x1] =	stream.linear.gather [hbm4b:s14+s15], $0x3E8, $0x38;
	[tilespmem:$0xEF00] =	vst v63  }
0x1b: {  	_ =	swait.ge [sflag:s9], $0x3E8  }
0x1c: {  	[sflag:s9] =	ssyncset.done $0x0  }
0x1d: {  	s15 =	simm.s32 $0x0;
	s14 =	simm.s32 $0x40;
	[sflag:s9] =	ssyncadd.s32 $0xFFFFFC18  }
.LBB2_7:
0x1e: {  	p0 =	sne.s32 s14, $0xF00;
	v2 =	vld [tilespmem:s15+$0x0];
	_ =	sdelay $0x3  }
.Ltmp2:
0x1f: {  	(pc) =	sbr.rel @p0 .LBB2_7-.Ltmp2, $2  }
0x20: {  	_ =	sdelay $0x2  }
0x21: {  	s15 =	sshra.s32 s14, $0x2;
	s14 =	sadd.s32 $0x40, s14;
	[tilespmem:v2+s10+$0x0] =	vst.idx.add.f32.msk $0xffff, v1  }
0x22: {  	v2 =	vld [tilespmem:s15+$0x0];
	_ =	sdelay $0x7  }
0x23: {  	[tilespmem:v2+s10+$0x0] =	vst.idx.add.f32.msk $0xffff, v1  }
0x24: {  	v2 =	vld [tilespmem:$0x3D8];
	_ =	sdelay $0x1  }
0x25: {  	s13 =	sadd.s32 $0x1, s13  }
0x26: {  	p0 =	sne.s32 s13, $0x19  }
.Ltmp3:
0x27: {  	_ = 	snop;
	(pc) =	sbr.rel @p0 .LBB2_6-.Ltmp3, $2  }
0x28: {  	_ =	sdelay $0x2  }
0x29: {  	s14 =	simm.s32 $0x0;
	[tilespmem:v2+s10+$0x0] =	vst.idx.add.f32.msk vm0, v1  }
0x2a: {  	s13 =	simm.s32 $0x0  }
.LBB2_10:
0x2b: {  	s15 =	smul.u32 $0x3E8, s13;
	_ =	sdelay $0x1  }
0x2c: {  	s15 =	sadd.s32 s5, s15  }
0x2d: {  	s15 =	sshrl.u32 s15, $0x3  }
0x2e: {  	s15 =	sadd.s32 s4, s15  }
0x2f: {  	[tilespmem:s14], [sflag:$0x1] =	stream.linear.gather [hbm4b:s15+s14], $0x3E8, $0x38;
	[tilespmem:$0xEF00] =	vst v63  }
0x30: {  	_ =	swait.ge [sflag:s9], $0x3E8  }
0x31: {  	[sflag:s9] =	ssyncset.done $0x0  }
0x32: {  	s16 =	simm.s32 $0x0;
	s15 =	simm.s32 $0x40;
	[sflag:s9] =	ssyncadd.s32 $0xFFFFFC18  }
.LBB2_11:
0x33: {  	p0 =	sne.s32 s15, $0xF00;
	v2 =	vld [tilespmem:s16+$0x0];
	_ =	sdelay $0x3  }
.Ltmp4:
0x34: {  	(pc) =	sbr.rel @p0 .LBB2_11-.Ltmp4, $2  }
0x35: {  	_ =	sdelay $0x2  }
0x36: {  	s16 =	sshra.s32 s15, $0x2;
	s15 =	sadd.s32 $0x40, s15;
	[tilespmem:v2+s11+$0x0] =	vst.idx.add.f32.msk $0xffff, v1  }
0x37: {  	v2 =	vld [tilespmem:s16+$0x0];
	_ =	sdelay $0x7  }
0x38: {  	[tilespmem:v2+s11+$0x0] =	vst.idx.add.f32.msk $0xffff, v1  }
0x39: {  	v2 =	vld [tilespmem:$0x3D8];
	_ =	sdelay $0x1  }
0x3a: {  	s13 =	sadd.s32 $0x1, s13  }
0x3b: {  	p0 =	sne.s32 s13, $0x19  }
.Ltmp5:
0x3c: {  	_ = 	snop;
	(pc) =	sbr.rel @p0 .LBB2_10-.Ltmp5, $2  }
0x3d: {  	_ =	sdelay $0x2  }
0x3e: {  	[tilespmem:v2+s11+$0x0] =	vst.idx.add.f32.msk vm0, v1  }
0x3f: {  	[hbm4b:s6+s2] =	stream.linear.scatter [tilespmem:s10], [sflag:$0x1], $0x2740, $0x38;
	[tilespmem:$0xEF00] =	vst v63  }
0x40: {  	s12 =	sadd.s32 $0x1, s12;
	_ =	swait.ge [sflag:s9], $0x2740  }
0x41: {  	p0 =	sne.s32 s12, s8;
	[sflag:s9] =	ssyncset.done $0x0  }
.Ltmp6:
0x42: {  	[sflag:s9] =	ssyncadd.s32 $0xFFFFD8C0;
	(pc) =	sbr.rel @p0 .LBB2_1-.Ltmp6, $4  }
0x43: {  	[hbm4b:s7+s2] =	stream.linear.scatter [tilespmem:s11], [sflag:$0x1], $0xC380, $0x38;
	[tilespmem:$0xEF00] =	vst v63  }
0x44: {  	_ =	swait.ge [sflag:s9], $0xC380  }
0x45: {  	[sflag:s9] =	ssyncset.done $0x0  }
0x46: {  	[sflag:s9] =	ssyncadd.s32 $0xFFFF3C80  }
0x47: {  	_ =	sfence.sel $0x180000  }
0x48: {  	[bflag:$0x0] =	sbarrier.arrive $0xFFFF  }
0x49: {  	p0 =	sne.s32 s1, $0x0;
	_ =	strace $0x90000047  }
0x4a: {  	s0 =	sadd.s32 @!p0 $0x100000, s0;
	[bflag:$0x2] =	sbarrier.arrive $0xFFFF  }
0x4b: {  	[sflag:s0] =	ssyncadd.tile.s32 @!p0 $0x1;
	_ =	shalt  }
.Lfunc_end2:
_tile_overlayer_lowered:
.L_overlay_start_2:
0x4c: {  	(tag) =	ssettag $0x2  }
0x4d: {  	s0 =	rddreg [dreg:$0x0];
	s2 =	stileid.u32  }
0x4e: {  	s1 =	rddreg [dreg:$0x1];
	p0 =	sne.s32 s2, $0x0  }
0x4f: {  	s3 =	rddreg [dreg:$0x2];
	[bflag:$0x3] =	sbarrier.arrive $0xFFFF;
	s2 =	simm.s32 @!p0 $0x1C01  }
0x50: {  	[timem:s3], [sflag:s2] =	dma.local @!p0 [hbm:s0], s1  }
0x51: {  	s0 =	simm.s32 @!p0 $0x1  }
0x52: {  	_ =	swait.ge @!p0 [sflag:s0], s1  }
0x53: {  	s1 =	ssub.s32 @!p0 $0x0, s1;
	[sflag:s0] =	ssyncset.done @!p0 $0x0  }
0x54: {  	[sflag:s0] =	ssyncadd.s32 @!p0 s1  }
0x55: {  	[bflag:$0x3] =	sbarrier.arrive $0xFFFF  }
0x56: {  	_ =	shalt  }

// kernel: kernel.17.cloned.1.call-start
scs
__scs_entry_jumppad:
0x0: {  	(pc) =	sbr.rel $0x88, $3  }
0x1: {  	(tag) =	ssettag $0x0;
	lr =	simm.s32 $0x1  }
0x2: {  	[smem:$0x3F87] =	sst lr;
	_ =	strace $0xD0000000  }
0x3: {  	_ = 	snop  }
0x4: {  	_ = 	snop  }
0x5: {  	_ = 	snop  }
0x6: {  	_ = 	snop  }
0x7: {  	_ = 	snop  }
__scs_overlays_trampoline_lowered:
0x8: {  	[smem:$0x3F96] =	sst s0  }
0x9: {  	[smem:$0x3F97] =	sst s1  }
0xa: {  	[smem:$0x3F98] =	sst s2  }
0xb: {  	[smem:$0x3F99] =	sst s3  }
0xc: {  	[smem:$0x3F9A] =	sst s4  }
0xd: {  	[smem:$0x3F9B] =	sst s5  }
0xe: {  	[smem:$0x3F9C] =	sst s6  }
0xf: {  	[smem:$0x3F9D] =	sst s7  }
0x10: {  	[smem:$0x3F9E] =	sst s8  }
0x11: {  	[smem:$0x3F9F] =	sst s9;
	s0 =	simm.s32 @!p0 $0x0  }
0x12: {  	s1 =	sld [smem:$0x3F85];
	s0 =	simm.s32 @p0 $0x1  }
0x13: {  	[smem:$0x3FA0] =	sst s0;
	s0 =	simm.s32 @!p1 $0x0  }
0x14: {  	s2 =	sld [smem:$0x3F84];
	s0 =	simm.s32 @p1 $0x1  }
0x15: {  	[smem:$0x3FA1] =	sst s0;
	s0 =	simm.s32 @!p2 $0x0  }
0x16: {  	s3 =	sld [smem:$0x3FDB];
	s0 =	simm.s32 @p2 $0x1  }
0x17: {  	s4 =	simm.s32 $0x1BF5;
	[smem:$0x3FA3] =	sst s0  }
0x18: {  	s0 =	sld [smem:$0x3F86];
	_ =	swait.ge [sflag:s4], $0x0  }
0x19: {  	s7 =	sld [smem:$0x3F87]  }
0x1a: {  	s8 =	sadd.s32 $0xFFFFE003, lr  }
0x1b: {  	s9 =	sadd.s32 $0xFFFFFEF7, lr;
	s5 =	simm.s32 $0xFFFFFFFF;
	p2 =	slt.u32 s8, $0xFFFFF086  }
0x1c: {  	p1 =	slt.u32 s9, $0xF7A;
	s5 =	simm.s32 @!p2 $0x0  }
0x1d: {  	s5 =	simm.s32 @p1 $0x1;
	p0 =	seq.s32 s7, s2  }
0x1e: {  	s7 =	smul.u32 @!p0 $0xF7A, s2;
	p2 =	seq.s32 @!p0 s5, $0x0  }
0x1f: {  	s9 =	smul.u32 $0xF7A, s1;
	s8 =	simm.s32 @!p0 $0x1BF5;
	p2 =	por !p2, p0  }
0x20: {  	[sflag:s8] =	ssyncset.s32 @!p0 $0xFFFFF086;
	s6 =	sadd.s32 @!p0 s3, s7;
	s7 =	simm.s32 @!p0 $0x108  }
0x21: {  	s3 =	sadd.s32 s3, s9;
	s6 =	sadd.s32 @!p0 $0x88, s6;
	s7 =	simm.s32 @p2 $0x1082  }
0x22: {  	[simem:s7], [sflag:s8] =	dma.local @!p0 [hbm:s6], $0xF7A  }
0x23: {  	s9 =	sor.u32 $0xD0000000, s2;
	s6 =	simm.s32 $0x108;
	_ =	swait.ge @!p0 [sflag:s8], $0x0  }
0x24: {  	s3 =	sadd.s32 $0x88, s3;
	s6 =	simm.s32 @!p1 $0x1082;
	[sflag:s4] =	ssyncset.s32 $0xFFFFF086  }
0x25: {  	[simem:s6], [sflag:s4] =	dma.local [hbm:s3], $0xF7A  }
0x26: {  	[smem:$0x3F87] =	sst s1;
	(tag) =	ssettag s2;
	_ =	strace s9  }
0x27: {  	s1 =	sld [smem:$0x3F97]  }
0x28: {  	s2 =	sld [smem:$0x3F98]  }
0x29: {  	s4 =	sld [smem:$0x3F9A]  }
0x2a: {  	p0 =	seq.s32 s5, $0x0;
	s5 =	sld [smem:$0x3F9B]  }
0x2b: {  	s6 =	sld [smem:$0x3F9C]  }
0x2c: {  	s7 =	sld [smem:$0x3F9D]  }
0x2d: {  	s3 =	simm.s32 $0x108;
	s8 =	sld [smem:$0x3F9E]  }
0x2e: {  	s3 =	simm.s32 @!p0 $0x1082;
	s9 =	sld [smem:$0x3F9F]  }
0x2f: {  	lr =	sadd.s32 s0, s3;
	s0 =	sld [smem:$0x3F96]  }
0x30: {  	s3 =	sld [smem:$0x3F99]  }
0x31: {  	[smem:$0x3FA2] =	sst s10  }
0x32: {  	s10 =	sld [smem:$0x3FA0];
	_ =	sdelay $0x3  }
0x33: {  	p0 =	seq.s32 s10, $0x1;
	s10 =	sld [smem:$0x3FA2];
	_ =	sdelay $0x3  }
0x34: {  	[smem:$0x3FA2] =	sst s10  }
0x35: {  	s10 =	sld [smem:$0x3FA1];
	_ =	sdelay $0x3  }
0x36: {  	p1 =	seq.s32 s10, $0x1;
	s10 =	sld [smem:$0x3FA2];
	_ =	sdelay $0x3  }
0x37: {  	[smem:$0x3FA2] =	sst s10  }
0x38: {  	s10 =	sld [smem:$0x3FA3]  }
0x39: {  	_ = 	snop;
	(pc) =	sbr.ind lr, $3  }
0x3a: {  	_ = 	snop  }
0x3b: {  	_ = 	snop  }
0x3c: {  	p2 =	seq.s32 s10, $0x1;
	s10 =	sld [smem:$0x3FA2]  }
0x3d: {  	_ =	shalt  }
0x3e: {  	_ =	shalt  }
0x3f: {  	_ =	shalt  }
0x40: {  	_ =	shalt  }
0x41: {  	_ =	shalt  }
0x42: {  	_ =	shalt  }
0x43: {  	_ =	shalt  }
0x44: {  	_ =	shalt  }
0x45: {  	_ =	shalt  }
0x46: {  	_ =	shalt  }
0x47: {  	_ =	shalt  }
0x48: {  	_ =	shalt  }
0x49: {  	_ =	shalt  }
0x4a: {  	_ =	shalt  }
0x4b: {  	_ =	shalt  }
0x4c: {  	_ =	shalt  }
0x4d: {  	_ =	shalt  }
0x4e: {  	_ =	shalt  }
0x4f: {  	_ =	shalt  }
0x50: {  	_ =	shalt  }
0x51: {  	_ =	shalt  }
0x52: {  	_ =	shalt  }
0x53: {  	_ =	shalt  }
0x54: {  	_ =	shalt  }
0x55: {  	_ =	shalt  }
0x56: {  	_ =	shalt  }
0x57: {  	_ =	shalt  }
0x58: {  	_ =	shalt  }
0x59: {  	_ =	shalt  }
0x5a: {  	_ =	shalt  }
0x5b: {  	_ =	shalt  }
0x5c: {  	_ =	shalt  }
0x5d: {  	_ =	shalt  }
0x5e: {  	_ =	shalt  }
0x5f: {  	_ =	shalt  }
0x60: {  	_ =	shalt  }
0x61: {  	_ =	shalt  }
0x62: {  	_ =	shalt  }
0x63: {  	_ =	shalt  }
0x64: {  	_ =	shalt  }
0x65: {  	_ =	shalt  }
0x66: {  	_ =	shalt  }
0x67: {  	_ =	shalt  }
0x68: {  	_ =	shalt  }
0x69: {  	_ =	shalt  }
0x6a: {  	_ =	shalt  }
0x6b: {  	_ =	shalt  }
0x6c: {  	_ =	shalt  }
0x6d: {  	_ =	shalt  }
0x6e: {  	_ =	shalt  }
0x6f: {  	_ =	shalt  }
0x70: {  	_ =	shalt  }
0x71: {  	_ =	shalt  }
0x72: {  	_ =	shalt  }
0x73: {  	_ =	shalt  }
0x74: {  	_ =	shalt  }
0x75: {  	_ =	shalt  }
0x76: {  	_ =	shalt  }
0x77: {  	_ =	shalt  }
0x78: {  	_ =	shalt  }
0x79: {  	_ =	shalt  }
0x7a: {  	_ =	shalt  }
0x7b: {  	_ =	shalt  }
0x7c: {  	_ =	shalt  }
0x7d: {  	_ =	shalt  }
0x7e: {  	_ =	shalt  }
0x7f: {  	_ =	shalt  }
0x80: {  	_ =	shalt  }
0x81: {  	_ =	shalt  }
0x82: {  	_ =	shalt  }
0x83: {  	_ =	shalt  }
0x84: {  	_ =	shalt  }
0x85: {  	_ =	shalt  }
0x86: {  	_ =	shalt  }
0x87: {  	_ =	shalt  }
.Lfunc_end0:
.L_simem_size_0:
called_computation.1_lowered:
.L_overlay_start_0:
0x88: {  	s2 =	sld [smem:$0x3FD9]  }
0x89: {  	s3 =	sld [smem:$0x3FFE];
	_ =	sdelay $0x1  }
0x8a: {  	s1 =	srdreg.scid  }
0x8b: {  	s0 =	sand.u32 $0x1, s1  }
0x8c: {  	s17 =	sshll.u32 s0, $0xA;
	s2 =	sadd.s32 s3, s2  }
0x8d: {  	s2 =	sadd.s32 s2, s17  }
0x8e: {  	[smem:$0x3FAE] =	sst s2  }
0x8f: {  	_ = 	snop  }
0x90: {  	(tm) =	ssettm $0x1  }
0x91: {  	s18 =	sld [smem:$0x3FFB];
	_ =	sdelay $0x3  }
0x92: {  	_ =	strace s18  }
0x93: {  	s2 =	sld [smem:$0x3FFC];
	_ =	sdelay $0x3  }
0x94: {  	_ =	strace s2  }
0x95: {  	s2 =	sld [smem:$0x3FFD];
	_ =	sdelay $0x3  }
0x96: {  	_ =	strace s2  }
0x97: {  	_ =	strace $0x8FFFFFFF  }
0x98: {  	s19 =	sld [smem:$0x3FDB];
	_ =	sdelay $0x1  }
0x99: {  	s20 =	simm.s32 $_scs_section_size  }
0x9a: {  	s4 =	simm.s32 $_size__tile_overlayer_lowered;
	s5 =	simm.s32 $_tile_overlayer_lowered  }
0x9b: {  	s6 =	simm.s32 $0x1BFF;
	s21 =	sshll.u32 s5, $0x1;
	s3 =	sadd.s32 s20, s19  }
0x9c: {  	s22 =	simm.s32 $0x0;
	s4 =	sshll.u32 s4, $0x1;
	s5 =	sadd.s32 s21, s3  }
0x9d: {  	[timem:s22], [sflag:s6] =	dma.local [hbm:s5], s4  }
0x9e: {  	_ =	swait.ge [sflag:s6], s4  }
0x9f: {  	s4 =	ssub.s32 $0x0, s4;
	[sflag:s6] =	ssyncset.done $0x0  }
0xa0: {  	[sflag:s6] =	ssyncadd.s32 s4;
	_ =	sdelay $0x1  }
0xa1: {  	s23 =	simm.s32 $0x1B8B  }
0xa2: {  	_ =	swait.ge [sflag:s23], $0x1  }
0xa3: {  	[sflag:s23] =	ssyncset.done $0x0  }
0xa4: {  	[sflag:s23] =	ssyncadd.s32 $0xFFFFFFFF  }
0xa5: {  	s4 =	sld [smem:$0x0]  }
0xa6: {  	s5 =	sand.u32 $0xFFFFFFFE, s1  }
0xa7: {  	p0 =	sne.s32 s1, s5  }
0xa8: {  	s5 =	sshll.u32 @p0 s5, $0xE  }
0xa9: {  	s5 =	sadd.s32 @p0 $0x11B8D, s5;
	s6 =	sshll.u32 @p0 s4, $0x11  }
0xaa: {  	s5 =	sor.u32 @p0 s6, s5  }
0xab: {  	[sflag:s5] =	ssyncadd.remote.s32 @p0 $0x1;
	_ =	sdelay $0x1  }
0xac: {  	s5 =	simm.s32 @p0 $0x1B8D  }
0xad: {  	_ =	swait.eq @p0 [sflag:s5], $0x1  }
0xae: {  	[sflag:s5] =	ssyncadd.s32 @p0 $0xFFFFFFFF  }
0xaf: {  	s6 =	sshll.u32 @!p0 s1, $0xE  }
0xb0: {  	s6 =	sor.u32 @!p0 $0x4000, s6;
	s5 =	simm.s32 @!p0 $0x1B8D  }
0xb1: {  	s4 =	sshll.u32 @!p0 s4, $0x11;
	s6 =	sadd.s32 @!p0 $0x11B8D, s6;
	_ =	swait.eq @!p0 [sflag:s5], $0x1  }
0xb2: {  	s4 =	sor.u32 @!p0 s4, s6;
	[sflag:s5] =	ssyncadd.s32 @!p0 $0xFFFFFFFF  }
0xb3: {  	s25 =	simm.s32 $0x1B8E;
	s24 =	sld [smem:$0x3FFE];
	[sflag:s4] =	ssyncadd.remote.s32 @!p0 $0x1  }
0xb4: {  	s26 =	simm.s32 $execute0_lowered;
	[smem:$0x3FD2] =	sst s25  }
0xb5: {  	s5 =	sshll.u32 s26, $0x1;
	_ =	strace $0x80000049;
	[dreg:$0x1] =	wrdreg $0xFFFFFFFF  }
0xb6: {  	s28 =	simm.s32 $_size_execute0_lowered;
	s3 =	sadd.s32 s3, s5;
	[dreg:$0x0] =	wrdreg $0x0  }
0xb7: {  	s5 =	sshll.u32 s28, $0x1;
	[dreg:$0x2] =	wrdreg s3  }
0xb8: {  	[dreg:$0x3] =	wrdreg s5  }
0xb9: {  	[dreg:$0x4] =	wrdreg $0xC0  }
0xba: {  	_ =	task [dreg:s22], $0x5FFFF  }
0xbb: {  	[dreg:$0x1] =	wrdreg $0xFFFFFFFF  }
0xbc: {  	[dreg:$0x0] =	wrdreg $0x60  }
0xbd: {  	[dreg:$0x2] =	wrdreg s24  }
0xbe: {  	[dreg:$0x3] =	wrdreg $0x105B80  }
0xbf: {  	[dreg:$0x4] =	wrdreg $0xC  }
0xc0: {  	_ =	task.clear_ibuf [dreg:s22], $0x5FFFF;
	_ =	strace $0x90000049  }
0xc1: {  	s29 =	simm.s32 $0xC;
	_ =	strace $0x8000004B  }
0xc2: {  	_ =	swait.ge [sflag:s29], $0x1  }
0xc3: {  	[sflag:s29] =	ssyncadd.s32 $0xFFFFFFFF  }
0xc4: {  	_ =	strace $0x9000004B  }
0xc5: {  	_ =	sfence  }
0xc6: {  	s30 =	sld [smem:$0x0];
	_ =	sdelay $0x2  }
0xc7: {  	s31 =	sshll.u32 s1, $0xD;
	s1 =	sshrl.u32 s1, $0x2  }
0xc8: {  	s4 =	sand.u32 $0x4000, s31;
	s1 =	sadd.s32 s1, s30  }
0xc9: {  	s0 =	sor.u32 s4, s0;
	s1 =	sshll.u32 s1, $0x11  }
0xca: {  	s0 =	sor.u32 s1, s0  }
0xcb: {  	s0 =	sadd.s32 $0x8F2B, s0  }
0xcc: {  	[sflag:s0] =	ssyncadd.remote.s32 $0x1  }
0xcd: {  	_ =	sfence.sel $0xFFFF  }
0xce: {  	[dreg:$0x0] =	wrdreg $0xFFFFFFFF;
	(pc) =	sbr.abs _section_cstart, $3  }
0xcf: {  	[dreg:$0x1] =	wrdreg $0xFFFFFFFF  }
0xd0: {  	_ =	task.clear_ibuf [dreg:s22], $0x2FFFF;
	_ =	strace $0x9FFFFFFF  }
0xd1: {  	(tm) =	ssettm $0x7FFFFFFF  }
tec
execute0_lowered:
.L_overlay_start_1:
0x0: {  	(tag) =	ssettag $0x1  }
0x1: {  	s7 =	rddreg [dreg:$0x0]  }
0x2: {  	s1 =	rddreg [dreg:$0x1]  }
0x3: {  	s0 =	rddreg [dreg:$0x2];
	s3 =	simm.s32 $0x0;
	s2 =	srdreg.scid  }
0x4: {  	s13 =	simm.s32 $0x3E8;
	[smem:$0x7FF] =	sst s3;
	s8 =	sand.u32 $0x1, s2  }
0x5: {  	s14 =	simm.s32 $0x1;
	s2 =	stileid.u32;
	s15 =	smul.u32 $0x1388, s8  }
0x6: {  	s4 =	sadd.s32 $0x162800, s7;
	s5 =	sadd.s32 $0x2600, s7;
	s9 =	smul.u32 $0x3E8, s2  }
0x7: {  	s6 =	sadd.s32 $0x1AE00, s7;
	_ =	strace $0x8000004A;
	s10 =	smul.u32 $0x14000, s2  }
0x8: {  	s8 =	ssub.s32 $0x2, s8;
	s12 =	smul.u32 $0x3E800, s2;
	p0 =	sgt.u32 s2, $0x4  }
0x9: {  	s11 =	sshrl.u32 s8, $0x1;
	s16 =	sshll.u32 @!p0 s2, $0x6;
	s9 =	sadd.s32 s9, s15  }
0xa: {  	s11 =	ssub.s32 s8, s11;
	s30 =	sshrl.u32 s10, $0x2;
	s8 =	smul.u32 $0xC350, s2  }
0xb: {  	s31 =	sshrl.u32 s12, $0x2;
	s12 =	simm.s32 $0x2;
	v0 =	vmov s15;
	s15 =	simm.s32 $0x7D0  }
0xc: {  	s16 =	sor.u32 @!p0 $0x1C02, s16;
	s9 =	sshll.u32 s9, $0x3;
	s17 =	sadd.s32 s31, s1  }
0xd: {  	v2 =	vlaneseq.u32;
	s10 =	smax.u32 s11, $0x1;
	s11 =	simm.s32 $0xBB8;
	s9 =	sadd.s32 s9, s7  }
0xe: {  	v1 =	vimm.f32 $0.0e+00;
	v2 =	vor.u32 $0x13F0, v2;
	s7 =	sadd.s32 s30, s1;
	s17 =	sshrl.u32 @!p0 s17, $0x3;
	s9 =	sadd.s32 $0x1C4400, s9  }
.LBB2_1:
0xf: {  	s19 =	simm.s32 $0x100;
	s18 =	simm.s32 $0x0  }
.LBB2_2:
0x10: {  	p1 =	sne.s32 s19, $0x3E700;
	[tilespmem:s18+$0xBE8] =	vst v1;
	s20 =	smov.u32 s19;
	s19 =	sadd.s32 $0x100, s19  }
.Ltmp0:
0x11: {  	[tilespmem:s18+$0xBD8] =	vst v1;
	(pc) =	sbr.rel @p1 .LBB2_2-.Ltmp0, $3  }
0x12: {  	[tilespmem:s18+$0xBB8] =	vst v1  }
0x13: {  	[tilespmem:s18+$0xBC8] =	vst v1;
	_ =	sdelay $0x1  }
0x14: {  	s18 =	sshra.s32 s20, $0x2  }
0x15: {  	[tilespmem:s18+$0xBE8] =	vst v1  }
0x16: {  	[tilespmem:s18+$0xBD8] =	vst v1  }
0x17: {  	[tilespmem:s18+$0xBB8] =	vst v1  }
0x18: {  	[tilespmem:s18+$0xBC8] =	vst v1  }
0x19: {  	[spmem:s7] =	stream.linear.scatter [tilespmem:s11], [sflag:$0x2], $0x5000, $0x38;
	[tilespmem:$0x155B8] =	vst v63  }
0x1a: {  	_ =	swait.ge [sflag:s12], $0x5000  }
0x1b: {  	[sflag:s12] =	ssyncset.done $0x0  }
0x1c: {  	[sflag:s12] =	ssyncadd.s32 $0xFFFFB000  }
0x1d: {  	s18 =	simm.s32 $0x0;
	s19 =	simm.s32 $0x0;
	[bflag:$0x0] =	sbarrier.arrive $0xFFFF  }
.LBB2_4:
0x1e: {  	s20 =	smul.u32 $0x3E8, s19;
	_ =	sdelay $0x1  }
0x1f: {  	s20 =	sadd.s32 s8, s20  }
0x20: {  	s20 =	sshrl.u32 s20, $0x3  }
0x21: {  	s21 =	sadd.s32 s5, s20  }
0x22: {  	[tilespmem:s18], [sflag:$0x2] =	stream.linear.gather [hbm4b:s21+s18], $0x3E8, $0x38;
	[tilespmem:$0x155B8] =	vst v63  }
0x23: {  	_ =	swait.ge [sflag:s12], $0x3E8  }
0x24: {  	[sflag:s12] =	ssyncset.done $0x0  }
0x25: {  	s20 =	sadd.s32 s6, s20;
	[sflag:s12] =	ssyncadd.s32 $0xFFFFFC18  }
0x26: {  	[tilespmem:s13], [sflag:$0x2] =	stream.linear.gather [hbm4b:s20+s18], $0x3E8, $0x38;
	[tilespmem:$0x155B8] =	vst v63  }
0x27: {  	_ =	swait.ge [sflag:s12], $0x3E8  }
0x28: {  	[sflag:s12] =	ssyncset.done $0x0  }
0x29: {  	s20 =	simm.s32 $0x0;
	[sflag:s12] =	ssyncadd.s32 $0xFFFFFC18  }
0x2a: {  	[tilespmem:s11], [sflag:$0x1] =	stream.indirect.gather [hbm4b:s4+s13], $0x40, s18, s13, $0xb8;
	[tilespmem:$0x155B8] =	vst v63  }
0x2b: {  	s21 =	simm.s32 $0x40;
	v3 =	vld [tilespmem:s20+$0x3E8]  }
.LBB2_5:
0x2c: {  	_ =	sdelay $0x1  }
0x2d: {  	p1 =	sne.s32 s21, $0xF40  }
.Ltmp1:
0x2e: {  	_ = 	snop;
	(pc) =	sbr.rel @p1 .LBB2_5-.Ltmp1, $4  }
0x2f: {  	v4 =	vsub.s32 v3, v0  }
0x30: {  	vm0 =	vgt.u32 v4, $0x1387  }
0x31: {  	s22 =	sshra.s32 s21, $0x2;
	v4 =	vsel vm0, v2, v4  }
0x32: {  	s21 =	sadd.s32 $0x40, s21;
	v3 =	vld [tilespmem:s22+$0x3E8];
	[tilespmem:s20+$0x7D0] =	vst v4;
	s20 =	smov.u32 s22  }
0x33: {  	_ =	sdelay $0x3  }
0x34: {  	v3 =	vsub.s32 v3, v0  }
0x35: {  	vm0 =	vgt.u32 v3, $0x1387  }
0x36: {  	v3 =	vsel vm0, v2, v3  }
0x37: {  	[tilespmem:s20+$0x7D0] =	vst v3  }
0x38: {  	v3 =	vld [tilespmem:$0x7C0];
	_ =	sdelay $0x4  }
0x39: {  	v3 =	vsub.s32 v3, v0  }
0x3a: {  	vm15 =	vgt.u32 v3, $0x1387  }
0x3b: {  	v3 =	vsel vm15, v2, v3  }
0x3c: {  	[tilespmem:$0xBA8] =	vst v3  }
0x3d: {  	s19 =	sadd.s32 $0x1, s19;
	_ =	swait.ge [sflag:s14], $0xFA00  }
0x3e: {  	p1 =	sne.s32 s19, $0x32;
	[sflag:s14] =	ssyncset.done $0x0  }
.Ltmp2:
0x3f: {  	[sflag:s14] =	ssyncadd.s32 $0xFFFF0600;
	(pc) =	sbr.rel @p1 .LBB2_4-.Ltmp2, $4  }
0x40: {  	[spmem:s1] =	stream.indirect.scatter.add.f32 [tilespmem:s11], [sflag:$0x2], $0x40, s15, s13, $0xb8;
	[tilespmem:$0x155B8] =	vst v63  }
0x41: {  	_ =	swait.ge [sflag:s12], $0xFA00  }
0x42: {  	[sflag:s12] =	ssyncset.done $0x0  }
0x43: {  	[sflag:s12] =	ssyncadd.s32 $0xFFFF0600  }
0x44: {  	s3 =	sadd.s32 $0x1, s3  }
0x45: {  	p1 =	sne.s32 s3, s10  }
.Ltmp3:
0x46: {  	[bflag:$0x0] =	sbarrier.arrive $0xFFFF;
	s18 =	simm.s32 @!p0 $0x2;
	(pc) =	sbr.rel @p1 .LBB2_1-.Ltmp3, $4  }
0x47: {  	[hbm:s9], [sflag:s16] =	dma.local @!p0 [spmem:s17], $0x1F40  }
0x48: {  	_ =	swait.ge @!p0 [sflag:s18], $0x1F40  }
0x49: {  	[sflag:s18] =	ssyncset.done @!p0 $0x0  }
0x4a: {  	[sflag:s18] =	ssyncadd.s32 @!p0 $0xFFFFE0C0  }
0x4b: {  	_ =	sfence.sel $0x180000  }
0x4c: {  	[bflag:$0x0] =	sbarrier.arrive $0xFFFF  }
0x4d: {  	p0 =	sne.s32 s2, $0x0;
	_ =	strace $0x9000004A  }
0x4e: {  	s0 =	sadd.s32 @!p0 $0x100000, s0;
	[bflag:$0x2] =	sbarrier.arrive $0xFFFF  }
0x4f: {  	[sflag:s0] =	ssyncadd.tile.s32 @!p0 $0x1;
	_ =	shalt  }
.Lfunc_end2:
_tile_overlayer_lowered:
.L_overlay_start_2:
0x50: {  	(tag) =	ssettag $0x2  }
0x51: {  	s0 =	rddreg [dreg:$0x0];
	s2 =	stileid.u32  }
0x52: {  	s1 =	rddreg [dreg:$0x1];
	p0 =	sne.s32 s2, $0x0  }
0x53: {  	s3 =	rddreg [dreg:$0x2];
	[bflag:$0x3] =	sbarrier.arrive $0xFFFF;
	s2 =	simm.s32 @!p0 $0x1C02  }
0x54: {  	[timem:s3], [sflag:s2] =	dma.local @!p0 [hbm:s0], s1  }
0x55: {  	s0 =	simm.s32 @!p0 $0x2  }
0x56: {  	_ =	swait.ge @!p0 [sflag:s0], s1  }
0x57: {  	s1 =	ssub.s32 @!p0 $0x0, s1;
	[sflag:s0] =	ssyncset.done @!p0 $0x0  }
0x58: {  	[sflag:s0] =	ssyncadd.s32 @!p0 s1  }
0x59: {  	[bflag:$0x3] =	sbarrier.arrive $0xFFFF  }
0x5a: {  	_ =	shalt  }

// kernel: kernel.20.cloned.1.call-start
scs
__scs_entry_jumppad:
0x0: {  	(pc) =	sbr.rel $0x88, $3  }
0x1: {  	(tag) =	ssettag $0x0;
	lr =	simm.s32 $0x1  }
0x2: {  	[smem:$0x3F87] =	sst lr;
	_ =	strace $0xD0000000  }
0x3: {  	_ = 	snop  }
0x4: {  	_ = 	snop  }
0x5: {  	_ = 	snop  }
0x6: {  	_ = 	snop  }
0x7: {  	_ = 	snop  }
__scs_overlays_trampoline_lowered:
0x8: {  	[smem:$0x3F96] =	sst s0  }
0x9: {  	[smem:$0x3F97] =	sst s1  }
0xa: {  	[smem:$0x3F98] =	sst s2  }
0xb: {  	[smem:$0x3F99] =	sst s3  }
0xc: {  	[smem:$0x3F9A] =	sst s4  }
0xd: {  	[smem:$0x3F9B] =	sst s5  }
0xe: {  	[smem:$0x3F9C] =	sst s6  }
0xf: {  	[smem:$0x3F9D] =	sst s7  }
0x10: {  	[smem:$0x3F9E] =	sst s8  }
0x11: {  	[smem:$0x3F9F] =	sst s9;
	s0 =	simm.s32 @!p0 $0x0  }
0x12: {  	s1 =	sld [smem:$0x3F85];
	s0 =	simm.s32 @p0 $0x1  }
0x13: {  	[smem:$0x3FA0] =	sst s0;
	s0 =	simm.s32 @!p1 $0x0  }
0x14: {  	s2 =	sld [smem:$0x3F84];
	s0 =	simm.s32 @p1 $0x1  }
0x15: {  	[smem:$0x3FA1] =	sst s0;
	s0 =	simm.s32 @!p2 $0x0  }
0x16: {  	s3 =	sld [smem:$0x3FDB];
	s0 =	simm.s32 @p2 $0x1  }
0x17: {  	s4 =	simm.s32 $0x1BF5;
	[smem:$0x3FA3] =	sst s0  }
0x18: {  	s0 =	sld [smem:$0x3F86];
	_ =	swait.ge [sflag:s4], $0x0  }
0x19: {  	s7 =	sld [smem:$0x3F87]  }
0x1a: {  	s8 =	sadd.s32 $0xFFFFE003, lr  }
0x1b: {  	s9 =	sadd.s32 $0xFFFFFEF7, lr;
	s5 =	simm.s32 $0xFFFFFFFF;
	p2 =	slt.u32 s8, $0xFFFFF086  }
0x1c: {  	p1 =	slt.u32 s9, $0xF7A;
	s5 =	simm.s32 @!p2 $0x0  }
0x1d: {  	s5 =	simm.s32 @p1 $0x1;
	p0 =	seq.s32 s7, s2  }
0x1e: {  	s7 =	smul.u32 @!p0 $0xF7A, s2;
	p2 =	seq.s32 @!p0 s5, $0x0  }
0x1f: {  	s9 =	smul.u32 $0xF7A, s1;
	s8 =	simm.s32 @!p0 $0x1BF5;
	p2 =	por !p2, p0  }
0x20: {  	[sflag:s8] =	ssyncset.s32 @!p0 $0xFFFFF086;
	s6 =	sadd.s32 @!p0 s3, s7;
	s7 =	simm.s32 @!p0 $0x108  }
0x21: {  	s3 =	sadd.s32 s3, s9;
	s6 =	sadd.s32 @!p0 $0x88, s6;
	s7 =	simm.s32 @p2 $0x1082  }
0x22: {  	[simem:s7], [sflag:s8] =	dma.local @!p0 [hbm:s6], $0xF7A  }
0x23: {  	s9 =	sor.u32 $0xD0000000, s2;
	s6 =	simm.s32 $0x108;
	_ =	swait.ge @!p0 [sflag:s8], $0x0  }
0x24: {  	s3 =	sadd.s32 $0x88, s3;
	s6 =	simm.s32 @!p1 $0x1082;
	[sflag:s4] =	ssyncset.s32 $0xFFFFF086  }
0x25: {  	[simem:s6], [sflag:s4] =	dma.local [hbm:s3], $0xF7A  }
0x26: {  	[smem:$0x3F87] =	sst s1;
	(tag) =	ssettag s2;
	_ =	strace s9  }
0x27: {  	s1 =	sld [smem:$0x3F97]  }
0x28: {  	s2 =	sld [smem:$0x3F98]  }
0x29: {  	s4 =	sld [smem:$0x3F9A]  }
0x2a: {  	p0 =	seq.s32 s5, $0x0;
	s5 =	sld [smem:$0x3F9B]  }
0x2b: {  	s6 =	sld [smem:$0x3F9C]  }
0x2c: {  	s7 =	sld [smem:$0x3F9D]  }
0x2d: {  	s3 =	simm.s32 $0x108;
	s8 =	sld [smem:$0x3F9E]  }
0x2e: {  	s3 =	simm.s32 @!p0 $0x1082;
	s9 =	sld [smem:$0x3F9F]  }
0x2f: {  	lr =	sadd.s32 s0, s3;
	s0 =	sld [smem:$0x3F96]  }
0x30: {  	s3 =	sld [smem:$0x3F99]  }
0x31: {  	[smem:$0x3FA2] =	sst s10  }
0x32: {  	s10 =	sld [smem:$0x3FA0];
	_ =	sdelay $0x3  }
0x33: {  	p0 =	seq.s32 s10, $0x1;
	s10 =	sld [smem:$0x3FA2];
	_ =	sdelay $0x3  }
0x34: {  	[smem:$0x3FA2] =	sst s10  }
0x35: {  	s10 =	sld [smem:$0x3FA1];
	_ =	sdelay $0x3  }
0x36: {  	p1 =	seq.s32 s10, $0x1;
	s10 =	sld [smem:$0x3FA2];
	_ =	sdelay $0x3  }
0x37: {  	[smem:$0x3FA2] =	sst s10  }
0x38: {  	s10 =	sld [smem:$0x3FA3]  }
0x39: {  	_ = 	snop;
	(pc) =	sbr.ind lr, $3  }
0x3a: {  	_ = 	snop  }
0x3b: {  	_ = 	snop  }
0x3c: {  	p2 =	seq.s32 s10, $0x1;
	s10 =	sld [smem:$0x3FA2]  }
0x3d: {  	_ =	shalt  }
0x3e: {  	_ =	shalt  }
0x3f: {  	_ =	shalt  }
0x40: {  	_ =	shalt  }
0x41: {  	_ =	shalt  }
0x42: {  	_ =	shalt  }
0x43: {  	_ =	shalt  }
0x44: {  	_ =	shalt  }
0x45: {  	_ =	shalt  }
0x46: {  	_ =	shalt  }
0x47: {  	_ =	shalt  }
0x48: {  	_ =	shalt  }
0x49: {  	_ =	shalt  }
0x4a: {  	_ =	shalt  }
0x4b: {  	_ =	shalt  }
0x4c: {  	_ =	shalt  }
0x4d: {  	_ =	shalt  }
0x4e: {  	_ =	shalt  }
0x4f: {  	_ =	shalt  }
0x50: {  	_ =	shalt  }
0x51: {  	_ =	shalt  }
0x52: {  	_ =	shalt  }
0x53: {  	_ =	shalt  }
0x54: {  	_ =	shalt  }
0x55: {  	_ =	shalt  }
0x56: {  	_ =	shalt  }
0x57: {  	_ =	shalt  }
0x58: {  	_ =	shalt  }
0x59: {  	_ =	shalt  }
0x5a: {  	_ =	shalt  }
0x5b: {  	_ =	shalt  }
0x5c: {  	_ =	shalt  }
0x5d: {  	_ =	shalt  }
0x5e: {  	_ =	shalt  }
0x5f: {  	_ =	shalt  }
0x60: {  	_ =	shalt  }
0x61: {  	_ =	shalt  }
0x62: {  	_ =	shalt  }
0x63: {  	_ =	shalt  }
0x64: {  	_ =	shalt  }
0x65: {  	_ =	shalt  }
0x66: {  	_ =	shalt  }
0x67: {  	_ =	shalt  }
0x68: {  	_ =	shalt  }
0x69: {  	_ =	shalt  }
0x6a: {  	_ =	shalt  }
0x6b: {  	_ =	shalt  }
0x6c: {  	_ =	shalt  }
0x6d: {  	_ =	shalt  }
0x6e: {  	_ =	shalt  }
0x6f: {  	_ =	shalt  }
0x70: {  	_ =	shalt  }
0x71: {  	_ =	shalt  }
0x72: {  	_ =	shalt  }
0x73: {  	_ =	shalt  }
0x74: {  	_ =	shalt  }
0x75: {  	_ =	shalt  }
0x76: {  	_ =	shalt  }
0x77: {  	_ =	shalt  }
0x78: {  	_ =	shalt  }
0x79: {  	_ =	shalt  }
0x7a: {  	_ =	shalt  }
0x7b: {  	_ =	shalt  }
0x7c: {  	_ =	shalt  }
0x7d: {  	_ =	shalt  }
0x7e: {  	_ =	shalt  }
0x7f: {  	_ =	shalt  }
0x80: {  	_ =	shalt  }
0x81: {  	_ =	shalt  }
0x82: {  	_ =	shalt  }
0x83: {  	_ =	shalt  }
0x84: {  	_ =	shalt  }
0x85: {  	_ =	shalt  }
0x86: {  	_ =	shalt  }
0x87: {  	_ =	shalt  }
.Lfunc_end0:
.L_simem_size_0:
called_computation.2_lowered:
.L_overlay_start_0:
0x88: {  	s2 =	sld [smem:$0x3FD9]  }
0x89: {  	s3 =	sld [smem:$0x3FFE];
	_ =	sdelay $0x1  }
0x8a: {  	s1 =	srdreg.scid  }
0x8b: {  	s0 =	sand.u32 $0x1, s1  }
0x8c: {  	s17 =	sshll.u32 s0, $0xA;
	s2 =	sadd.s32 s3, s2  }
0x8d: {  	s2 =	sadd.s32 s2, s17  }
0x8e: {  	[smem:$0x3FAE] =	sst s2  }
0x8f: {  	_ = 	snop  }
0x90: {  	(tm) =	ssettm $0x1  }
0x91: {  	s18 =	sld [smem:$0x3FFB];
	_ =	sdelay $0x3  }
0x92: {  	_ =	strace s18  }
0x93: {  	s2 =	sld [smem:$0x3FFC];
	_ =	sdelay $0x3  }
0x94: {  	_ =	strace s2  }
0x95: {  	s2 =	sld [smem:$0x3FFD];
	_ =	sdelay $0x3  }
0x96: {  	_ =	strace s2  }
0x97: {  	_ =	strace $0x8FFFFFFF  }
0x98: {  	s19 =	sld [smem:$0x3FDB];
	_ =	sdelay $0x1  }
0x99: {  	s20 =	simm.s32 $_scs_section_size  }
0x9a: {  	s4 =	simm.s32 $_size__tile_overlayer_lowered;
	s5 =	simm.s32 $_tile_overlayer_lowered  }
0x9b: {  	s6 =	simm.s32 $0x1BFF;
	s21 =	sshll.u32 s5, $0x1;
	s3 =	sadd.s32 s20, s19  }
0x9c: {  	s22 =	simm.s32 $0x0;
	s4 =	sshll.u32 s4, $0x1;
	s5 =	sadd.s32 s21, s3  }
0x9d: {  	[timem:s22], [sflag:s6] =	dma.local [hbm:s5], s4  }
0x9e: {  	_ =	swait.ge [sflag:s6], s4  }
0x9f: {  	s4 =	ssub.s32 $0x0, s4;
	[sflag:s6] =	ssyncset.done $0x0  }
0xa0: {  	[sflag:s6] =	ssyncadd.s32 s4;
	_ =	sdelay $0x1  }
0xa1: {  	s23 =	simm.s32 $0x1B8B  }
0xa2: {  	_ =	swait.ge [sflag:s23], $0x1  }
0xa3: {  	[sflag:s23] =	ssyncset.done $0x0  }
0xa4: {  	[sflag:s23] =	ssyncadd.s32 $0xFFFFFFFF  }
0xa5: {  	s4 =	sld [smem:$0x0]  }
0xa6: {  	s5 =	sand.u32 $0xFFFFFFFE, s1  }
0xa7: {  	p0 =	sne.s32 s1, s5  }
0xa8: {  	s5 =	sshll.u32 @p0 s5, $0xE  }
0xa9: {  	s5 =	sadd.s32 @p0 $0x11B8D, s5;
	s6 =	sshll.u32 @p0 s4, $0x11  }
0xaa: {  	s5 =	sor.u32 @p0 s6, s5  }
0xab: {  	[sflag:s5] =	ssyncadd.remote.s32 @p0 $0x1;
	_ =	sdelay $0x1  }
0xac: {  	s5 =	simm.s32 @p0 $0x1B8D  }
0xad: {  	_ =	swait.eq @p0 [sflag:s5], $0x1  }
0xae: {  	[sflag:s5] =	ssyncadd.s32 @p0 $0xFFFFFFFF  }
0xaf: {  	s6 =	sshll.u32 @!p0 s1, $0xE  }
0xb0: {  	s6 =	sor.u32 @!p0 $0x4000, s6;
	s5 =	simm.s32 @!p0 $0x1B8D  }
0xb1: {  	s4 =	sshll.u32 @!p0 s4, $0x11;
	s6 =	sadd.s32 @!p0 $0x11B8D, s6;
	_ =	swait.eq @!p0 [sflag:s5], $0x1  }
0xb2: {  	s4 =	sor.u32 @!p0 s4, s6;
	[sflag:s5] =	ssyncadd.s32 @!p0 $0xFFFFFFFF  }
0xb3: {  	s25 =	simm.s32 $0x1B8E;
	s24 =	sld [smem:$0x3FFE];
	[sflag:s4] =	ssyncadd.remote.s32 @!p0 $0x1  }
0xb4: {  	s26 =	simm.s32 $execute0_lowered;
	[smem:$0x3FD2] =	sst s25  }
0xb5: {  	s5 =	sshll.u32 s26, $0x1;
	_ =	strace $0x8000004F;
	[dreg:$0x1] =	wrdreg $0xFFFFFFFF  }
0xb6: {  	s28 =	simm.s32 $_size_execute0_lowered;
	s3 =	sadd.s32 s3, s5;
	[dreg:$0x0] =	wrdreg $0x0  }
0xb7: {  	s5 =	sshll.u32 s28, $0x1;
	[dreg:$0x2] =	wrdreg s3  }
0xb8: {  	[dreg:$0x3] =	wrdreg s5  }
0xb9: {  	[dreg:$0x4] =	wrdreg $0xC0  }
0xba: {  	_ =	task [dreg:s22], $0x5FFFF  }
0xbb: {  	[dreg:$0x1] =	wrdreg $0xFFFFFFFF  }
0xbc: {  	[dreg:$0x0] =	wrdreg $0x60  }
0xbd: {  	[dreg:$0x2] =	wrdreg s24  }
0xbe: {  	[dreg:$0x3] =	wrdreg $0x105B80  }
0xbf: {  	[dreg:$0x4] =	wrdreg $0x9  }
0xc0: {  	_ =	task.clear_ibuf [dreg:s22], $0x5FFFF;
	_ =	strace $0x9000004F  }
0xc1: {  	s29 =	simm.s32 $0x9;
	_ =	strace $0x80000051  }
0xc2: {  	_ =	swait.ge [sflag:s29], $0x1  }
0xc3: {  	[sflag:s29] =	ssyncadd.s32 $0xFFFFFFFF  }
0xc4: {  	_ =	strace $0x90000051  }
0xc5: {  	_ =	sfence  }
0xc6: {  	s30 =	sld [smem:$0x0];
	_ =	sdelay $0x2  }
0xc7: {  	s31 =	sshll.u32 s1, $0xD;
	s1 =	sshrl.u32 s1, $0x2  }
0xc8: {  	s4 =	sand.u32 $0x4000, s31;
	s1 =	sadd.s32 s1, s30  }
0xc9: {  	s0 =	sor.u32 s4, s0;
	s1 =	sshll.u32 s1, $0x11  }
0xca: {  	s0 =	sor.u32 s1, s0  }
0xcb: {  	s0 =	sadd.s32 $0x8F2B, s0  }
0xcc: {  	[sflag:s0] =	ssyncadd.remote.s32 $0x1  }
0xcd: {  	_ =	sfence.sel $0xFFFF  }
0xce: {  	[dreg:$0x0] =	wrdreg $0xFFFFFFFF;
	(pc) =	sbr.abs _section_cstart, $3  }
0xcf: {  	[dreg:$0x1] =	wrdreg $0xFFFFFFFF  }
0xd0: {  	_ =	task.clear_ibuf [dreg:s22], $0x2FFFF;
	_ =	strace $0x9FFFFFFF  }
0xd1: {  	(tm) =	ssettm $0x7FFFFFFF  }
tec
execute0_lowered:
.L_overlay_start_1:
0x0: {  	(tag) =	ssettag $0x1  }
0x1: {  	s7 =	rddreg [dreg:$0x0]  }
0x2: {  	s1 =	rddreg [dreg:$0x1];
	s2 =	srdreg.scid  }
0x3: {  	s0 =	rddreg [dreg:$0x2];
	s3 =	simm.s32 $0x0;
	s14 =	simm.s32 $0xBB8  }
0x4: {  	s15 =	simm.s32 $0x1;
	s8 =	sand.u32 $0x1, s2;
	s2 =	stileid.u32  }
0x5: {  	[smem:$0x7FF] =	sst s3;
	s4 =	sadd.s32 $0x1D7E00, s7;
	s16 =	smul.u32 $0x3100, s8  }
0x6: {  	s5 =	sadd.s32 $0x33600, s7;
	s6 =	smul.u32 $0x620, s2;
	_ =	strace $0x80000050  }
0x7: {  	s10 =	smul.u32 $0x62800, s2;
	s8 =	ssub.s32 $0x2, s8;
	p0 =	sgt.u32 s2, $0x7  }
0x8: {  	s12 =	smul.u32 $0x62000, s2;
	s11 =	sshrl.u32 s8, $0x1;
	s17 =	sshll.u32 @!p0 s2, $0x6  }
0x9: {  	s9 =	sadd.s32 s6, s16;
	s6 =	sadd.s32 $0x4BE00, s7;
	s10 =	sshrl.u32 s10, $0x2  }
0xa: {  	s11 =	ssub.s32 s8, s11;
	s12 =	sshrl.u32 s12, $0x2;
	v0 =	vmov s16;
	s16 =	simm.s32 $0x7D0  }
0xb: {  	s17 =	sor.u32 @!p0 $0x1C02, s17;
	s9 =	sshll.u32 s9, $0x3;
	s18 =	sadd.s32 s12, s1  }
0xc: {  	s11 =	smax.u32 s11, $0x1;
	s12 =	simm.s32 $0x2;
	s13 =	sadd.s32 s9, s7  }
0xd: {  	v2 =	vlaneseq.u32;
	s7 =	sadd.s32 s10, s1;
	s9 =	smul.u32 $0xC350, s2;
	s18 =	sshrl.u32 @!p0 s18, $0x3  }
0xe: {  	v1 =	vimm.f32 $0.0e+00;
	v2 =	vor.u32 $0x3130, v2;
	s8 =	sadd.s32 $0xFA00, s7;
	s10 =	sadd.s32 $0x21C800, s13;
	s13 =	simm.s32 $0x3E8  }
.LBB2_1:
0xf: {  	s20 =	simm.s32 $0x100;
	s19 =	simm.s32 $0x0  }
.LBB2_2:
0x10: {  	p1 =	sne.s32 s20, $0x3E700;
	[tilespmem:s19+$0xBE8] =	vst v1;
	s21 =	smov.u32 s20;
	s20 =	sadd.s32 $0x100, s20  }
.Ltmp0:
0x11: {  	[tilespmem:s19+$0xBD8] =	vst v1;
	(pc) =	sbr.rel @p1 .LBB2_2-.Ltmp0, $3  }
0x12: {  	[tilespmem:s19+$0xBB8] =	vst v1  }
0x13: {  	[tilespmem:s19+$0xBC8] =	vst v1;
	_ =	sdelay $0x1  }
0x14: {  	s19 =	sshra.s32 s21, $0x2  }
0x15: {  	[tilespmem:s19+$0xBE8] =	vst v1  }
0x16: {  	[tilespmem:s19+$0xBD8] =	vst v1  }
0x17: {  	[tilespmem:s19+$0xBB8] =	vst v1  }
0x18: {  	[tilespmem:s19+$0xBC8] =	vst v1;
	s19 =	simm.s32 @!p0 $0xBB8;
	s20 =	simm.s32 @!p0 $0x2  }
0x19: {  	[spmem:s7] =	stream.linear.scatter @!p0 [tilespmem:s19], [sflag:$0x2], $0xFA00, $0x38;
	[tilespmem:$0x1CAB8] =	vst v63  }
0x1a: {  	_ =	swait.ge @!p0 [sflag:s20], $0xFA00  }
0x1b: {  	[sflag:s20] =	ssyncset.done @!p0 $0x0  }
0x1c: {  	[sflag:s20] =	ssyncadd.s32 @!p0 $0xFFFF0600  }
0x1d: {  	[spmem:s8] =	stream.linear.scatter @!p0 [tilespmem:s19], [sflag:$0x2], $0x9000, $0x38;
	[tilespmem:$0x1CAB8] =	vst v63  }
0x1e: {  	_ =	swait.ge @!p0 [sflag:s20], $0x9000  }
0x1f: {  	[sflag:s20] =	ssyncset.done @!p0 $0x0  }
0x20: {  	[sflag:s20] =	ssyncadd.s32 @!p0 $0xFFFF7000  }
0x21: {  	s19 =	simm.s32 $0x0;
	s20 =	simm.s32 $0x0;
	[bflag:$0x0] =	sbarrier.arrive $0xFFFF  }
.LBB2_4:
0x22: {  	s21 =	smul.u32 $0x3E8, s20;
	_ =	sdelay $0x1  }
0x23: {  	s21 =	sadd.s32 s9, s21  }
0x24: {  	s21 =	sshrl.u32 s21, $0x3  }
0x25: {  	s22 =	sadd.s32 s5, s21  }
0x26: {  	[tilespmem:s19], [sflag:$0x2] =	stream.linear.gather [hbm4b:s22+s19], $0x3E8, $0x38;
	[tilespmem:$0x1CAB8] =	vst v63  }
0x27: {  	_ =	swait.ge [sflag:s12], $0x3E8  }
0x28: {  	[sflag:s12] =	ssyncset.done $0x0  }
0x29: {  	s21 =	sadd.s32 s6, s21;
	[sflag:s12] =	ssyncadd.s32 $0xFFFFFC18  }
0x2a: {  	[tilespmem:s13], [sflag:$0x2] =	stream.linear.gather [hbm4b:s21+s19], $0x3E8, $0x38;
	[tilespmem:$0x1CAB8] =	vst v63  }
0x2b: {  	_ =	swait.ge [sflag:s12], $0x3E8  }
0x2c: {  	[sflag:s12] =	ssyncset.done $0x0  }
0x2d: {  	s21 =	simm.s32 $0x0;
	[sflag:s12] =	ssyncadd.s32 $0xFFFFFC18  }
0x2e: {  	[tilespmem:s14], [sflag:$0x1] =	stream.indirect.gather [hbm4b:s4+s13], $0x40, s19, s13, $0xb8;
	[tilespmem:$0x1CAB8] =	vst v63  }
0x2f: {  	s22 =	simm.s32 $0x40;
	v3 =	vld [tilespmem:s21+$0x3E8]  }
.LBB2_5:
0x30: {  	_ =	sdelay $0x1  }
0x31: {  	p1 =	sne.s32 s22, $0xF40  }
.Ltmp1:
0x32: {  	_ = 	snop;
	(pc) =	sbr.rel @p1 .LBB2_5-.Ltmp1, $4  }
0x33: {  	v4 =	vsub.s32 v3, v0  }
0x34: {  	vm0 =	vgt.u32 v4, $0x30FF  }
0x35: {  	s23 =	sshra.s32 s22, $0x2;
	v4 =	vsel vm0, v2, v4  }
0x36: {  	s22 =	sadd.s32 $0x40, s22;
	v3 =	vld [tilespmem:s23+$0x3E8];
	[tilespmem:s21+$0x7D0] =	vst v4;
	s21 =	smov.u32 s23  }
0x37: {  	_ =	sdelay $0x3  }
0x38: {  	v3 =	vsub.s32 v3, v0  }
0x39: {  	vm0 =	vgt.u32 v3, $0x30FF  }
0x3a: {  	v3 =	vsel vm0, v2, v3  }
0x3b: {  	[tilespmem:s21+$0x7D0] =	vst v3  }
0x3c: {  	v3 =	vld [tilespmem:$0x7C0];
	_ =	sdelay $0x4  }
0x3d: {  	v3 =	vsub.s32 v3, v0  }
0x3e: {  	vm15 =	vgt.u32 v3, $0x30FF  }
0x3f: {  	v3 =	vsel vm15, v2, v3  }
0x40: {  	[tilespmem:$0xBA8] =	vst v3  }
0x41: {  	s20 =	sadd.s32 $0x1, s20;
	_ =	swait.ge [sflag:s15], $0xFA00  }
0x42: {  	p1 =	sne.s32 s20, $0x32;
	[sflag:s15] =	ssyncset.done $0x0  }
.Ltmp2:
0x43: {  	[sflag:s15] =	ssyncadd.s32 $0xFFFF0600;
	(pc) =	sbr.rel @p1 .LBB2_4-.Ltmp2, $4  }
0x44: {  	[spmem:s1] =	stream.indirect.scatter.add.f32 [tilespmem:s14], [sflag:$0x2], $0x40, s16, s13, $0xb8;
	[tilespmem:$0x1CAB8] =	vst v63  }
0x45: {  	_ =	swait.ge [sflag:s12], $0xFA00  }
0x46: {  	[sflag:s12] =	ssyncset.done $0x0  }
0x47: {  	[sflag:s12] =	ssyncadd.s32 $0xFFFF0600  }
0x48: {  	s3 =	sadd.s32 $0x1, s3  }
0x49: {  	p1 =	sne.s32 s3, s11  }
.Ltmp3:
0x4a: {  	[bflag:$0x0] =	sbarrier.arrive $0xFFFF;
	s19 =	simm.s32 @!p0 $0x2;
	(pc) =	sbr.rel @p1 .LBB2_1-.Ltmp3, $4  }
0x4b: {  	[hbm:s10], [sflag:s17] =	dma.local @!p0 [spmem:s18], $0x3100  }
0x4c: {  	_ =	swait.ge @!p0 [sflag:s19], $0x3100  }
0x4d: {  	[sflag:s19] =	ssyncset.done @!p0 $0x0  }
0x4e: {  	[sflag:s19] =	ssyncadd.s32 @!p0 $0xFFFFCF00  }
0x4f: {  	_ =	sfence.sel $0x180000  }
0x50: {  	[bflag:$0x0] =	sbarrier.arrive $0xFFFF  }
0x51: {  	p0 =	sne.s32 s2, $0x0;
	_ =	strace $0x90000050  }
0x52: {  	s0 =	sadd.s32 @!p0 $0x100000, s0;
	[bflag:$0x2] =	sbarrier.arrive $0xFFFF  }
0x53: {  	[sflag:s0] =	ssyncadd.tile.s32 @!p0 $0x1;
	_ =	shalt  }
.Lfunc_end2:
_tile_overlayer_lowered:
.L_overlay_start_2:
0x54: {  	(tag) =	ssettag $0x2  }
0x55: {  	s0 =	rddreg [dreg:$0x0];
	s2 =	stileid.u32  }
0x56: {  	s1 =	rddreg [dreg:$0x1];
	p0 =	sne.s32 s2, $0x0  }
0x57: {  	s3 =	rddreg [dreg:$0x2];
	[bflag:$0x3] =	sbarrier.arrive $0xFFFF;
	s2 =	simm.s32 @!p0 $0x1C02  }
0x58: {  	[timem:s3], [sflag:s2] =	dma.local @!p0 [hbm:s0], s1  }
0x59: {  	s0 =	simm.s32 @!p0 $0x2  }
0x5a: {  	_ =	swait.ge @!p0 [sflag:s0], s1  }
0x5b: {  	s1 =	ssub.s32 @!p0 $0x0, s1;
	[sflag:s0] =	ssyncset.done @!p0 $0x0  }
0x5c: {  	[sflag:s0] =	ssyncadd.s32 @!p0 s1  }
0x5d: {  	[bflag:$0x3] =	sbarrier.arrive $0xFFFF  }
0x5e: {  	_ =	shalt  }

// kernel: kernel.23.cloned.1.call-start
scs
__scs_entry_jumppad:
0x0: {  	(pc) =	sbr.rel $0x88, $3  }
0x1: {  	(tag) =	ssettag $0x0;
	lr =	simm.s32 $0x1  }
0x2: {  	[smem:$0x3F87] =	sst lr;
	_ =	strace $0xD0000000  }
0x3: {  	_ = 	snop  }
0x4: {  	_ = 	snop  }
0x5: {  	_ = 	snop  }
0x6: {  	_ = 	snop  }
0x7: {  	_ = 	snop  }
__scs_overlays_trampoline_lowered:
0x8: {  	[smem:$0x3F96] =	sst s0  }
0x9: {  	[smem:$0x3F97] =	sst s1  }
0xa: {  	[smem:$0x3F98] =	sst s2  }
0xb: {  	[smem:$0x3F99] =	sst s3  }
0xc: {  	[smem:$0x3F9A] =	sst s4  }
0xd: {  	[smem:$0x3F9B] =	sst s5  }
0xe: {  	[smem:$0x3F9C] =	sst s6  }
0xf: {  	[smem:$0x3F9D] =	sst s7  }
0x10: {  	[smem:$0x3F9E] =	sst s8  }
0x11: {  	[smem:$0x3F9F] =	sst s9;
	s0 =	simm.s32 @!p0 $0x0  }
0x12: {  	s1 =	sld [smem:$0x3F85];
	s0 =	simm.s32 @p0 $0x1  }
0x13: {  	[smem:$0x3FA0] =	sst s0;
	s0 =	simm.s32 @!p1 $0x0  }
0x14: {  	s2 =	sld [smem:$0x3F84];
	s0 =	simm.s32 @p1 $0x1  }
0x15: {  	[smem:$0x3FA1] =	sst s0;
	s0 =	simm.s32 @!p2 $0x0  }
0x16: {  	s3 =	sld [smem:$0x3FDB];
	s0 =	simm.s32 @p2 $0x1  }
0x17: {  	s4 =	simm.s32 $0x1BF5;
	[smem:$0x3FA3] =	sst s0  }
0x18: {  	s0 =	sld [smem:$0x3F86];
	_ =	swait.ge [sflag:s4], $0x0  }
0x19: {  	s7 =	sld [smem:$0x3F87]  }
0x1a: {  	s8 =	sadd.s32 $0xFFFFE003, lr  }
0x1b: {  	s9 =	sadd.s32 $0xFFFFFEF7, lr;
	s5 =	simm.s32 $0xFFFFFFFF;
	p2 =	slt.u32 s8, $0xFFFFF086  }
0x1c: {  	p1 =	slt.u32 s9, $0xF7A;
	s5 =	simm.s32 @!p2 $0x0  }
0x1d: {  	s5 =	simm.s32 @p1 $0x1;
	p0 =	seq.s32 s7, s2  }
0x1e: {  	s7 =	smul.u32 @!p0 $0xF7A, s2;
	p2 =	seq.s32 @!p0 s5, $0x0  }
0x1f: {  	s9 =	smul.u32 $0xF7A, s1;
	s8 =	simm.s32 @!p0 $0x1BF5;
	p2 =	por !p2, p0  }
0x20: {  	[sflag:s8] =	ssyncset.s32 @!p0 $0xFFFFF086;
	s6 =	sadd.s32 @!p0 s3, s7;
	s7 =	simm.s32 @!p0 $0x108  }
0x21: {  	s3 =	sadd.s32 s3, s9;
	s6 =	sadd.s32 @!p0 $0x88, s6;
	s7 =	simm.s32 @p2 $0x1082  }
0x22: {  	[simem:s7], [sflag:s8] =	dma.local @!p0 [hbm:s6], $0xF7A  }
0x23: {  	s9 =	sor.u32 $0xD0000000, s2;
	s6 =	simm.s32 $0x108;
	_ =	swait.ge @!p0 [sflag:s8], $0x0  }
0x24: {  	s3 =	sadd.s32 $0x88, s3;
	s6 =	simm.s32 @!p1 $0x1082;
	[sflag:s4] =	ssyncset.s32 $0xFFFFF086  }
0x25: {  	[simem:s6], [sflag:s4] =	dma.local [hbm:s3], $0xF7A  }
0x26: {  	[smem:$0x3F87] =	sst s1;
	(tag) =	ssettag s2;
	_ =	strace s9  }
0x27: {  	s1 =	sld [smem:$0x3F97]  }
0x28: {  	s2 =	sld [smem:$0x3F98]  }
0x29: {  	s4 =	sld [smem:$0x3F9A]  }
0x2a: {  	p0 =	seq.s32 s5, $0x0;
	s5 =	sld [smem:$0x3F9B]  }
0x2b: {  	s6 =	sld [smem:$0x3F9C]  }
0x2c: {  	s7 =	sld [smem:$0x3F9D]  }
0x2d: {  	s3 =	simm.s32 $0x108;
	s8 =	sld [smem:$0x3F9E]  }
0x2e: {  	s3 =	simm.s32 @!p0 $0x1082;
	s9 =	sld [smem:$0x3F9F]  }
0x2f: {  	lr =	sadd.s32 s0, s3;
	s0 =	sld [smem:$0x3F96]  }
0x30: {  	s3 =	sld [smem:$0x3F99]  }
0x31: {  	[smem:$0x3FA2] =	sst s10  }
0x32: {  	s10 =	sld [smem:$0x3FA0];
	_ =	sdelay $0x3  }
0x33: {  	p0 =	seq.s32 s10, $0x1;
	s10 =	sld [smem:$0x3FA2];
	_ =	sdelay $0x3  }
0x34: {  	[smem:$0x3FA2] =	sst s10  }
0x35: {  	s10 =	sld [smem:$0x3FA1];
	_ =	sdelay $0x3  }
0x36: {  	p1 =	seq.s32 s10, $0x1;
	s10 =	sld [smem:$0x3FA2];
	_ =	sdelay $0x3  }
0x37: {  	[smem:$0x3FA2] =	sst s10  }
0x38: {  	s10 =	sld [smem:$0x3FA3]  }
0x39: {  	_ = 	snop;
	(pc) =	sbr.ind lr, $3  }
0x3a: {  	_ = 	snop  }
0x3b: {  	_ = 	snop  }
0x3c: {  	p2 =	seq.s32 s10, $0x1;
	s10 =	sld [smem:$0x3FA2]  }
0x3d: {  	_ =	shalt  }
0x3e: {  	_ =	shalt  }
0x3f: {  	_ =	shalt  }
0x40: {  	_ =	shalt  }
0x41: {  	_ =	shalt  }
0x42: {  	_ =	shalt  }
0x43: {  	_ =	shalt  }
0x44: {  	_ =	shalt  }
0x45: {  	_ =	shalt  }
0x46: {  	_ =	shalt  }
0x47: {  	_ =	shalt  }
0x48: {  	_ =	shalt  }
0x49: {  	_ =	shalt  }
0x4a: {  	_ =	shalt  }
0x4b: {  	_ =	shalt  }
0x4c: {  	_ =	shalt  }
0x4d: {  	_ =	shalt  }
0x4e: {  	_ =	shalt  }
0x4f: {  	_ =	shalt  }
0x50: {  	_ =	shalt  }
0x51: {  	_ =	shalt  }
0x52: {  	_ =	shalt  }
0x53: {  	_ =	shalt  }
0x54: {  	_ =	shalt  }
0x55: {  	_ =	shalt  }
0x56: {  	_ =	shalt  }
0x57: {  	_ =	shalt  }
0x58: {  	_ =	shalt  }
0x59: {  	_ =	shalt  }
0x5a: {  	_ =	shalt  }
0x5b: {  	_ =	shalt  }
0x5c: {  	_ =	shalt  }
0x5d: {  	_ =	shalt  }
0x5e: {  	_ =	shalt  }
0x5f: {  	_ =	shalt  }
0x60: {  	_ =	shalt  }
0x61: {  	_ =	shalt  }
0x62: {  	_ =	shalt  }
0x63: {  	_ =	shalt  }
0x64: {  	_ =	shalt  }
0x65: {  	_ =	shalt  }
0x66: {  	_ =	shalt  }
0x67: {  	_ =	shalt  }
0x68: {  	_ =	shalt  }
0x69: {  	_ =	shalt  }
0x6a: {  	_ =	shalt  }
0x6b: {  	_ =	shalt  }
0x6c: {  	_ =	shalt  }
0x6d: {  	_ =	shalt  }
0x6e: {  	_ =	shalt  }
0x6f: {  	_ =	shalt  }
0x70: {  	_ =	shalt  }
0x71: {  	_ =	shalt  }
0x72: {  	_ =	shalt  }
0x73: {  	_ =	shalt  }
0x74: {  	_ =	shalt  }
0x75: {  	_ =	shalt  }
0x76: {  	_ =	shalt  }
0x77: {  	_ =	shalt  }
0x78: {  	_ =	shalt  }
0x79: {  	_ =	shalt  }
0x7a: {  	_ =	shalt  }
0x7b: {  	_ =	shalt  }
0x7c: {  	_ =	shalt  }
0x7d: {  	_ =	shalt  }
0x7e: {  	_ =	shalt  }
0x7f: {  	_ =	shalt  }
0x80: {  	_ =	shalt  }
0x81: {  	_ =	shalt  }
0x82: {  	_ =	shalt  }
0x83: {  	_ =	shalt  }
0x84: {  	_ =	shalt  }
0x85: {  	_ =	shalt  }
0x86: {  	_ =	shalt  }
0x87: {  	_ =	shalt  }
.Lfunc_end0:
.L_simem_size_0:
called_computation.3_lowered:
.L_overlay_start_0:
0x88: {  	s2 =	sld [smem:$0x3FD9]  }
0x89: {  	s3 =	sld [smem:$0x3FFE];
	_ =	sdelay $0x1  }
0x8a: {  	s1 =	srdreg.scid  }
0x8b: {  	s0 =	sand.u32 $0x1, s1  }
0x8c: {  	s17 =	sshll.u32 s0, $0xA;
	s2 =	sadd.s32 s3, s2  }
0x8d: {  	s2 =	sadd.s32 s2, s17  }
0x8e: {  	[smem:$0x3FAE] =	sst s2  }
0x8f: {  	_ = 	snop  }
0x90: {  	(tm) =	ssettm $0x1  }
0x91: {  	s18 =	sld [smem:$0x3FFB];
	_ =	sdelay $0x3  }
0x92: {  	_ =	strace s18  }
0x93: {  	s2 =	sld [smem:$0x3FFC];
	_ =	sdelay $0x3  }
0x94: {  	_ =	strace s2  }
0x95: {  	s2 =	sld [smem:$0x3FFD];
	_ =	sdelay $0x3  }
0x96: {  	_ =	strace s2  }
0x97: {  	_ =	strace $0x8FFFFFFF  }
0x98: {  	s19 =	sld [smem:$0x3FDB];
	_ =	sdelay $0x1  }
0x99: {  	s20 =	simm.s32 $_scs_section_size  }
0x9a: {  	s4 =	simm.s32 $_size__tile_overlayer_lowered;
	s5 =	simm.s32 $_tile_overlayer_lowered  }
0x9b: {  	s6 =	simm.s32 $0x1BFF;
	s21 =	sshll.u32 s5, $0x1;
	s3 =	sadd.s32 s20, s19  }
0x9c: {  	s22 =	simm.s32 $0x0;
	s4 =	sshll.u32 s4, $0x1;
	s5 =	sadd.s32 s21, s3  }
0x9d: {  	[timem:s22], [sflag:s6] =	dma.local [hbm:s5], s4  }
0x9e: {  	_ =	swait.ge [sflag:s6], s4  }
0x9f: {  	s4 =	ssub.s32 $0x0, s4;
	[sflag:s6] =	ssyncset.done $0x0  }
0xa0: {  	[sflag:s6] =	ssyncadd.s32 s4;
	_ =	sdelay $0x1  }
0xa1: {  	s23 =	simm.s32 $0x1B8B  }
0xa2: {  	_ =	swait.ge [sflag:s23], $0x1  }
0xa3: {  	[sflag:s23] =	ssyncset.done $0x0  }
0xa4: {  	[sflag:s23] =	ssyncadd.s32 $0xFFFFFFFF  }
0xa5: {  	s4 =	sld [smem:$0x0]  }
0xa6: {  	s5 =	sand.u32 $0xFFFFFFFE, s1  }
0xa7: {  	p0 =	sne.s32 s1, s5  }
0xa8: {  	s5 =	sshll.u32 @p0 s5, $0xE  }
0xa9: {  	s5 =	sadd.s32 @p0 $0x11B8D, s5;
	s6 =	sshll.u32 @p0 s4, $0x11  }
0xaa: {  	s5 =	sor.u32 @p0 s6, s5  }
0xab: {  	[sflag:s5] =	ssyncadd.remote.s32 @p0 $0x1;
	_ =	sdelay $0x1  }
0xac: {  	s5 =	simm.s32 @p0 $0x1B8D  }
0xad: {  	_ =	swait.eq @p0 [sflag:s5], $0x1  }
0xae: {  	[sflag:s5] =	ssyncadd.s32 @p0 $0xFFFFFFFF  }
0xaf: {  	s6 =	sshll.u32 @!p0 s1, $0xE  }
0xb0: {  	s6 =	sor.u32 @!p0 $0x4000, s6;
	s5 =	simm.s32 @!p0 $0x1B8D  }
0xb1: {  	s4 =	sshll.u32 @!p0 s4, $0x11;
	s6 =	sadd.s32 @!p0 $0x11B8D, s6;
	_ =	swait.eq @!p0 [sflag:s5], $0x1  }
0xb2: {  	s4 =	sor.u32 @!p0 s4, s6;
	[sflag:s5] =	ssyncadd.s32 @!p0 $0xFFFFFFFF  }
0xb3: {  	s25 =	simm.s32 $0x1B8E;
	s24 =	sld [smem:$0x3FFE];
	[sflag:s4] =	ssyncadd.remote.s32 @!p0 $0x1  }
0xb4: {  	s26 =	simm.s32 $execute0_lowered;
	[smem:$0x3FD2] =	sst s25  }
0xb5: {  	s5 =	sshll.u32 s26, $0x1;
	_ =	strace $0x8000004C;
	[dreg:$0x1] =	wrdreg $0xFFFFFFFF  }
0xb6: {  	s28 =	simm.s32 $_size_execute0_lowered;
	s3 =	sadd.s32 s3, s5;
	[dreg:$0x0] =	wrdreg $0x0  }
0xb7: {  	s5 =	sshll.u32 s28, $0x1;
	[dreg:$0x2] =	wrdreg s3  }
0xb8: {  	[dreg:$0x3] =	wrdreg s5  }
0xb9: {  	[dreg:$0x4] =	wrdreg $0xC0  }
0xba: {  	_ =	task [dreg:s22], $0x5FFFF  }
0xbb: {  	[dreg:$0x1] =	wrdreg $0xFFFFFFFF  }
0xbc: {  	[dreg:$0x0] =	wrdreg $0x60  }
0xbd: {  	[dreg:$0x2] =	wrdreg s24  }
0xbe: {  	[dreg:$0x3] =	wrdreg $0x105B80  }
0xbf: {  	[dreg:$0x4] =	wrdreg $0xA  }
0xc0: {  	_ =	task.clear_ibuf [dreg:s22], $0x5FFFF;
	_ =	strace $0x9000004C  }
0xc1: {  	s29 =	simm.s32 $0xA;
	_ =	strace $0x8000004E  }
0xc2: {  	_ =	swait.ge [sflag:s29], $0x1  }
0xc3: {  	[sflag:s29] =	ssyncadd.s32 $0xFFFFFFFF  }
0xc4: {  	_ =	strace $0x9000004E  }
0xc5: {  	_ =	sfence  }
0xc6: {  	s30 =	sld [smem:$0x0];
	_ =	sdelay $0x2  }
0xc7: {  	s31 =	sshll.u32 s1, $0xD;
	s1 =	sshrl.u32 s1, $0x2  }
0xc8: {  	s4 =	sand.u32 $0x4000, s31;
	s1 =	sadd.s32 s1, s30  }
0xc9: {  	s0 =	sor.u32 s4, s0;
	s1 =	sshll.u32 s1, $0x11  }
0xca: {  	s0 =	sor.u32 s1, s0  }
0xcb: {  	s0 =	sadd.s32 $0x8F2B, s0  }
0xcc: {  	[sflag:s0] =	ssyncadd.remote.s32 $0x1  }
0xcd: {  	_ =	sfence.sel $0xFFFF  }
0xce: {  	[dreg:$0x0] =	wrdreg $0xFFFFFFFF;
	(pc) =	sbr.abs _section_cstart, $3  }
0xcf: {  	[dreg:$0x1] =	wrdreg $0xFFFFFFFF  }
0xd0: {  	_ =	task.clear_ibuf [dreg:s22], $0x2FFFF;
	_ =	strace $0x9FFFFFFF  }
0xd1: {  	(tm) =	ssettm $0x7FFFFFFF  }
tec
execute0_lowered:
.L_overlay_start_1:
0x0: {  	(tag) =	ssettag $0x1  }
0x1: {  	s8 =	rddreg [dreg:$0x0]  }
0x2: {  	s1 =	rddreg [dreg:$0x1]  }
0x3: {  	s0 =	rddreg [dreg:$0x2];
	s3 =	simm.s32 $0x0;
	s2 =	srdreg.scid  }
0x4: {  	[smem:$0x7FF] =	sst s3;
	s7 =	sand.u32 $0x1, s2  }
0x5: {  	s15 =	simm.s32 $0x1;
	s2 =	stileid.u32;
	s9 =	smul.u32 $0x18800, s7  }
0x6: {  	s4 =	sadd.s32 $0x1D7E00, s8;
	s5 =	sadd.s32 $0x33600, s8;
	s10 =	smul.u32 $0x3100, s2  }
0x7: {  	s6 =	sadd.s32 $0x4BE00, s8;
	_ =	strace $0x8000004D;
	s11 =	smul.u32 $0x62800, s2  }
0x8: {  	s30 =	ssub.s32 $0x2, s7;
	s12 =	smul.u32 $0xFFFFCF00, s7;
	p0 =	sgt.u32 s2, $0x7  }
0x9: {  	s31 =	smul.u32 $0x62000, s2;
	s13 =	sshrl.u32 s30, $0x1;
	s17 =	sshll.u32 @!p0 s2, $0x6  }
0xa: {  	s9 =	sadd.s32 s10, s9;
	s11 =	sshrl.u32 s11, $0x2;
	s13 =	ssub.s32 s30, s13  }
0xb: {  	s16 =	sadd.s32 $0xFFFF9E00, s12;
	s12 =	simm.s32 $0x2;
	s17 =	sor.u32 @!p0 $0x1C02, s17  }
0xc: {  	s7 =	sadd.s32 s11, s1;
	s14 =	sadd.s32 s9, s8;
	s9 =	smul.u32 $0xC350, s2  }
0xd: {  	s11 =	sshrl.u32 s31, $0x2;
	v0 =	vmov s16;
	s16 =	simm.s32 $0x7D0;
	s8 =	sadd.s32 $0xFA00, s7  }
0xe: {  	v2 =	vlaneseq.u32;
	s10 =	sadd.s32 $0x1EB800, s14;
	s18 =	sadd.s32 s11, s1;
	s11 =	smax.u32 s13, $0x1  }
0xf: {  	v1 =	vimm.f32 $0.0e+00;
	v2 =	vor.u32 $0x3130, v2;
	s13 =	simm.s32 $0x3E8;
	s14 =	simm.s32 $0xBB8;
	s18 =	sshrl.u32 @!p0 s18, $0x3  }
.LBB2_1:
0x10: {  	s20 =	simm.s32 $0x100;
	s19 =	simm.s32 $0x0  }
.LBB2_2:
0x11: {  	p1 =	sne.s32 s20, $0x3E700;
	[tilespmem:s19+$0xBE8] =	vst v1;
	s21 =	smov.u32 s20;
	s20 =	sadd.s32 $0x100, s20  }
.Ltmp0:
0x12: {  	[tilespmem:s19+$0xBD8] =	vst v1;
	(pc) =	sbr.rel @p1 .LBB2_2-.Ltmp0, $3  }
0x13: {  	[tilespmem:s19+$0xBB8] =	vst v1  }
0x14: {  	[tilespmem:s19+$0xBC8] =	vst v1;
	_ =	sdelay $0x1  }
0x15: {  	s19 =	sshra.s32 s21, $0x2  }
0x16: {  	[tilespmem:s19+$0xBE8] =	vst v1  }
0x17: {  	[tilespmem:s19+$0xBD8] =	vst v1  }
0x18: {  	[tilespmem:s19+$0xBB8] =	vst v1  }
0x19: {  	[tilespmem:s19+$0xBC8] =	vst v1;
	s19 =	simm.s32 @!p0 $0xBB8;
	s20 =	simm.s32 @!p0 $0x2  }
0x1a: {  	[spmem:s7] =	stream.linear.scatter @!p0 [tilespmem:s19], [sflag:$0x2], $0xFA00, $0x38;
	[tilespmem:$0x1CAB8] =	vst v63  }
0x1b: {  	_ =	swait.ge @!p0 [sflag:s20], $0xFA00  }
0x1c: {  	[sflag:s20] =	ssyncset.done @!p0 $0x0  }
0x1d: {  	[sflag:s20] =	ssyncadd.s32 @!p0 $0xFFFF0600  }
0x1e: {  	[spmem:s8] =	stream.linear.scatter @!p0 [tilespmem:s19], [sflag:$0x2], $0x9000, $0x38;
	[tilespmem:$0x1CAB8] =	vst v63  }
0x1f: {  	_ =	swait.ge @!p0 [sflag:s20], $0x9000  }
0x20: {  	[sflag:s20] =	ssyncset.done @!p0 $0x0  }
0x21: {  	[sflag:s20] =	ssyncadd.s32 @!p0 $0xFFFF7000  }
0x22: {  	s19 =	simm.s32 $0x0;
	s20 =	simm.s32 $0x0;
	[bflag:$0x0] =	sbarrier.arrive $0xFFFF  }
.LBB2_4:
0x23: {  	s21 =	smul.u32 $0x3E8, s20;
	_ =	sdelay $0x1  }
0x24: {  	s21 =	sadd.s32 s9, s21  }
0x25: {  	s21 =	sshrl.u32 s21, $0x3  }
0x26: {  	s22 =	sadd.s32 s5, s21  }
0x27: {  	[tilespmem:s19], [sflag:$0x2] =	stream.linear.gather [hbm4b:s22+s19], $0x3E8, $0x38;
	[tilespmem:$0x1CAB8] =	vst v63  }
0x28: {  	_ =	swait.ge [sflag:s12], $0x3E8  }
0x29: {  	[sflag:s12] =	ssyncset.done $0x0  }
0x2a: {  	s21 =	sadd.s32 s6, s21;
	[sflag:s12] =	ssyncadd.s32 $0xFFFFFC18  }
0x2b: {  	[tilespmem:s13], [sflag:$0x2] =	stream.linear.gather [hbm4b:s21+s19], $0x3E8, $0x38;
	[tilespmem:$0x1CAB8] =	vst v63  }
0x2c: {  	_ =	swait.ge [sflag:s12], $0x3E8  }
0x2d: {  	[sflag:s12] =	ssyncset.done $0x0  }
0x2e: {  	s21 =	simm.s32 $0x0;
	[sflag:s12] =	ssyncadd.s32 $0xFFFFFC18  }
0x2f: {  	[tilespmem:s14], [sflag:$0x1] =	stream.indirect.gather [hbm4b:s4+s13], $0x40, s19, s13, $0xb8;
	[tilespmem:$0x1CAB8] =	vst v63  }
0x30: {  	s22 =	simm.s32 $0x40;
	v3 =	vld [tilespmem:s21+$0x3E8]  }
.LBB2_5:
0x31: {  	_ =	sdelay $0x1  }
0x32: {  	p1 =	sne.s32 s22, $0xF40  }
.Ltmp1:
0x33: {  	_ = 	snop;
	(pc) =	sbr.rel @p1 .LBB2_5-.Ltmp1, $4  }
0x34: {  	v4 =	vadd.s32 v0, v3  }
0x35: {  	vm0 =	vgt.u32 v4, $0x30FF  }
0x36: {  	s23 =	sshra.s32 s22, $0x2;
	v4 =	vsel vm0, v2, v4  }
0x37: {  	s22 =	sadd.s32 $0x40, s22;
	v3 =	vld [tilespmem:s23+$0x3E8];
	[tilespmem:s21+$0x7D0] =	vst v4;
	s21 =	smov.u32 s23  }
0x38: {  	_ =	sdelay $0x3  }
0x39: {  	v3 =	vadd.s32 v0, v3  }
0x3a: {  	vm0 =	vgt.u32 v3, $0x30FF  }
0x3b: {  	v3 =	vsel vm0, v2, v3  }
0x3c: {  	[tilespmem:s21+$0x7D0] =	vst v3  }
0x3d: {  	v3 =	vld [tilespmem:$0x7C0];
	_ =	sdelay $0x4  }
0x3e: {  	v3 =	vadd.s32 v0, v3  }
0x3f: {  	vm15 =	vgt.u32 v3, $0x30FF  }
0x40: {  	v3 =	vsel vm15, v2, v3  }
0x41: {  	[tilespmem:$0xBA8] =	vst v3  }
0x42: {  	s20 =	sadd.s32 $0x1, s20;
	_ =	swait.ge [sflag:s15], $0xFA00  }
0x43: {  	p1 =	sne.s32 s20, $0x32;
	[sflag:s15] =	ssyncset.done $0x0  }
.Ltmp2:
0x44: {  	[sflag:s15] =	ssyncadd.s32 $0xFFFF0600;
	(pc) =	sbr.rel @p1 .LBB2_4-.Ltmp2, $4  }
0x45: {  	[spmem:s1] =	stream.indirect.scatter.add.f32 [tilespmem:s14], [sflag:$0x2], $0x40, s16, s13, $0xb8;
	[tilespmem:$0x1CAB8] =	vst v63  }
0x46: {  	_ =	swait.ge [sflag:s12], $0xFA00  }
0x47: {  	[sflag:s12] =	ssyncset.done $0x0  }
0x48: {  	[sflag:s12] =	ssyncadd.s32 $0xFFFF0600  }
0x49: {  	s3 =	sadd.s32 $0x1, s3  }
0x4a: {  	p1 =	sne.s32 s3, s11  }
.Ltmp3:
0x4b: {  	[bflag:$0x0] =	sbarrier.arrive $0xFFFF;
	s19 =	simm.s32 @!p0 $0x2;
	(pc) =	sbr.rel @p1 .LBB2_1-.Ltmp3, $4  }
0x4c: {  	[hbm:s10], [sflag:s17] =	dma.local @!p0 [spmem:s18], $0x3100  }
0x4d: {  	_ =	swait.ge @!p0 [sflag:s19], $0x3100  }
0x4e: {  	[sflag:s19] =	ssyncset.done @!p0 $0x0  }
0x4f: {  	[sflag:s19] =	ssyncadd.s32 @!p0 $0xFFFFCF00  }
0x50: {  	_ =	sfence.sel $0x180000  }
0x51: {  	[bflag:$0x0] =	sbarrier.arrive $0xFFFF  }
0x52: {  	p0 =	sne.s32 s2, $0x0;
	_ =	strace $0x9000004D  }
0x53: {  	s0 =	sadd.s32 @!p0 $0x100000, s0;
	[bflag:$0x2] =	sbarrier.arrive $0xFFFF  }
0x54: {  	[sflag:s0] =	ssyncadd.tile.s32 @!p0 $0x1;
	_ =	shalt  }
.Lfunc_end2:
_tile_overlayer_lowered:
.L_overlay_start_2:
0x55: {  	(tag) =	ssettag $0x2  }
0x56: {  	s0 =	rddreg [dreg:$0x0];
	s2 =	stileid.u32  }
0x57: {  	s1 =	rddreg [dreg:$0x1];
	p0 =	sne.s32 s2, $0x0  }
0x58: {  	s3 =	rddreg [dreg:$0x2];
	[bflag:$0x3] =	sbarrier.arrive $0xFFFF;
	s2 =	simm.s32 @!p0 $0x1C02  }
0x59: {  	[timem:s3], [sflag:s2] =	dma.local @!p0 [hbm:s0], s1  }
0x5a: {  	s0 =	simm.s32 @!p0 $0x2  }
0x5b: {  	_ =	swait.ge @!p0 [sflag:s0], s1  }
0x5c: {  	s1 =	ssub.s32 @!p0 $0x0, s1;
	[sflag:s0] =	ssyncset.done @!p0 $0x0  }
0x5d: {  	[sflag:s0] =	ssyncadd.s32 @!p0 s1  }
0x5e: {  	[bflag:$0x3] =	sbarrier.arrive $0xFFFF  }
0x5f: {  	_ =	shalt  }

// kernel: kernel.26.cloned.1.call-start
scs
__scs_entry_jumppad:
0x0: {  	(pc) =	sbr.rel $0x88, $3  }
0x1: {  	(tag) =	ssettag $0x0;
	lr =	simm.s32 $0x1  }
0x2: {  	[smem:$0x3F87] =	sst lr;
	_ =	strace $0xD0000000  }
0x3: {  	_ = 	snop  }
0x4: {  	_ = 	snop  }
0x5: {  	_ = 	snop  }
0x6: {  	_ = 	snop  }
0x7: {  	_ = 	snop  }
__scs_overlays_trampoline_lowered:
0x8: {  	[smem:$0x3F96] =	sst s0  }
0x9: {  	[smem:$0x3F97] =	sst s1  }
0xa: {  	[smem:$0x3F98] =	sst s2  }
0xb: {  	[smem:$0x3F99] =	sst s3  }
0xc: {  	[smem:$0x3F9A] =	sst s4  }
0xd: {  	[smem:$0x3F9B] =	sst s5  }
0xe: {  	[smem:$0x3F9C] =	sst s6  }
0xf: {  	[smem:$0x3F9D] =	sst s7  }
0x10: {  	[smem:$0x3F9E] =	sst s8  }
0x11: {  	[smem:$0x3F9F] =	sst s9;
	s0 =	simm.s32 @!p0 $0x0  }
0x12: {  	s1 =	sld [smem:$0x3F85];
	s0 =	simm.s32 @p0 $0x1  }
0x13: {  	[smem:$0x3FA0] =	sst s0;
	s0 =	simm.s32 @!p1 $0x0  }
0x14: {  	s2 =	sld [smem:$0x3F84];
	s0 =	simm.s32 @p1 $0x1  }
0x15: {  	[smem:$0x3FA1] =	sst s0;
	s0 =	simm.s32 @!p2 $0x0  }
0x16: {  	s3 =	sld [smem:$0x3FDB];
	s0 =	simm.s32 @p2 $0x1  }
0x17: {  	s4 =	simm.s32 $0x1BF5;
	[smem:$0x3FA3] =	sst s0  }
0x18: {  	s0 =	sld [smem:$0x3F86];
	_ =	swait.ge [sflag:s4], $0x0  }
0x19: {  	s7 =	sld [smem:$0x3F87]  }
0x1a: {  	s8 =	sadd.s32 $0xFFFFE003, lr  }
0x1b: {  	s9 =	sadd.s32 $0xFFFFFEF7, lr;
	s5 =	simm.s32 $0xFFFFFFFF;
	p2 =	slt.u32 s8, $0xFFFFF086  }
0x1c: {  	p1 =	slt.u32 s9, $0xF7A;
	s5 =	simm.s32 @!p2 $0x0  }
0x1d: {  	s5 =	simm.s32 @p1 $0x1;
	p0 =	seq.s32 s7, s2  }
0x1e: {  	s7 =	smul.u32 @!p0 $0xF7A, s2;
	p2 =	seq.s32 @!p0 s5, $0x0  }
0x1f: {  	s9 =	smul.u32 $0xF7A, s1;
	s8 =	simm.s32 @!p0 $0x1BF5;
	p2 =	por !p2, p0  }
0x20: {  	[sflag:s8] =	ssyncset.s32 @!p0 $0xFFFFF086;
	s6 =	sadd.s32 @!p0 s3, s7;
	s7 =	simm.s32 @!p0 $0x108  }
0x21: {  	s3 =	sadd.s32 s3, s9;
	s6 =	sadd.s32 @!p0 $0x88, s6;
	s7 =	simm.s32 @p2 $0x1082  }
0x22: {  	[simem:s7], [sflag:s8] =	dma.local @!p0 [hbm:s6], $0xF7A  }
0x23: {  	s9 =	sor.u32 $0xD0000000, s2;
	s6 =	simm.s32 $0x108;
	_ =	swait.ge @!p0 [sflag:s8], $0x0  }
0x24: {  	s3 =	sadd.s32 $0x88, s3;
	s6 =	simm.s32 @!p1 $0x1082;
	[sflag:s4] =	ssyncset.s32 $0xFFFFF086  }
0x25: {  	[simem:s6], [sflag:s4] =	dma.local [hbm:s3], $0xF7A  }
0x26: {  	[smem:$0x3F87] =	sst s1;
	(tag) =	ssettag s2;
	_ =	strace s9  }
0x27: {  	s1 =	sld [smem:$0x3F97]  }
0x28: {  	s2 =	sld [smem:$0x3F98]  }
0x29: {  	s4 =	sld [smem:$0x3F9A]  }
0x2a: {  	p0 =	seq.s32 s5, $0x0;
	s5 =	sld [smem:$0x3F9B]  }
0x2b: {  	s6 =	sld [smem:$0x3F9C]  }
0x2c: {  	s7 =	sld [smem:$0x3F9D]  }
0x2d: {  	s3 =	simm.s32 $0x108;
	s8 =	sld [smem:$0x3F9E]  }
0x2e: {  	s3 =	simm.s32 @!p0 $0x1082;
	s9 =	sld [smem:$0x3F9F]  }
0x2f: {  	lr =	sadd.s32 s0, s3;
	s0 =	sld [smem:$0x3F96]  }
0x30: {  	s3 =	sld [smem:$0x3F99]  }
0x31: {  	[smem:$0x3FA2] =	sst s10  }
0x32: {  	s10 =	sld [smem:$0x3FA0];
	_ =	sdelay $0x3  }
0x33: {  	p0 =	seq.s32 s10, $0x1;
	s10 =	sld [smem:$0x3FA2];
	_ =	sdelay $0x3  }
0x34: {  	[smem:$0x3FA2] =	sst s10  }
0x35: {  	s10 =	sld [smem:$0x3FA1];
	_ =	sdelay $0x3  }
0x36: {  	p1 =	seq.s32 s10, $0x1;
	s10 =	sld [smem:$0x3FA2];
	_ =	sdelay $0x3  }
0x37: {  	[smem:$0x3FA2] =	sst s10  }
0x38: {  	s10 =	sld [smem:$0x3FA3]  }
0x39: {  	_ = 	snop;
	(pc) =	sbr.ind lr, $3  }
0x3a: {  	_ = 	snop  }
0x3b: {  	_ = 	snop  }
0x3c: {  	p2 =	seq.s32 s10, $0x1;
	s10 =	sld [smem:$0x3FA2]  }
0x3d: {  	_ =	shalt  }
0x3e: {  	_ =	shalt  }
0x3f: {  	_ =	shalt  }
0x40: {  	_ =	shalt  }
0x41: {  	_ =	shalt  }
0x42: {  	_ =	shalt  }
0x43: {  	_ =	shalt  }
0x44: {  	_ =	shalt  }
0x45: {  	_ =	shalt  }
0x46: {  	_ =	shalt  }
0x47: {  	_ =	shalt  }
0x48: {  	_ =	shalt  }
0x49: {  	_ =	shalt  }
0x4a: {  	_ =	shalt  }
0x4b: {  	_ =	shalt  }
0x4c: {  	_ =	shalt  }
0x4d: {  	_ =	shalt  }
0x4e: {  	_ =	shalt  }
0x4f: {  	_ =	shalt  }
0x50: {  	_ =	shalt  }
0x51: {  	_ =	shalt  }
0x52: {  	_ =	shalt  }
0x53: {  	_ =	shalt  }
0x54: {  	_ =	shalt  }
0x55: {  	_ =	shalt  }
0x56: {  	_ =	shalt  }
0x57: {  	_ =	shalt  }
0x58: {  	_ =	shalt  }
0x59: {  	_ =	shalt  }
0x5a: {  	_ =	shalt  }
0x5b: {  	_ =	shalt  }
0x5c: {  	_ =	shalt  }
0x5d: {  	_ =	shalt  }
0x5e: {  	_ =	shalt  }
0x5f: {  	_ =	shalt  }
0x60: {  	_ =	shalt  }
0x61: {  	_ =	shalt  }
0x62: {  	_ =	shalt  }
0x63: {  	_ =	shalt  }
0x64: {  	_ =	shalt  }
0x65: {  	_ =	shalt  }
0x66: {  	_ =	shalt  }
0x67: {  	_ =	shalt  }
0x68: {  	_ =	shalt  }
0x69: {  	_ =	shalt  }
0x6a: {  	_ =	shalt  }
0x6b: {  	_ =	shalt  }
0x6c: {  	_ =	shalt  }
0x6d: {  	_ =	shalt  }
0x6e: {  	_ =	shalt  }
0x6f: {  	_ =	shalt  }
0x70: {  	_ =	shalt  }
0x71: {  	_ =	shalt  }
0x72: {  	_ =	shalt  }
0x73: {  	_ =	shalt  }
0x74: {  	_ =	shalt  }
0x75: {  	_ =	shalt  }
0x76: {  	_ =	shalt  }
0x77: {  	_ =	shalt  }
0x78: {  	_ =	shalt  }
0x79: {  	_ =	shalt  }
0x7a: {  	_ =	shalt  }
0x7b: {  	_ =	shalt  }
0x7c: {  	_ =	shalt  }
0x7d: {  	_ =	shalt  }
0x7e: {  	_ =	shalt  }
0x7f: {  	_ =	shalt  }
0x80: {  	_ =	shalt  }
0x81: {  	_ =	shalt  }
0x82: {  	_ =	shalt  }
0x83: {  	_ =	shalt  }
0x84: {  	_ =	shalt  }
0x85: {  	_ =	shalt  }
0x86: {  	_ =	shalt  }
0x87: {  	_ =	shalt  }
.Lfunc_end0:
.L_simem_size_0:
called_computation.4_lowered:
.L_overlay_start_0:
0x88: {  	s2 =	sld [smem:$0x3FD9]  }
0x89: {  	s3 =	sld [smem:$0x3FFE];
	_ =	sdelay $0x1  }
0x8a: {  	s1 =	srdreg.scid  }
0x8b: {  	s0 =	sand.u32 $0x1, s1  }
0x8c: {  	s17 =	sshll.u32 s0, $0xA;
	s2 =	sadd.s32 s3, s2  }
0x8d: {  	s2 =	sadd.s32 s2, s17  }
0x8e: {  	[smem:$0x3FAE] =	sst s2  }
0x8f: {  	_ = 	snop  }
0x90: {  	(tm) =	ssettm $0x1  }
0x91: {  	s18 =	sld [smem:$0x3FFB];
	_ =	sdelay $0x3  }
0x92: {  	_ =	strace s18  }
0x93: {  	s2 =	sld [smem:$0x3FFC];
	_ =	sdelay $0x3  }
0x94: {  	_ =	strace s2  }
0x95: {  	s2 =	sld [smem:$0x3FFD];
	_ =	sdelay $0x3  }
0x96: {  	_ =	strace s2  }
0x97: {  	_ =	strace $0x8FFFFFFF  }
0x98: {  	s19 =	sld [smem:$0x3FDB];
	_ =	sdelay $0x1  }
0x99: {  	s20 =	simm.s32 $_scs_section_size  }
0x9a: {  	s4 =	simm.s32 $_size__tile_overlayer_lowered;
	s5 =	simm.s32 $_tile_overlayer_lowered  }
0x9b: {  	s6 =	simm.s32 $0x1BFF;
	s21 =	sshll.u32 s5, $0x1;
	s3 =	sadd.s32 s20, s19  }
0x9c: {  	s22 =	simm.s32 $0x0;
	s4 =	sshll.u32 s4, $0x1;
	s5 =	sadd.s32 s21, s3  }
0x9d: {  	[timem:s22], [sflag:s6] =	dma.local [hbm:s5], s4  }
0x9e: {  	_ =	swait.ge [sflag:s6], s4  }
0x9f: {  	s4 =	ssub.s32 $0x0, s4;
	[sflag:s6] =	ssyncset.done $0x0  }
0xa0: {  	[sflag:s6] =	ssyncadd.s32 s4;
	_ =	sdelay $0x1  }
0xa1: {  	s23 =	simm.s32 $0x1B8B  }
0xa2: {  	_ =	swait.ge [sflag:s23], $0x1  }
0xa3: {  	[sflag:s23] =	ssyncset.done $0x0  }
0xa4: {  	[sflag:s23] =	ssyncadd.s32 $0xFFFFFFFF  }
0xa5: {  	s4 =	sld [smem:$0x0]  }
0xa6: {  	s5 =	sand.u32 $0xFFFFFFFE, s1  }
0xa7: {  	p0 =	sne.s32 s1, s5  }
0xa8: {  	s5 =	sshll.u32 @p0 s5, $0xE  }
0xa9: {  	s5 =	sadd.s32 @p0 $0x11B8D, s5;
	s6 =	sshll.u32 @p0 s4, $0x11  }
0xaa: {  	s5 =	sor.u32 @p0 s6, s5  }
0xab: {  	[sflag:s5] =	ssyncadd.remote.s32 @p0 $0x1;
	_ =	sdelay $0x1  }
0xac: {  	s5 =	simm.s32 @p0 $0x1B8D  }
0xad: {  	_ =	swait.eq @p0 [sflag:s5], $0x1  }
0xae: {  	[sflag:s5] =	ssyncadd.s32 @p0 $0xFFFFFFFF  }
0xaf: {  	s6 =	sshll.u32 @!p0 s1, $0xE  }
0xb0: {  	s6 =	sor.u32 @!p0 $0x4000, s6;
	s5 =	simm.s32 @!p0 $0x1B8D  }
0xb1: {  	s4 =	sshll.u32 @!p0 s4, $0x11;
	s6 =	sadd.s32 @!p0 $0x11B8D, s6;
	_ =	swait.eq @!p0 [sflag:s5], $0x1  }
0xb2: {  	s4 =	sor.u32 @!p0 s4, s6;
	[sflag:s5] =	ssyncadd.s32 @!p0 $0xFFFFFFFF  }
0xb3: {  	s25 =	simm.s32 $0x1B8E;
	s24 =	sld [smem:$0x3FFE];
	[sflag:s4] =	ssyncadd.remote.s32 @!p0 $0x1  }
0xb4: {  	s26 =	simm.s32 $execute0_lowered;
	[smem:$0x3FD2] =	sst s25  }
0xb5: {  	s5 =	sshll.u32 s26, $0x1;
	_ =	strace $0x80000055;
	[dreg:$0x1] =	wrdreg $0xFFFFFFFF  }
0xb6: {  	s28 =	simm.s32 $_size_execute0_lowered;
	s3 =	sadd.s32 s3, s5;
	[dreg:$0x0] =	wrdreg $0x0  }
0xb7: {  	s5 =	sshll.u32 s28, $0x1;
	[dreg:$0x2] =	wrdreg s3  }
0xb8: {  	[dreg:$0x3] =	wrdreg s5  }
0xb9: {  	[dreg:$0x4] =	wrdreg $0xC0  }
0xba: {  	_ =	task [dreg:s22], $0x5FFFF  }
0xbb: {  	[dreg:$0x1] =	wrdreg $0xFFFFFFFF  }
0xbc: {  	[dreg:$0x0] =	wrdreg $0x60  }
0xbd: {  	[dreg:$0x2] =	wrdreg s24  }
0xbe: {  	[dreg:$0x3] =	wrdreg $0x105B80  }
0xbf: {  	[dreg:$0x4] =	wrdreg $0xB  }
0xc0: {  	_ =	task.clear_ibuf [dreg:s22], $0x5FFFF;
	_ =	strace $0x90000055  }
0xc1: {  	s29 =	simm.s32 $0xB;
	_ =	strace $0x80000057  }
0xc2: {  	_ =	swait.ge [sflag:s29], $0x1  }
0xc3: {  	[sflag:s29] =	ssyncadd.s32 $0xFFFFFFFF  }
0xc4: {  	_ =	strace $0x90000057  }
0xc5: {  	_ =	sfence  }
0xc6: {  	s30 =	sld [smem:$0x0];
	_ =	sdelay $0x2  }
0xc7: {  	s31 =	sshll.u32 s1, $0xD;
	s1 =	sshrl.u32 s1, $0x2  }
0xc8: {  	s4 =	sand.u32 $0x4000, s31;
	s1 =	sadd.s32 s1, s30  }
0xc9: {  	s0 =	sor.u32 s4, s0;
	s1 =	sshll.u32 s1, $0x11  }
0xca: {  	s0 =	sor.u32 s1, s0  }
0xcb: {  	s0 =	sadd.s32 $0x8F2B, s0  }
0xcc: {  	[sflag:s0] =	ssyncadd.remote.s32 $0x1  }
0xcd: {  	_ =	sfence.sel $0xFFFF  }
0xce: {  	[dreg:$0x0] =	wrdreg $0xFFFFFFFF;
	(pc) =	sbr.abs _section_cstart, $3  }
0xcf: {  	[dreg:$0x1] =	wrdreg $0xFFFFFFFF  }
0xd0: {  	_ =	task.clear_ibuf [dreg:s22], $0x2FFFF;
	_ =	strace $0x9FFFFFFF  }
0xd1: {  	(tm) =	ssettm $0x7FFFFFFF  }
tec
execute0_lowered:
.L_overlay_start_1:
0x0: {  	(tag) =	ssettag $0x1  }
0x1: {  	s7 =	rddreg [dreg:$0x0]  }
0x2: {  	s1 =	rddreg [dreg:$0x1];
	s2 =	srdreg.scid  }
0x3: {  	s0 =	rddreg [dreg:$0x2];
	s3 =	simm.s32 $0x0;
	s14 =	simm.s32 $0xBB8  }
0x4: {  	s15 =	simm.s32 $0x1;
	s8 =	sand.u32 $0x1, s2;
	s2 =	stileid.u32  }
0x5: {  	[smem:$0x7FF] =	sst s3;
	s4 =	sadd.s32 $0x2600, s7;
	s16 =	smul.u32 $0x3100, s8  }
0x6: {  	s5 =	sadd.s32 $0x33600, s7;
	s6 =	smul.u32 $0x620, s2;
	_ =	strace $0x80000056  }
0x7: {  	s10 =	smul.u32 $0x62800, s2;
	s8 =	ssub.s32 $0x2, s8;
	p0 =	sgt.u32 s2, $0x7  }
0x8: {  	s12 =	smul.u32 $0x62000, s2;
	s11 =	sshrl.u32 s8, $0x1;
	s17 =	sshll.u32 @!p0 s2, $0x6  }
0x9: {  	s9 =	sadd.s32 s6, s16;
	s6 =	sadd.s32 $0x4BE00, s7;
	s10 =	sshrl.u32 s10, $0x2  }
0xa: {  	s11 =	ssub.s32 s8, s11;
	s12 =	sshrl.u32 s12, $0x2;
	v0 =	vmov s16;
	s16 =	simm.s32 $0x7D0  }
0xb: {  	s17 =	sor.u32 @!p0 $0x1C02, s17;
	s9 =	sshll.u32 s9, $0x3;
	s18 =	sadd.s32 s12, s1  }
0xc: {  	s11 =	smax.u32 s11, $0x1;
	s12 =	simm.s32 $0x2;
	s13 =	sadd.s32 s9, s7  }
0xd: {  	v2 =	vlaneseq.u32;
	s7 =	sadd.s32 s10, s1;
	s9 =	smul.u32 $0xC350, s2;
	s18 =	sshrl.u32 @!p0 s18, $0x3  }
0xe: {  	v1 =	vimm.f32 $0.0e+00;
	v2 =	vor.u32 $0x3130, v2;
	s8 =	sadd.s32 $0xFA00, s7;
	s10 =	sadd.s32 $0x162800, s13;
	s13 =	simm.s32 $0x3E8  }
.LBB2_1:
0xf: {  	s20 =	simm.s32 $0x100;
	s19 =	simm.s32 $0x0  }
.LBB2_2:
0x10: {  	p1 =	sne.s32 s20, $0x3E700;
	[tilespmem:s19+$0xBE8] =	vst v1;
	s21 =	smov.u32 s20;
	s20 =	sadd.s32 $0x100, s20  }
.Ltmp0:
0x11: {  	[tilespmem:s19+$0xBD8] =	vst v1;
	(pc) =	sbr.rel @p1 .LBB2_2-.Ltmp0, $3  }
0x12: {  	[tilespmem:s19+$0xBB8] =	vst v1  }
0x13: {  	[tilespmem:s19+$0xBC8] =	vst v1;
	_ =	sdelay $0x1  }
0x14: {  	s19 =	sshra.s32 s21, $0x2  }
0x15: {  	[tilespmem:s19+$0xBE8] =	vst v1  }
0x16: {  	[tilespmem:s19+$0xBD8] =	vst v1  }
0x17: {  	[tilespmem:s19+$0xBB8] =	vst v1  }
0x18: {  	[tilespmem:s19+$0xBC8] =	vst v1;
	s19 =	simm.s32 @!p0 $0xBB8;
	s20 =	simm.s32 @!p0 $0x2  }
0x19: {  	[spmem:s7] =	stream.linear.scatter @!p0 [tilespmem:s19], [sflag:$0x2], $0xFA00, $0x38;
	[tilespmem:$0x1CAB8] =	vst v63  }
0x1a: {  	_ =	swait.ge @!p0 [sflag:s20], $0xFA00  }
0x1b: {  	[sflag:s20] =	ssyncset.done @!p0 $0x0  }
0x1c: {  	[sflag:s20] =	ssyncadd.s32 @!p0 $0xFFFF0600  }
0x1d: {  	[spmem:s8] =	stream.linear.scatter @!p0 [tilespmem:s19], [sflag:$0x2], $0x9000, $0x38;
	[tilespmem:$0x1CAB8] =	vst v63  }
0x1e: {  	_ =	swait.ge @!p0 [sflag:s20], $0x9000  }
0x1f: {  	[sflag:s20] =	ssyncset.done @!p0 $0x0  }
0x20: {  	[sflag:s20] =	ssyncadd.s32 @!p0 $0xFFFF7000  }
0x21: {  	s19 =	simm.s32 $0x0;
	s20 =	simm.s32 $0x0;
	[bflag:$0x0] =	sbarrier.arrive $0xFFFF  }
.LBB2_4:
0x22: {  	s21 =	smul.u32 $0x3E8, s20;
	_ =	sdelay $0x1  }
0x23: {  	s21 =	sadd.s32 s9, s21  }
0x24: {  	s21 =	sshrl.u32 s21, $0x3  }
0x25: {  	s22 =	sadd.s32 s5, s21  }
0x26: {  	[tilespmem:s19], [sflag:$0x2] =	stream.linear.gather [hbm4b:s22+s19], $0x3E8, $0x38;
	[tilespmem:$0x1CAB8] =	vst v63  }
0x27: {  	_ =	swait.ge [sflag:s12], $0x3E8  }
0x28: {  	[sflag:s12] =	ssyncset.done $0x0  }
0x29: {  	s21 =	sadd.s32 s6, s21;
	[sflag:s12] =	ssyncadd.s32 $0xFFFFFC18  }
0x2a: {  	[tilespmem:s13], [sflag:$0x2] =	stream.linear.gather [hbm4b:s21+s19], $0x3E8, $0x38;
	[tilespmem:$0x1CAB8] =	vst v63  }
0x2b: {  	_ =	swait.ge [sflag:s12], $0x3E8  }
0x2c: {  	[sflag:s12] =	ssyncset.done $0x0  }
0x2d: {  	s21 =	simm.s32 $0x0;
	[sflag:s12] =	ssyncadd.s32 $0xFFFFFC18  }
0x2e: {  	[tilespmem:s14], [sflag:$0x1] =	stream.indirect.gather [hbm4b:s4+s13], $0x40, s19, s13, $0xb8;
	[tilespmem:$0x1CAB8] =	vst v63  }
0x2f: {  	s22 =	simm.s32 $0x40;
	v3 =	vld [tilespmem:s21+$0x3E8]  }
.LBB2_5:
0x30: {  	_ =	sdelay $0x1  }
0x31: {  	p1 =	sne.s32 s22, $0xF40  }
.Ltmp1:
0x32: {  	_ = 	snop;
	(pc) =	sbr.rel @p1 .LBB2_5-.Ltmp1, $4  }
0x33: {  	v4 =	vsub.s32 v3, v0  }
0x34: {  	vm0 =	vgt.u32 v4, $0x30FF  }
0x35: {  	s23 =	sshra.s32 s22, $0x2;
	v4 =	vsel vm0, v2, v4  }
0x36: {  	s22 =	sadd.s32 $0x40, s22;
	v3 =	vld [tilespmem:s23+$0x3E8];
	[tilespmem:s21+$0x7D0] =	vst v4;
	s21 =	smov.u32 s23  }
0x37: {  	_ =	sdelay $0x3  }
0x38: {  	v3 =	vsub.s32 v3, v0  }
0x39: {  	vm0 =	vgt.u32 v3, $0x30FF  }
0x3a: {  	v3 =	vsel vm0, v2, v3  }
0x3b: {  	[tilespmem:s21+$0x7D0] =	vst v3  }
0x3c: {  	v3 =	vld [tilespmem:$0x7C0];
	_ =	sdelay $0x4  }
0x3d: {  	v3 =	vsub.s32 v3, v0  }
0x3e: {  	vm15 =	vgt.u32 v3, $0x30FF  }
0x3f: {  	v3 =	vsel vm15, v2, v3  }
0x40: {  	[tilespmem:$0xBA8] =	vst v3  }
0x41: {  	s20 =	sadd.s32 $0x1, s20;
	_ =	swait.ge [sflag:s15], $0xFA00  }
0x42: {  	p1 =	sne.s32 s20, $0x32;
	[sflag:s15] =	ssyncset.done $0x0  }
.Ltmp2:
0x43: {  	[sflag:s15] =	ssyncadd.s32 $0xFFFF0600;
	(pc) =	sbr.rel @p1 .LBB2_4-.Ltmp2, $4  }
0x44: {  	[spmem:s1] =	stream.indirect.scatter.add.f32 [tilespmem:s14], [sflag:$0x2], $0x40, s16, s13, $0xb8;
	[tilespmem:$0x1CAB8] =	vst v63  }
0x45: {  	_ =	swait.ge [sflag:s12], $0xFA00  }
0x46: {  	[sflag:s12] =	ssyncset.done $0x0  }
0x47: {  	[sflag:s12] =	ssyncadd.s32 $0xFFFF0600  }
0x48: {  	s3 =	sadd.s32 $0x1, s3  }
0x49: {  	p1 =	sne.s32 s3, s11  }
.Ltmp3:
0x4a: {  	[bflag:$0x0] =	sbarrier.arrive $0xFFFF;
	s19 =	simm.s32 @!p0 $0x2;
	(pc) =	sbr.rel @p1 .LBB2_1-.Ltmp3, $4  }
0x4b: {  	[hbm:s10], [sflag:s17] =	dma.local @!p0 [spmem:s18], $0x3100  }
0x4c: {  	_ =	swait.ge @!p0 [sflag:s19], $0x3100  }
0x4d: {  	[sflag:s19] =	ssyncset.done @!p0 $0x0  }
0x4e: {  	[sflag:s19] =	ssyncadd.s32 @!p0 $0xFFFFCF00  }
0x4f: {  	_ =	sfence.sel $0x180000  }
0x50: {  	[bflag:$0x0] =	sbarrier.arrive $0xFFFF  }
0x51: {  	p0 =	sne.s32 s2, $0x0;
	_ =	strace $0x90000056  }
0x52: {  	s0 =	sadd.s32 @!p0 $0x100000, s0;
	[bflag:$0x2] =	sbarrier.arrive $0xFFFF  }
0x53: {  	[sflag:s0] =	ssyncadd.tile.s32 @!p0 $0x1;
	_ =	shalt  }
.Lfunc_end2:
_tile_overlayer_lowered:
.L_overlay_start_2:
0x54: {  	(tag) =	ssettag $0x2  }
0x55: {  	s0 =	rddreg [dreg:$0x0];
	s2 =	stileid.u32  }
0x56: {  	s1 =	rddreg [dreg:$0x1];
	p0 =	sne.s32 s2, $0x0  }
0x57: {  	s3 =	rddreg [dreg:$0x2];
	[bflag:$0x3] =	sbarrier.arrive $0xFFFF;
	s2 =	simm.s32 @!p0 $0x1C02  }
0x58: {  	[timem:s3], [sflag:s2] =	dma.local @!p0 [hbm:s0], s1  }
0x59: {  	s0 =	simm.s32 @!p0 $0x2  }
0x5a: {  	_ =	swait.ge @!p0 [sflag:s0], s1  }
0x5b: {  	s1 =	ssub.s32 @!p0 $0x0, s1;
	[sflag:s0] =	ssyncset.done @!p0 $0x0  }
0x5c: {  	[sflag:s0] =	ssyncadd.s32 @!p0 s1  }
0x5d: {  	[bflag:$0x3] =	sbarrier.arrive $0xFFFF  }
0x5e: {  	_ =	shalt  }

// kernel: kernel.29.cloned.1.call-start
scs
__scs_entry_jumppad:
0x0: {  	(pc) =	sbr.rel $0x88, $3  }
0x1: {  	(tag) =	ssettag $0x0;
	lr =	simm.s32 $0x1  }
0x2: {  	[smem:$0x3F87] =	sst lr;
	_ =	strace $0xD0000000  }
0x3: {  	_ = 	snop  }
0x4: {  	_ = 	snop  }
0x5: {  	_ = 	snop  }
0x6: {  	_ = 	snop  }
0x7: {  	_ = 	snop  }
__scs_overlays_trampoline_lowered:
0x8: {  	[smem:$0x3F96] =	sst s0  }
0x9: {  	[smem:$0x3F97] =	sst s1  }
0xa: {  	[smem:$0x3F98] =	sst s2  }
0xb: {  	[smem:$0x3F99] =	sst s3  }
0xc: {  	[smem:$0x3F9A] =	sst s4  }
0xd: {  	[smem:$0x3F9B] =	sst s5  }
0xe: {  	[smem:$0x3F9C] =	sst s6  }
0xf: {  	[smem:$0x3F9D] =	sst s7  }
0x10: {  	[smem:$0x3F9E] =	sst s8  }
0x11: {  	[smem:$0x3F9F] =	sst s9;
	s0 =	simm.s32 @!p0 $0x0  }
0x12: {  	s1 =	sld [smem:$0x3F85];
	s0 =	simm.s32 @p0 $0x1  }
0x13: {  	[smem:$0x3FA0] =	sst s0;
	s0 =	simm.s32 @!p1 $0x0  }
0x14: {  	s2 =	sld [smem:$0x3F84];
	s0 =	simm.s32 @p1 $0x1  }
0x15: {  	[smem:$0x3FA1] =	sst s0;
	s0 =	simm.s32 @!p2 $0x0  }
0x16: {  	s3 =	sld [smem:$0x3FDB];
	s0 =	simm.s32 @p2 $0x1  }
0x17: {  	s4 =	simm.s32 $0x1BF5;
	[smem:$0x3FA3] =	sst s0  }
0x18: {  	s0 =	sld [smem:$0x3F86];
	_ =	swait.ge [sflag:s4], $0x0  }
0x19: {  	s7 =	sld [smem:$0x3F87]  }
0x1a: {  	s8 =	sadd.s32 $0xFFFFE003, lr  }
0x1b: {  	s9 =	sadd.s32 $0xFFFFFEF7, lr;
	s5 =	simm.s32 $0xFFFFFFFF;
	p2 =	slt.u32 s8, $0xFFFFF086  }
0x1c: {  	p1 =	slt.u32 s9, $0xF7A;
	s5 =	simm.s32 @!p2 $0x0  }
0x1d: {  	s5 =	simm.s32 @p1 $0x1;
	p0 =	seq.s32 s7, s2  }
0x1e: {  	s7 =	smul.u32 @!p0 $0xF7A, s2;
	p2 =	seq.s32 @!p0 s5, $0x0  }
0x1f: {  	s9 =	smul.u32 $0xF7A, s1;
	s8 =	simm.s32 @!p0 $0x1BF5;
	p2 =	por !p2, p0  }
0x20: {  	[sflag:s8] =	ssyncset.s32 @!p0 $0xFFFFF086;
	s6 =	sadd.s32 @!p0 s3, s7;
	s7 =	simm.s32 @!p0 $0x108  }
0x21: {  	s3 =	sadd.s32 s3, s9;
	s6 =	sadd.s32 @!p0 $0x88, s6;
	s7 =	simm.s32 @p2 $0x1082  }
0x22: {  	[simem:s7], [sflag:s8] =	dma.local @!p0 [hbm:s6], $0xF7A  }
0x23: {  	s9 =	sor.u32 $0xD0000000, s2;
	s6 =	simm.s32 $0x108;
	_ =	swait.ge @!p0 [sflag:s8], $0x0  }
0x24: {  	s3 =	sadd.s32 $0x88, s3;
	s6 =	simm.s32 @!p1 $0x1082;
	[sflag:s4] =	ssyncset.s32 $0xFFFFF086  }
0x25: {  	[simem:s6], [sflag:s4] =	dma.local [hbm:s3], $0xF7A  }
0x26: {  	[smem:$0x3F87] =	sst s1;
	(tag) =	ssettag s2;
	_ =	strace s9  }
0x27: {  	s1 =	sld [smem:$0x3F97]  }
0x28: {  	s2 =	sld [smem:$0x3F98]  }
0x29: {  	s4 =	sld [smem:$0x3F9A]  }
0x2a: {  	p0 =	seq.s32 s5, $0x0;
	s5 =	sld [smem:$0x3F9B]  }
0x2b: {  	s6 =	sld [smem:$0x3F9C]  }
0x2c: {  	s7 =	sld [smem:$0x3F9D]  }
0x2d: {  	s3 =	simm.s32 $0x108;
	s8 =	sld [smem:$0x3F9E]  }
0x2e: {  	s3 =	simm.s32 @!p0 $0x1082;
	s9 =	sld [smem:$0x3F9F]  }
0x2f: {  	lr =	sadd.s32 s0, s3;
	s0 =	sld [smem:$0x3F96]  }
0x30: {  	s3 =	sld [smem:$0x3F99]  }
0x31: {  	[smem:$0x3FA2] =	sst s10  }
0x32: {  	s10 =	sld [smem:$0x3FA0];
	_ =	sdelay $0x3  }
0x33: {  	p0 =	seq.s32 s10, $0x1;
	s10 =	sld [smem:$0x3FA2];
	_ =	sdelay $0x3  }
0x34: {  	[smem:$0x3FA2] =	sst s10  }
0x35: {  	s10 =	sld [smem:$0x3FA1];
	_ =	sdelay $0x3  }
0x36: {  	p1 =	seq.s32 s10, $0x1;
	s10 =	sld [smem:$0x3FA2];
	_ =	sdelay $0x3  }
0x37: {  	[smem:$0x3FA2] =	sst s10  }
0x38: {  	s10 =	sld [smem:$0x3FA3]  }
0x39: {  	_ = 	snop;
	(pc) =	sbr.ind lr, $3  }
0x3a: {  	_ = 	snop  }
0x3b: {  	_ = 	snop  }
0x3c: {  	p2 =	seq.s32 s10, $0x1;
	s10 =	sld [smem:$0x3FA2]  }
0x3d: {  	_ =	shalt  }
0x3e: {  	_ =	shalt  }
0x3f: {  	_ =	shalt  }
0x40: {  	_ =	shalt  }
0x41: {  	_ =	shalt  }
0x42: {  	_ =	shalt  }
0x43: {  	_ =	shalt  }
0x44: {  	_ =	shalt  }
0x45: {  	_ =	shalt  }
0x46: {  	_ =	shalt  }
0x47: {  	_ =	shalt  }
0x48: {  	_ =	shalt  }
0x49: {  	_ =	shalt  }
0x4a: {  	_ =	shalt  }
0x4b: {  	_ =	shalt  }
0x4c: {  	_ =	shalt  }
0x4d: {  	_ =	shalt  }
0x4e: {  	_ =	shalt  }
0x4f: {  	_ =	shalt  }
0x50: {  	_ =	shalt  }
0x51: {  	_ =	shalt  }
0x52: {  	_ =	shalt  }
0x53: {  	_ =	shalt  }
0x54: {  	_ =	shalt  }
0x55: {  	_ =	shalt  }
0x56: {  	_ =	shalt  }
0x57: {  	_ =	shalt  }
0x58: {  	_ =	shalt  }
0x59: {  	_ =	shalt  }
0x5a: {  	_ =	shalt  }
0x5b: {  	_ =	shalt  }
0x5c: {  	_ =	shalt  }
0x5d: {  	_ =	shalt  }
0x5e: {  	_ =	shalt  }
0x5f: {  	_ =	shalt  }
0x60: {  	_ =	shalt  }
0x61: {  	_ =	shalt  }
0x62: {  	_ =	shalt  }
0x63: {  	_ =	shalt  }
0x64: {  	_ =	shalt  }
0x65: {  	_ =	shalt  }
0x66: {  	_ =	shalt  }
0x67: {  	_ =	shalt  }
0x68: {  	_ =	shalt  }
0x69: {  	_ =	shalt  }
0x6a: {  	_ =	shalt  }
0x6b: {  	_ =	shalt  }
0x6c: {  	_ =	shalt  }
0x6d: {  	_ =	shalt  }
0x6e: {  	_ =	shalt  }
0x6f: {  	_ =	shalt  }
0x70: {  	_ =	shalt  }
0x71: {  	_ =	shalt  }
0x72: {  	_ =	shalt  }
0x73: {  	_ =	shalt  }
0x74: {  	_ =	shalt  }
0x75: {  	_ =	shalt  }
0x76: {  	_ =	shalt  }
0x77: {  	_ =	shalt  }
0x78: {  	_ =	shalt  }
0x79: {  	_ =	shalt  }
0x7a: {  	_ =	shalt  }
0x7b: {  	_ =	shalt  }
0x7c: {  	_ =	shalt  }
0x7d: {  	_ =	shalt  }
0x7e: {  	_ =	shalt  }
0x7f: {  	_ =	shalt  }
0x80: {  	_ =	shalt  }
0x81: {  	_ =	shalt  }
0x82: {  	_ =	shalt  }
0x83: {  	_ =	shalt  }
0x84: {  	_ =	shalt  }
0x85: {  	_ =	shalt  }
0x86: {  	_ =	shalt  }
0x87: {  	_ =	shalt  }
.Lfunc_end0:
.L_simem_size_0:
called_computation.5_lowered:
.L_overlay_start_0:
0x88: {  	s2 =	sld [smem:$0x3FD9]  }
0x89: {  	s3 =	sld [smem:$0x3FFE];
	_ =	sdelay $0x1  }
0x8a: {  	s1 =	srdreg.scid  }
0x8b: {  	s0 =	sand.u32 $0x1, s1  }
0x8c: {  	s17 =	sshll.u32 s0, $0xA;
	s2 =	sadd.s32 s3, s2  }
0x8d: {  	s2 =	sadd.s32 s2, s17  }
0x8e: {  	[smem:$0x3FAE] =	sst s2  }
0x8f: {  	_ = 	snop  }
0x90: {  	(tm) =	ssettm $0x1  }
0x91: {  	s18 =	sld [smem:$0x3FFB];
	_ =	sdelay $0x3  }
0x92: {  	_ =	strace s18  }
0x93: {  	s2 =	sld [smem:$0x3FFC];
	_ =	sdelay $0x3  }
0x94: {  	_ =	strace s2  }
0x95: {  	s2 =	sld [smem:$0x3FFD];
	_ =	sdelay $0x3  }
0x96: {  	_ =	strace s2  }
0x97: {  	_ =	strace $0x8FFFFFFF  }
0x98: {  	s19 =	sld [smem:$0x3FDB];
	_ =	sdelay $0x1  }
0x99: {  	s20 =	simm.s32 $_scs_section_size  }
0x9a: {  	s4 =	simm.s32 $_size__tile_overlayer_lowered;
	s5 =	simm.s32 $_tile_overlayer_lowered  }
0x9b: {  	s6 =	simm.s32 $0x1BFF;
	s21 =	sshll.u32 s5, $0x1;
	s3 =	sadd.s32 s20, s19  }
0x9c: {  	s22 =	simm.s32 $0x0;
	s4 =	sshll.u32 s4, $0x1;
	s5 =	sadd.s32 s21, s3  }
0x9d: {  	[timem:s22], [sflag:s6] =	dma.local [hbm:s5], s4  }
0x9e: {  	_ =	swait.ge [sflag:s6], s4  }
0x9f: {  	s4 =	ssub.s32 $0x0, s4;
	[sflag:s6] =	ssyncset.done $0x0  }
0xa0: {  	[sflag:s6] =	ssyncadd.s32 s4;
	_ =	sdelay $0x1  }
0xa1: {  	s23 =	simm.s32 $0x1B8B  }
0xa2: {  	_ =	swait.ge [sflag:s23], $0x1  }
0xa3: {  	[sflag:s23] =	ssyncset.done $0x0  }
0xa4: {  	[sflag:s23] =	ssyncadd.s32 $0xFFFFFFFF  }
0xa5: {  	s4 =	sld [smem:$0x0]  }
0xa6: {  	s5 =	sand.u32 $0xFFFFFFFE, s1  }
0xa7: {  	p0 =	sne.s32 s1, s5  }
0xa8: {  	s5 =	sshll.u32 @p0 s5, $0xE  }
0xa9: {  	s5 =	sadd.s32 @p0 $0x11B8D, s5;
	s6 =	sshll.u32 @p0 s4, $0x11  }
0xaa: {  	s5 =	sor.u32 @p0 s6, s5  }
0xab: {  	[sflag:s5] =	ssyncadd.remote.s32 @p0 $0x1;
	_ =	sdelay $0x1  }
0xac: {  	s5 =	simm.s32 @p0 $0x1B8D  }
0xad: {  	_ =	swait.eq @p0 [sflag:s5], $0x1  }
0xae: {  	[sflag:s5] =	ssyncadd.s32 @p0 $0xFFFFFFFF  }
0xaf: {  	s6 =	sshll.u32 @!p0 s1, $0xE  }
0xb0: {  	s6 =	sor.u32 @!p0 $0x4000, s6;
	s5 =	simm.s32 @!p0 $0x1B8D  }
0xb1: {  	s4 =	sshll.u32 @!p0 s4, $0x11;
	s6 =	sadd.s32 @!p0 $0x11B8D, s6;
	_ =	swait.eq @!p0 [sflag:s5], $0x1  }
0xb2: {  	s4 =	sor.u32 @!p0 s4, s6;
	[sflag:s5] =	ssyncadd.s32 @!p0 $0xFFFFFFFF  }
0xb3: {  	s25 =	simm.s32 $0x1B8E;
	s24 =	sld [smem:$0x3FFE];
	[sflag:s4] =	ssyncadd.remote.s32 @!p0 $0x1  }
0xb4: {  	s26 =	simm.s32 $execute0_lowered;
	[smem:$0x3FD2] =	sst s25  }
0xb5: {  	s5 =	sshll.u32 s26, $0x1;
	_ =	strace $0x80000052;
	[dreg:$0x1] =	wrdreg $0xFFFFFFFF  }
0xb6: {  	s28 =	simm.s32 $_size_execute0_lowered;
	s3 =	sadd.s32 s3, s5;
	[dreg:$0x0] =	wrdreg $0x0  }
0xb7: {  	s5 =	sshll.u32 s28, $0x1;
	[dreg:$0x2] =	wrdreg s3  }
0xb8: {  	[dreg:$0x3] =	wrdreg s5  }
0xb9: {  	[dreg:$0x4] =	wrdreg $0xC0  }
0xba: {  	_ =	task [dreg:s22], $0x5FFFF  }
0xbb: {  	[dreg:$0x1] =	wrdreg $0xFFFFFFFF  }
0xbc: {  	[dreg:$0x0] =	wrdreg $0x60  }
0xbd: {  	[dreg:$0x2] =	wrdreg s24  }
0xbe: {  	[dreg:$0x3] =	wrdreg $0x105B80  }
0xbf: {  	[dreg:$0x4] =	wrdreg $0xC  }
0xc0: {  	_ =	task.clear_ibuf [dreg:s22], $0x5FFFF;
	_ =	strace $0x90000052  }
0xc1: {  	s29 =	simm.s32 $0xC;
	_ =	strace $0x80000054  }
0xc2: {  	_ =	swait.ge [sflag:s29], $0x1  }
0xc3: {  	[sflag:s29] =	ssyncadd.s32 $0xFFFFFFFF  }
0xc4: {  	_ =	strace $0x90000054  }
0xc5: {  	_ =	sfence  }
0xc6: {  	s30 =	sld [smem:$0x0];
	_ =	sdelay $0x2  }
0xc7: {  	s31 =	sshll.u32 s1, $0xD;
	s1 =	sshrl.u32 s1, $0x2  }
0xc8: {  	s4 =	sand.u32 $0x4000, s31;
	s1 =	sadd.s32 s1, s30  }
0xc9: {  	s0 =	sor.u32 s4, s0;
	s1 =	sshll.u32 s1, $0x11  }
0xca: {  	s0 =	sor.u32 s1, s0  }
0xcb: {  	s0 =	sadd.s32 $0x8F2B, s0  }
0xcc: {  	[sflag:s0] =	ssyncadd.remote.s32 $0x1  }
0xcd: {  	_ =	sfence.sel $0xFFFF  }
0xce: {  	[dreg:$0x0] =	wrdreg $0xFFFFFFFF;
	(pc) =	sbr.abs _section_cstart, $3  }
0xcf: {  	[dreg:$0x1] =	wrdreg $0xFFFFFFFF  }
0xd0: {  	_ =	task.clear_ibuf [dreg:s22], $0x2FFFF;
	_ =	strace $0x9FFFFFFF  }
0xd1: {  	(tm) =	ssettm $0x7FFFFFFF  }
tec
execute0_lowered:
.L_overlay_start_1:
0x0: {  	(tag) =	ssettag $0x1  }
0x1: {  	s8 =	rddreg [dreg:$0x0]  }
0x2: {  	s1 =	rddreg [dreg:$0x1]  }
0x3: {  	s2 =	srdreg.scid;
	s0 =	rddreg [dreg:$0x2]  }
0x4: {  	s3 =	simm.s32 $0x0;
	s7 =	sand.u32 $0x1, s2;
	s2 =	stileid.u32  }
0x5: {  	s15 =	simm.s32 $0x1;
	[smem:$0x7FF] =	sst s3;
	s9 =	smul.u32 $0x18800, s7  }
0x6: {  	s4 =	sadd.s32 $0x2600, s8;
	s5 =	sadd.s32 $0x33600, s8;
	s10 =	smul.u32 $0x3100, s2  }
0x7: {  	s6 =	sadd.s32 $0x4BE00, s8;
	_ =	strace $0x80000053;
	s11 =	smul.u32 $0x62800, s2  }
0x8: {  	s30 =	ssub.s32 $0x2, s7;
	s12 =	smul.u32 $0xFFFFCF00, s7;
	p0 =	sgt.u32 s2, $0x7  }
0x9: {  	s31 =	smul.u32 $0x62000, s2;
	s13 =	sshrl.u32 s30, $0x1;
	s17 =	sshll.u32 @!p0 s2, $0x6  }
0xa: {  	s9 =	sadd.s32 s10, s9;
	s11 =	sshrl.u32 s11, $0x2;
	s13 =	ssub.s32 s30, s13  }
0xb: {  	s16 =	sadd.s32 $0xFFFF9E00, s12;
	s12 =	simm.s32 $0x2;
	s17 =	sor.u32 @!p0 $0x1C02, s17  }
0xc: {  	s7 =	sadd.s32 s11, s1;
	s14 =	sadd.s32 s9, s8;
	s9 =	smul.u32 $0xC350, s2  }
0xd: {  	s11 =	sshrl.u32 s31, $0x2;
	v0 =	vmov s16;
	s16 =	simm.s32 $0x7D0;
	s8 =	sadd.s32 $0xFA00, s7  }
0xe: {  	v2 =	vlaneseq.u32;
	s10 =	sadd.s32 $0x64600, s14;
	s18 =	sadd.s32 s11, s1;
	s11 =	smax.u32 s13, $0x1  }
0xf: {  	v1 =	vimm.f32 $0.0e+00;
	v2 =	vor.u32 $0x3130, v2;
	s13 =	simm.s32 $0x3E8;
	s14 =	simm.s32 $0xBB8;
	s18 =	sshrl.u32 @!p0 s18, $0x3  }
.LBB2_1:
0x10: {  	s20 =	simm.s32 $0x100;
	s19 =	simm.s32 $0x0  }
.LBB2_2:
0x11: {  	p1 =	sne.s32 s20, $0x3E700;
	[tilespmem:s19+$0xBE8] =	vst v1;
	s21 =	smov.u32 s20;
	s20 =	sadd.s32 $0x100, s20  }
.Ltmp0:
0x12: {  	[tilespmem:s19+$0xBD8] =	vst v1;
	(pc) =	sbr.rel @p1 .LBB2_2-.Ltmp0, $3  }
0x13: {  	[tilespmem:s19+$0xBB8] =	vst v1  }
0x14: {  	[tilespmem:s19+$0xBC8] =	vst v1;
	_ =	sdelay $0x1  }
0x15: {  	s19 =	sshra.s32 s21, $0x2  }
0x16: {  	[tilespmem:s19+$0xBE8] =	vst v1  }
0x17: {  	[tilespmem:s19+$0xBD8] =	vst v1  }
0x18: {  	[tilespmem:s19+$0xBB8] =	vst v1  }
0x19: {  	[tilespmem:s19+$0xBC8] =	vst v1;
	s19 =	simm.s32 @!p0 $0xBB8;
	s20 =	simm.s32 @!p0 $0x2  }
0x1a: {  	[spmem:s7] =	stream.linear.scatter @!p0 [tilespmem:s19], [sflag:$0x2], $0xFA00, $0x38;
	[tilespmem:$0x1CAB8] =	vst v63  }
0x1b: {  	_ =	swait.ge @!p0 [sflag:s20], $0xFA00  }
0x1c: {  	[sflag:s20] =	ssyncset.done @!p0 $0x0  }
0x1d: {  	[sflag:s20] =	ssyncadd.s32 @!p0 $0xFFFF0600  }
0x1e: {  	[spmem:s8] =	stream.linear.scatter @!p0 [tilespmem:s19], [sflag:$0x2], $0x9000, $0x38;
	[tilespmem:$0x1CAB8] =	vst v63  }
0x1f: {  	_ =	swait.ge @!p0 [sflag:s20], $0x9000  }
0x20: {  	[sflag:s20] =	ssyncset.done @!p0 $0x0  }
0x21: {  	[sflag:s20] =	ssyncadd.s32 @!p0 $0xFFFF7000  }
0x22: {  	s19 =	simm.s32 $0x0;
	s20 =	simm.s32 $0x0;
	[bflag:$0x0] =	sbarrier.arrive $0xFFFF  }
.LBB2_4:
0x23: {  	s21 =	smul.u32 $0x3E8, s20;
	_ =	sdelay $0x1  }
0x24: {  	s21 =	sadd.s32 s9, s21  }
0x25: {  	s21 =	sshrl.u32 s21, $0x3  }
0x26: {  	s22 =	sadd.s32 s5, s21  }
0x27: {  	[tilespmem:s19], [sflag:$0x2] =	stream.linear.gather [hbm4b:s22+s19], $0x3E8, $0x38;
	[tilespmem:$0x1CAB8] =	vst v63  }
0x28: {  	_ =	swait.ge [sflag:s12], $0x3E8  }
0x29: {  	[sflag:s12] =	ssyncset.done $0x0  }
0x2a: {  	s21 =	sadd.s32 s6, s21;
	[sflag:s12] =	ssyncadd.s32 $0xFFFFFC18  }
0x2b: {  	[tilespmem:s13], [sflag:$0x2] =	stream.linear.gather [hbm4b:s21+s19], $0x3E8, $0x38;
	[tilespmem:$0x1CAB8] =	vst v63  }
0x2c: {  	_ =	swait.ge [sflag:s12], $0x3E8  }
0x2d: {  	[sflag:s12] =	ssyncset.done $0x0  }
0x2e: {  	s21 =	simm.s32 $0x0;
	[sflag:s12] =	ssyncadd.s32 $0xFFFFFC18  }
0x2f: {  	[tilespmem:s14], [sflag:$0x1] =	stream.indirect.gather [hbm4b:s4+s13], $0x40, s19, s13, $0xb8;
	[tilespmem:$0x1CAB8] =	vst v63  }
0x30: {  	s22 =	simm.s32 $0x40;
	v3 =	vld [tilespmem:s21+$0x3E8]  }
.LBB2_5:
0x31: {  	_ =	sdelay $0x1  }
0x32: {  	p1 =	sne.s32 s22, $0xF40  }
.Ltmp1:
0x33: {  	_ = 	snop;
	(pc) =	sbr.rel @p1 .LBB2_5-.Ltmp1, $4  }
0x34: {  	v4 =	vadd.s32 v0, v3  }
0x35: {  	vm0 =	vgt.u32 v4, $0x30FF  }
0x36: {  	s23 =	sshra.s32 s22, $0x2;
	v4 =	vsel vm0, v2, v4  }
0x37: {  	s22 =	sadd.s32 $0x40, s22;
	v3 =	vld [tilespmem:s23+$0x3E8];
	[tilespmem:s21+$0x7D0] =	vst v4;
	s21 =	smov.u32 s23  }
0x38: {  	_ =	sdelay $0x3  }
0x39: {  	v3 =	vadd.s32 v0, v3  }
0x3a: {  	vm0 =	vgt.u32 v3, $0x30FF  }
0x3b: {  	v3 =	vsel vm0, v2, v3  }
0x3c: {  	[tilespmem:s21+$0x7D0] =	vst v3  }
0x3d: {  	v3 =	vld [tilespmem:$0x7C0];
	_ =	sdelay $0x4  }
0x3e: {  	v3 =	vadd.s32 v0, v3  }
0x3f: {  	vm15 =	vgt.u32 v3, $0x30FF  }
0x40: {  	v3 =	vsel vm15, v2, v3  }
0x41: {  	[tilespmem:$0xBA8] =	vst v3  }
0x42: {  	s20 =	sadd.s32 $0x1, s20;
	_ =	swait.ge [sflag:s15], $0xFA00  }
0x43: {  	p1 =	sne.s32 s20, $0x32;
	[sflag:s15] =	ssyncset.done $0x0  }
.Ltmp2:
0x44: {  	[sflag:s15] =	ssyncadd.s32 $0xFFFF0600;
	(pc) =	sbr.rel @p1 .LBB2_4-.Ltmp2, $4  }
0x45: {  	[spmem:s1] =	stream.indirect.scatter.add.f32 [tilespmem:s14], [sflag:$0x2], $0x40, s16, s13, $0xb8;
	[tilespmem:$0x1CAB8] =	vst v63  }
0x46: {  	_ =	swait.ge [sflag:s12], $0xFA00  }
0x47: {  	[sflag:s12] =	ssyncset.done $0x0  }
0x48: {  	[sflag:s12] =	ssyncadd.s32 $0xFFFF0600  }
0x49: {  	s3 =	sadd.s32 $0x1, s3  }
0x4a: {  	p1 =	sne.s32 s3, s11  }
.Ltmp3:
0x4b: {  	[bflag:$0x0] =	sbarrier.arrive $0xFFFF;
	s19 =	simm.s32 @!p0 $0x2;
	(pc) =	sbr.rel @p1 .LBB2_1-.Ltmp3, $4  }
0x4c: {  	[hbm:s10], [sflag:s17] =	dma.local @!p0 [spmem:s18], $0x3100  }
0x4d: {  	_ =	swait.ge @!p0 [sflag:s19], $0x3100  }
0x4e: {  	[sflag:s19] =	ssyncset.done @!p0 $0x0  }
0x4f: {  	[sflag:s19] =	ssyncadd.s32 @!p0 $0xFFFFCF00  }
0x50: {  	_ =	sfence.sel $0x180000  }
0x51: {  	[bflag:$0x0] =	sbarrier.arrive $0xFFFF  }
0x52: {  	p0 =	sne.s32 s2, $0x0;
	_ =	strace $0x90000053  }
0x53: {  	s0 =	sadd.s32 @!p0 $0x100000, s0;
	[bflag:$0x2] =	sbarrier.arrive $0xFFFF  }
0x54: {  	[sflag:s0] =	ssyncadd.tile.s32 @!p0 $0x1;
	_ =	shalt  }
.Lfunc_end2:
_tile_overlayer_lowered:
.L_overlay_start_2:
0x55: {  	(tag) =	ssettag $0x2  }
0x56: {  	s0 =	rddreg [dreg:$0x0];
	s2 =	stileid.u32  }
0x57: {  	s1 =	rddreg [dreg:$0x1];
	p0 =	sne.s32 s2, $0x0  }
0x58: {  	s3 =	rddreg [dreg:$0x2];
	[bflag:$0x3] =	sbarrier.arrive $0xFFFF;
	s2 =	simm.s32 @!p0 $0x1C02  }
0x59: {  	[timem:s3], [sflag:s2] =	dma.local @!p0 [hbm:s0], s1  }
0x5a: {  	s0 =	simm.s32 @!p0 $0x2  }
0x5b: {  	_ =	swait.ge @!p0 [sflag:s0], s1  }
0x5c: {  	s1 =	ssub.s32 @!p0 $0x0, s1;
	[sflag:s0] =	ssyncset.done @!p0 $0x0  }
0x5d: {  	[sflag:s0] =	ssyncadd.s32 @!p0 s1  }
0x5e: {  	[bflag:$0x3] =	sbarrier.arrive $0xFFFF  }
0x5f: {  	_ =	shalt  }

</sc_bundles>
